<compile_context>
chip_gen: v7x
topology: tpu7x:2x2x1
jax: 0.10.2.dev20260603
libtpu: 0.0.44.dev20260713+nightly
codegen_flags: <defaults>
</compile_context>

<pallas_src>
import functools

import jax
import jax.numpy as jnp
import numpy as np
from jax import lax
from jax.experimental import pallas as pl
from jax.experimental.pallas import tpu as pltpu
from jax.experimental.pallas import tpu_sc as plsc



def _pack(y):
    d = y.shape[1]
    u = lax.bitcast_convert_type(
        y.astype(jnp.bfloat16), jnp.uint16).astype(jnp.int32)
    return u[:, :d // 2] | (u[:, d // 2:] << 16)


def _node_transform_body(x0_ref, x1_ref, w0_ref, w1_ref, b0_ref, b1_ref,
                         y0_ref, y1_ref):
    y0_ref[...] = _pack(
        jnp.dot(x0_ref[...], w0_ref[...], preferred_element_type=jnp.float32)
        + b0_ref[...])
    y1_ref[...] = _pack(
        jnp.dot(x1_ref[...], w1_ref[...], preferred_element_type=jnp.float32)
        + b1_ref[...])


def _node_transform(x0, x1, W0, b0, W1, b1):
    n, d = x0.shape
    grid = 2
    rows = n // grid
    row_spec = pl.BlockSpec((rows, d), lambda i: (i, 0))
    full_spec = pl.BlockSpec((d, d), lambda i: (0, 0))
    bias_spec = pl.BlockSpec((1, d), lambda i: (0, 0))
    packed_spec = pl.BlockSpec((rows, d // 2), lambda i: (i, 0))
    return pl.pallas_call(
        _node_transform_body,
        grid=(grid,),
        in_specs=[row_spec, row_spec, full_spec, full_spec, bias_spec,
                  bias_spec],
        out_specs=[packed_spec, packed_spec],
        out_shape=[
            jax.ShapeDtypeStruct((n, d // 2), jnp.int32),
            jax.ShapeDtypeStruct((n, d // 2), jnp.int32),
        ],
    )(x0, x1, W0, W1, b0.reshape(1, d), b1.reshape(1, d))



_CHUNK = 128
_NSLOT = 3


def _make_gather_add(E, D):
    info = plsc.get_sparse_core_info()
    nw = info.num_cores * info.num_subcores
    e_per_w = E // nw
    assert e_per_w * nw == E and e_per_w % 8 == 0
    n_full = e_per_w // _CHUNK
    tail = e_per_w - n_full * _CHUNK
    assert tail % 8 == 0
    dw = D // 2
    n_steps = n_full + 2
    n_outer = (n_steps + _NSLOT - 1) // _NSLOT
    mesh = plsc.VectorSubcoreMesh(core_axis_name="c", subcore_axis_name="s")

    @functools.partial(
        pl.kernel,
        mesh=mesh,
        out_type=jax.ShapeDtypeStruct((E, D), jnp.float32),
        compiler_params=pltpu.CompilerParams(use_tc_tiling_on_sc=False),
        scratch_types=(
            [pltpu.VMEM((e_per_w,), jnp.int32)] * 2
            + [pltpu.VMEM((_CHUNK, dw), jnp.int32)] * (2 * _NSLOT)
            + [pltpu.VMEM((_CHUNK, D), jnp.float32)] * _NSLOT
            + [pltpu.SemaphoreType.DMA] * (3 * _NSLOT)
        ),
    )
    def gather_add(y0_hbm, y1_hbm, src0_hbm, src1_hbm, out_hbm,
                   i0_all, i1_all, *bufs_and_sems):
        rbuf0 = bufs_and_sems[:_NSLOT]
        rbuf1 = bufs_and_sems[_NSLOT:2 * _NSLOT]
        wbuf = bufs_and_sems[2 * _NSLOT:3 * _NSLOT]
        sem_g0 = bufs_and_sems[3 * _NSLOT:4 * _NSLOT]
        sem_g1 = bufs_and_sems[4 * _NSLOT:5 * _NSLOT]
        sem_w = bufs_and_sems[5 * _NSLOT:6 * _NSLOT]
        wid = lax.axis_index("s") * info.num_cores + lax.axis_index("c")
        base = wid * e_per_w

        pltpu.sync_copy(src0_hbm.at[pl.ds(base, e_per_w)], i0_all)
        pltpu.sync_copy(src1_hbm.at[pl.ds(base, e_per_w)], i1_all)

        def idx0(c):
            return i0_all.at[pl.ds(c * _CHUNK, _CHUNK)]

        def idx1(c):
            return i1_all.at[pl.ds(c * _CHUNK, _CHUNK)]

        def out_slice(c):
            return out_hbm.at[pl.ds(base + c * _CHUNK, _CHUNK)]

        def expand_add(rb0, rb1, wb, count):
            mask = jnp.int32(-65536)

            @plsc.parallel_loop(0, count, unroll=8)
            def _(r):
                for q in range(D // 32):
                    w0 = rb0[r, pl.ds(16 * q, 16)]
                    w1 = rb1[r, pl.ds(16 * q, 16)]
                    lo = (lax.bitcast_convert_type(w0 << 16, jnp.float32)
                          + lax.bitcast_convert_type(w1 << 16, jnp.float32))
                    hi = (lax.bitcast_convert_type(w0 & mask, jnp.float32)
                          + lax.bitcast_convert_type(w1 & mask, jnp.float32))
                    wb[r, pl.ds(32 * q, 16)] = lo
                    wb[r, pl.ds(32 * q + 16, 16)] = hi

        def step(outer, k):
            c2 = outer * _NSLOT + k
            cA = c2
            cC = c2 - 2
            bA = k
            bC = (k - 2) % _NSLOT

            @pl.when(jnp.logical_and(cC >= 0, cC < n_full))
            def _():
                pltpu.make_async_copy(
                    y0_hbm.at[idx0(cC)], rbuf0[bC], sem_g0[bC]).wait()
                pltpu.make_async_copy(
                    y1_hbm.at[idx1(cC)], rbuf1[bC], sem_g1[bC]).wait()

                @pl.when(cC >= _NSLOT)
                def _():
                    pltpu.make_async_copy(
                        wbuf[bC], out_slice(cC - _NSLOT), sem_w[bC]).wait()

                expand_add(rbuf0[bC], rbuf1[bC], wbuf[bC], _CHUNK)
                pltpu.async_copy(wbuf[bC], out_slice(cC), sem_w[bC])

            @pl.when(cA < n_full)
            def _():
                pltpu.async_copy(y0_hbm.at[idx0(cA)], rbuf0[bA], sem_g0[bA])
                pltpu.async_copy(y1_hbm.at[idx1(cA)], rbuf1[bA], sem_g1[bA])

        def outer_body(outer, carry):
            for k in range(_NSLOT):
                step(outer, k)
            return carry

        lax.fori_loop(0, n_outer, outer_body, 0)

        for j in range(_NSLOT):
            c = n_full - _NSLOT + j
            pltpu.make_async_copy(
                wbuf[c % _NSLOT], out_slice(c), sem_w[c % _NSLOT]).wait()

        if tail:
            off = n_full * _CHUNK
            ti0 = i0_all.at[pl.ds(off, tail)]
            ti1 = i1_all.at[pl.ds(off, tail)]
            tb0 = rbuf0[0].at[pl.ds(0, tail)]
            tb1 = rbuf1[0].at[pl.ds(0, tail)]
            cp0 = pltpu.async_copy(y0_hbm.at[ti0], tb0, sem_g0[0])
            cp1 = pltpu.async_copy(y1_hbm.at[ti1], tb1, sem_g1[0])
            cp0.wait()
            cp1.wait()
            expand_add(rbuf0[0], rbuf1[0], wbuf[0], tail)
            pltpu.sync_copy(wbuf[0].at[pl.ds(0, tail)],
                            out_hbm.at[pl.ds(base + off, tail)])

    return gather_add


def _col_perm(d):
    perm = np.empty(d, dtype=np.int32)
    for j in range(d // 2):
        perm[j] = 32 * (j // 16) + j % 16
        perm[d // 2 + j] = 32 * (j // 16) + 16 + j % 16
    return perm


def kernel(x0, x1, src0, src1, W0, b0, W1, b1):
    D = x0.shape[1]
    perm = _col_perm(D)
    y0, y1 = _node_transform(
        x0, x1, W0[:, perm], b0[perm], W1[:, perm], b1[perm])
    E = src0.shape[0]
    return _make_gather_add(E, D)(y0, y1, src0, src1)

# --- scband reference (transcript-rebuilt; emitter-appended) ---
"""Pipeline reference for scband-final-op-on-edge-69312182223242 (READ-ONLY COPY).

The authoritative reference and input builder live on the scoring server;
editing this copy changes nothing except your own understanding.
"""

import jax, jax.numpy as jnp
import numpy as np

N, E, D = 10000, 160000, 128

def setup_inputs(seed: int = 0) -> dict:
    key = jax.random.key(seed)
    ks = jax.random.split(key, 6)
    x0 = jax.random.normal(ks[0], (N, D), dtype=jnp.float32)
    x1 = jax.random.normal(ks[1], (N, D), dtype=jnp.float32)
    src0 = jax.random.randint(ks[2], (E,), 0, N, dtype=jnp.int32)
    src1 = jax.random.randint(ks[3], (E,), 0, N, dtype=jnp.int32)
    W0 = jax.random.normal(ks[4], (D, D), dtype=jnp.float32) * (1.0 / np.sqrt(D))
    b0 = jnp.zeros((D,), dtype=jnp.float32)
    W1 = jax.random.normal(ks[5], (D, D), dtype=jnp.float32) * (1.0 / np.sqrt(D))
    b1 = jnp.zeros((D,), dtype=jnp.float32)
    return {"x0": x0, "x1": x1, "src0": src0, "src1": src1,
            "W0": W0, "b0": b0, "W1": W1, "b1": b1}

def reference(x0, x1, src0, src1, W0, b0, W1, b1):
    # select: gather source-node features per relation onto edges
    #   from_nodes = ["0", "1"]; features_list = [x0[src0], x1[src1]]
    f0 = jnp.take(x0, src0, axis=0)
    f1 = jnp.take(x1, src1, axis=0)
    # edge_ops: per-source-node-type Linear transform on edge features
    m0 = f0 @ W0 + b0
    m1 = f1 @ W1 + b1
    # aggregation_op: elementwise sum over the transformed features list
    return m0 + m1

if __name__ == "__main__":
    import jax
    _d = setup_inputs()
    print(jax.jit(kernel)(*tuple(_d.values())))

</pallas_src>

<mosaic_0001>
#map = affine_map<(d0, d1) -> (0, 0)>
#map1 = affine_map<(d0, d1) -> (0)>
module attributes {stable_mosaic.version = 14 : i64} {
  func.func @gather_add(%arg0: i32, %arg1: i32, %arg2: memref<10000x64xi32, #tpu.memory_space<hbm>>, %arg3: memref<10000x64xi32, #tpu.memory_space<hbm>>, %arg4: memref<160000xi32, #tpu.memory_space<hbm>>, %arg5: memref<160000xi32, #tpu.memory_space<hbm>>, %arg6: memref<160000x128xf32, #tpu.memory_space<hbm>>, %arg7: memref<5000xi32, #tpu.memory_space<vmem>>, %arg8: memref<5000xi32, #tpu.memory_space<vmem>>, %arg9: memref<128x64xi32, #tpu.memory_space<vmem>>, %arg10: memref<128x64xi32, #tpu.memory_space<vmem>>, %arg11: memref<128x64xi32, #tpu.memory_space<vmem>>, %arg12: memref<128x64xi32, #tpu.memory_space<vmem>>, %arg13: memref<128x64xi32, #tpu.memory_space<vmem>>, %arg14: memref<128x64xi32, #tpu.memory_space<vmem>>, %arg15: memref<128x128xf32, #tpu.memory_space<vmem>>, %arg16: memref<128x128xf32, #tpu.memory_space<vmem>>, %arg17: memref<128x128xf32, #tpu.memory_space<vmem>>, %arg18: memref<!tpu.dma_semaphore, #tpu.memory_space<semaphore_mem>>, %arg19: memref<!tpu.dma_semaphore, #tpu.memory_space<semaphore_mem>>, %arg20: memref<!tpu.dma_semaphore, #tpu.memory_space<semaphore_mem>>, %arg21: memref<!tpu.dma_semaphore, #tpu.memory_space<semaphore_mem>>, %arg22: memref<!tpu.dma_semaphore, #tpu.memory_space<semaphore_mem>>, %arg23: memref<!tpu.dma_semaphore, #tpu.memory_space<semaphore_mem>>, %arg24: memref<!tpu.dma_semaphore, #tpu.memory_space<semaphore_mem>>, %arg25: memref<!tpu.dma_semaphore, #tpu.memory_space<semaphore_mem>>, %arg26: memref<!tpu.dma_semaphore, #tpu.memory_space<semaphore_mem>>) attributes {dimension_semantics = [#tpu.dimension_semantics<core_parallel>, #tpu.dimension_semantics<subcore_parallel>], iteration_bounds = array<i64: 2, 16>, scalar_prefetch = 0 : i64, scratch_operands = 20 : i64, tpu.core_type = #tpu.core_type<sc_vector_subcore>, window_params = [{transform_indices = #map}, {transform_indices = #map}, {transform_indices = #map1}, {transform_indices = #map1}, {transform_indices = #map}]} {
    %mul3A = arith.constant 2 : i32
    %mul3A_0 = arith.muli %arg1, %mul3A : i32
    %add3A = arith.addi %mul3A_0, %arg0 : i32
    %mul3A_1 = arith.constant 5000 : i32
    %mul3A_2 = arith.muli %add3A, %mul3A_1 : i32
    "tpu.region"() ({
      %run_scoped3A = tpu.sem_alloc : memref<!tpu.dma_semaphore, #tpu.memory_space<semaphore_mem>>
      %dma_start3A_61 = tpu.memref_slice %arg4[%mul3A_2] : memref<160000xi32, #tpu.memory_space<hbm>> -> memref<5000xi32, #tpu.memory_space<hbm>>
      %dma_start3A_62 = tpu.memref_slice %arg4[%mul3A_2] : memref<160000xi32, #tpu.memory_space<hbm>> -> memref<5000xi32, #tpu.memory_space<hbm>>
      tpu.enqueue_dma source(%dma_start3A_62 : memref<5000xi32, #tpu.memory_space<hbm>>) target(%arg7 : memref<5000xi32, #tpu.memory_space<vmem>>) target_semaphore(%run_scoped3A : memref<!tpu.dma_semaphore, #tpu.memory_space<semaphore_mem>>)
      %dma_wait3A_63 = tpu.memref_slice %arg4[%mul3A_2] : memref<160000xi32, #tpu.memory_space<hbm>> -> memref<5000xi32, #tpu.memory_space<hbm>>
      %dma_wait3A_64 = tpu.memref_slice %arg4[%mul3A_2] : memref<160000xi32, #tpu.memory_space<hbm>> -> memref<5000xi32, #tpu.memory_space<hbm>>
      tpu.wait_dma2 semaphore(%run_scoped3A : memref<!tpu.dma_semaphore, #tpu.memory_space<semaphore_mem>>) src(%dma_wait3A_64 : memref<5000xi32, #tpu.memory_space<hbm>>) dst(%arg7 : memref<5000xi32, #tpu.memory_space<vmem>>)
      tpu.yield
    }) : () -> ()
    "tpu.region"() ({
      %run_scoped3A = tpu.sem_alloc : memref<!tpu.dma_semaphore, #tpu.memory_space<semaphore_mem>>
      %dma_start3A_61 = tpu.memref_slice %arg5[%mul3A_2] : memref<160000xi32, #tpu.memory_space<hbm>> -> memref<5000xi32, #tpu.memory_space<hbm>>
      %dma_start3A_62 = tpu.memref_slice %arg5[%mul3A_2] : memref<160000xi32, #tpu.memory_space<hbm>> -> memref<5000xi32, #tpu.memory_space<hbm>>
      tpu.enqueue_dma source(%dma_start3A_62 : memref<5000xi32, #tpu.memory_space<hbm>>) target(%arg8 : memref<5000xi32, #tpu.memory_space<vmem>>) target_semaphore(%run_scoped3A : memref<!tpu.dma_semaphore, #tpu.memory_space<semaphore_mem>>)
      %dma_wait3A_63 = tpu.memref_slice %arg5[%mul3A_2] : memref<160000xi32, #tpu.memory_space<hbm>> -> memref<5000xi32, #tpu.memory_space<hbm>>
      %dma_wait3A_64 = tpu.memref_slice %arg5[%mul3A_2] : memref<160000xi32, #tpu.memory_space<hbm>> -> memref<5000xi32, #tpu.memory_space<hbm>>
      tpu.wait_dma2 semaphore(%run_scoped3A : memref<!tpu.dma_semaphore, #tpu.memory_space<semaphore_mem>>) src(%dma_wait3A_64 : memref<5000xi32, #tpu.memory_space<hbm>>) dst(%arg8 : memref<5000xi32, #tpu.memory_space<vmem>>)
      tpu.yield
    }) : () -> ()
    %scan3A = arith.constant 0 : i32
    %scan3A_3 = arith.constant 0 : i32
    %scan3A_4 = arith.constant 14 : i32
    %scan3A_5 = arith.addi %scan3A_3, %scan3A_4 : i32
    %scan3A_6 = arith.constant 1 : i32
    scf.for %scan3A_61 = %scan3A_3 to %scan3A_5 step %scan3A_6  : i32 {
      %mul3A_62 = arith.constant 3 : i32
      %mul3A_63 = arith.muli %scan3A_61, %mul3A_62 : i32
      %add3A_64 = arith.constant 0 : i32
      %add3A_65 = arith.addi %mul3A_63, %add3A_64 : i32
      %sub3A = arith.constant 2 : i32
      %sub3A_66 = arith.subi %add3A_65, %sub3A : i32
      %ge3A = arith.constant 0 : i32
      %ge3A_67 = arith.cmpi sge, %sub3A_66, %ge3A : i32
      %lt3A = arith.constant 39 : i32
      %lt3A_68 = arith.cmpi slt, %sub3A_66, %lt3A : i32
      %and3A = arith.andi %ge3A_67, %lt3A_68 : i1
      %convert_element_type3A = arith.extui %and3A : i1 to i32
      %cond3A = arith.constant 0 : i32
      %cond3A_69 = arith.cmpi ne, %convert_element_type3A, %cond3A : i32
      scf.if %cond3A_69 {
        %mul3A_113 = arith.constant 128 : i32
        %mul3A_114 = arith.muli %sub3A_66, %mul3A_113 : i32
        %dma_wait3A_115 = tpu.memref_slice %arg7[%mul3A_114] : memref<5000xi32, #tpu.memory_space<vmem>> -> memref<128xi32, #tpu.memory_space<vmem>>
        %dma_wait3A_116 = arith.constant 0 : i32
        %dma_wait3A_117 = arith.constant 0 : i32
        %dma_wait3A_118 = tpu.memref_slice %arg2[%dma_wait3A_116, %dma_wait3A_117] : memref<10000x64xi32, #tpu.memory_space<hbm>> -> memref<10000x64xi32, #tpu.memory_space<hbm>>
        tpu.wait_indirect_dma semaphore(%arg19 : memref<!tpu.dma_semaphore, #tpu.memory_space<semaphore_mem>>) src(%dma_wait3A_118 : memref<10000x64xi32, #tpu.memory_space<hbm>>) dst(%arg10 : memref<128x64xi32, #tpu.memory_space<vmem>>)
        %mul3A_119 = arith.constant 128 : i32
        %mul3A_120 = arith.muli %sub3A_66, %mul3A_119 : i32
        %dma_wait3A_121 = tpu.memref_slice %arg8[%mul3A_120] : memref<5000xi32, #tpu.memory_space<vmem>> -> memref<128xi32, #tpu.memory_space<vmem>>
        %dma_wait3A_122 = arith.constant 0 : i32
        %dma_wait3A_123 = arith.constant 0 : i32
        %dma_wait3A_124 = tpu.memref_slice %arg3[%dma_wait3A_122, %dma_wait3A_123] : memref<10000x64xi32, #tpu.memory_space<hbm>> -> memref<10000x64xi32, #tpu.memory_space<hbm>>
        tpu.wait_indirect_dma semaphore(%arg22 : memref<!tpu.dma_semaphore, #tpu.memory_space<semaphore_mem>>) src(%dma_wait3A_124 : memref<10000x64xi32, #tpu.memory_space<hbm>>) dst(%arg13 : memref<128x64xi32, #tpu.memory_space<vmem>>)
        %ge3A_125 = arith.constant 3 : i32
        %ge3A_126 = arith.cmpi sge, %sub3A_66, %ge3A_125 : i32
        %convert_element_type3A_127 = arith.extui %ge3A_126 : i1 to i32
        %cond3A_128 = arith.constant 0 : i32
        %cond3A_129 = arith.cmpi ne, %convert_element_type3A_127, %cond3A_128 : i32
        scf.if %cond3A_129 {
          %sub3A_141 = arith.constant 3 : i32
          %sub3A_142 = arith.subi %sub3A_66, %sub3A_141 : i32
          %mul3A_143 = arith.constant 128 : i32
          %mul3A_144 = arith.muli %sub3A_142, %mul3A_143 : i32
          %add3A_145 = arith.addi %mul3A_2, %mul3A_144 : i32
          %dma_wait3A_146 = arith.constant 0 : i32
          %dma_wait3A_147 = tpu.memref_slice %arg6[%add3A_145, %dma_wait3A_146] : memref<160000x128xf32, #tpu.memory_space<hbm>> -> memref<128x128xf32, #tpu.memory_space<hbm>>
          %dma_wait3A_148 = arith.constant 0 : i32
          %dma_wait3A_149 = tpu.memref_slice %arg6[%add3A_145, %dma_wait3A_148] : memref<160000x128xf32, #tpu.memory_space<hbm>> -> memref<128x128xf32, #tpu.memory_space<hbm>>
          tpu.wait_dma2 semaphore(%arg25 : memref<!tpu.dma_semaphore, #tpu.memory_space<semaphore_mem>>) src(%arg16 : memref<128x128xf32, #tpu.memory_space<vmem>>) dst(%dma_wait3A_149 : memref<128x128xf32, #tpu.memory_space<hbm>>)
        } else {
        }
        %parallel_loop3A_130 = arith.constant 0 : i32
        %parallel_loop3A_131 = arith.constant 128 : i32
        %parallel_loop3A_132 = arith.constant 1 : i32
        %parallel_loop3A_133 = arith.constant -65536 : i32
        scf.for %parallel_loop3A_141 = %parallel_loop3A_130 to %parallel_loop3A_131 step %parallel_loop3A_132  : i32 {
          %parallel_loop3A_142 = arith.index_cast %parallel_loop3A_141 : i32 to index
          %parallel_loop3A_143 = arith.constant 0 : index
          %parallel_loop3A_144 = tpu.vector_load %arg10[%parallel_loop3A_142, %parallel_loop3A_143] {strides = array<i32>} : memref<128x64xi32, #tpu.memory_space<vmem>>, vector<1x16xi32>,
          %parallel_loop3A_145 = vector.shape_cast %parallel_loop3A_144 : vector<1x16xi32> to vector<16xi32>
          %parallel_loop3A_146 = arith.index_cast %parallel_loop3A_141 : i32 to index
          %parallel_loop3A_147 = arith.constant 0 : index
          %parallel_loop3A_148 = tpu.vector_load %arg13[%parallel_loop3A_146, %parallel_loop3A_147] {strides = array<i32>} : memref<128x64xi32, #tpu.memory_space<vmem>>, vector<1x16xi32>,
          %parallel_loop3A_149 = vector.shape_cast %parallel_loop3A_148 : vector<1x16xi32> to vector<16xi32>
          %parallel_loop3A_150 = arith.constant 16 : i32
          %parallel_loop3A_151 = vector.broadcast %parallel_loop3A_150 : i32 to vector<16xi32>
          %parallel_loop3A_152 = arith.shli %parallel_loop3A_145, %parallel_loop3A_151 : vector<16xi32>
          %parallel_loop3A_153 = tpu.bitcast %parallel_loop3A_152 : vector<16xi32> -> vector<16xf32>
          %parallel_loop3A_154 = arith.constant 16 : i32
          %parallel_loop3A_155 = vector.broadcast %parallel_loop3A_154 : i32 to vector<16xi32>
          %parallel_loop3A_156 = arith.shli %parallel_loop3A_149, %parallel_loop3A_155 : vector<16xi32>
          %parallel_loop3A_157 = tpu.bitcast %parallel_loop3A_156 : vector<16xi32> -> vector<16xf32>
          %parallel_loop3A_158 = arith.addf %parallel_loop3A_153, %parallel_loop3A_157 : vector<16xf32>
          %parallel_loop3A_159 = vector.broadcast %parallel_loop3A_133 : i32 to vector<16xi32>
          %parallel_loop3A_160 = arith.andi %parallel_loop3A_145, %parallel_loop3A_159 : vector<16xi32>
          %parallel_loop3A_161 = tpu.bitcast %parallel_loop3A_160 : vector<16xi32> -> vector<16xf32>
          %parallel_loop3A_162 = vector.broadcast %parallel_loop3A_133 : i32 to vector<16xi32>
          %parallel_loop3A_163 = arith.andi %parallel_loop3A_149, %parallel_loop3A_162 : vector<16xi32>
          %parallel_loop3A_164 = tpu.bitcast %parallel_loop3A_163 : vector<16xi32> -> vector<16xf32>
          %parallel_loop3A_165 = arith.addf %parallel_loop3A_161, %parallel_loop3A_164 : vector<16xf32>
          %parallel_loop3A_166 = arith.index_cast %parallel_loop3A_141 : i32 to index
          %parallel_loop3A_167 = arith.constant 0 : index
          %parallel_loop3A_168 = tpu.vector_load %arg16[%parallel_loop3A_166, %parallel_loop3A_167] {strides = array<i32>} : memref<128x128xf32, #tpu.memory_space<vmem>>, vector<1x16xf32>,
          %parallel_loop3A_169 = vector.shape_cast %parallel_loop3A_168 : vector<1x16xf32> to vector<16xf32>
          %parallel_loop3A_170 = vector.shape_cast %parallel_loop3A_158 : vector<16xf32> to vector<1x16xf32>
          tpu.vector_store %arg16[%parallel_loop3A_166, %parallel_loop3A_167], %parallel_loop3A_170 {strides = array<i32>} : memref<128x128xf32, #tpu.memory_space<vmem>>, vector<1x16xf32>,
          %parallel_loop3A_171 = arith.index_cast %parallel_loop3A_141 : i32 to index
          %parallel_loop3A_172 = arith.constant 16 : index
          %parallel_loop3A_173 = tpu.vector_load %arg16[%parallel_loop3A_171, %parallel_loop3A_172] {strides = array<i32>} : memref<128x128xf32, #tpu.memory_space<vmem>>, vector<1x16xf32>,
          %parallel_loop3A_174 = vector.shape_cast %parallel_loop3A_173 : vector<1x16xf32> to vector<16xf32>
          %parallel_loop3A_175 = vector.shape_cast %parallel_loop3A_165 : vector<16xf32> to vector<1x16xf32>
          tpu.vector_store %arg16[%parallel_loop3A_171, %parallel_loop3A_172], %parallel_loop3A_175 {strides = array<i32>} : memref<128x128xf32, #tpu.memory_space<vmem>>, vector<1x16xf32>,
          %parallel_loop3A_176 = arith.index_cast %parallel_loop3A_141 : i32 to index
          %parallel_loop3A_177 = arith.constant 16 : index
          %parallel_loop3A_178 = tpu.vector_load %arg10[%parallel_loop3A_176, %parallel_loop3A_177] {strides = array<i32>} : memref<128x64xi32, #tpu.memory_space<vmem>>, vector<1x16xi32>,
          %parallel_loop3A_179 = vector.shape_cast %parallel_loop3A_178 : vector<1x16xi32> to vector<16xi32>
          %parallel_loop3A_180 = arith.index_cast %parallel_loop3A_141 : i32 to index
          %parallel_loop3A_181 = arith.constant 16 : index
          %parallel_loop3A_182 = tpu.vector_load %arg13[%parallel_loop3A_180, %parallel_loop3A_181] {strides = array<i32>} : memref<128x64xi32, #tpu.memory_space<vmem>>, vector<1x16xi32>,
          %parallel_loop3A_183 = vector.shape_cast %parallel_loop3A_182 : vector<1x16xi32> to vector<16xi32>
          %parallel_loop3A_184 = arith.constant 16 : i32
          %parallel_loop3A_185 = vector.broadcast %parallel_loop3A_184 : i32 to vector<16xi32>
          %parallel_loop3A_186 = arith.shli %parallel_loop3A_179, %parallel_loop3A_185 : vector<16xi32>
          %parallel_loop3A_187 = tpu.bitcast %parallel_loop3A_186 : vector<16xi32> -> vector<16xf32>
          %parallel_loop3A_188 = arith.constant 16 : i32
          %parallel_loop3A_189 = vector.broadcast %parallel_loop3A_188 : i32 to vector<16xi32>
          %parallel_loop3A_190 = arith.shli %parallel_loop3A_183, %parallel_loop3A_189 : vector<16xi32>
          %parallel_loop3A_191 = tpu.bitcast %parallel_loop3A_190 : vector<16xi32> -> vector<16xf32>
          %parallel_loop3A_192 = arith.addf %parallel_loop3A_187, %parallel_loop3A_191 : vector<16xf32>
          %parallel_loop3A_193 = vector.broadcast %parallel_loop3A_133 : i32 to vector<16xi32>
          %parallel_loop3A_194 = arith.andi %parallel_loop3A_179, %parallel_loop3A_193 : vector<16xi32>
          %parallel_loop3A_195 = tpu.bitcast %parallel_loop3A_194 : vector<16xi32> -> vector<16xf32>
          %parallel_loop3A_196 = vector.broadcast %parallel_loop3A_133 : i32 to vector<16xi32>
          %parallel_loop3A_197 = arith.andi %parallel_loop3A_183, %parallel_loop3A_196 : vector<16xi32>
          %parallel_loop3A_198 = tpu.bitcast %parallel_loop3A_197 : vector<16xi32> -> vector<16xf32>
          %parallel_loop3A_199 = arith.addf %parallel_loop3A_195, %parallel_loop3A_198 : vector<16xf32>
          %parallel_loop3A_200 = arith.index_cast %parallel_loop3A_141 : i32 to index
          %parallel_loop3A_201 = arith.constant 32 : index
          %parallel_loop3A_202 = tpu.vector_load %arg16[%parallel_loop3A_200, %parallel_loop3A_201] {strides = array<i32>} : memref<128x128xf32, #tpu.memory_space<vmem>>, vector<1x16xf32>,
          %parallel_loop3A_203 = vector.shape_cast %parallel_loop3A_202 : vector<1x16xf32> to vector<16xf32>
          %parallel_loop3A_204 = vector.shape_cast %parallel_loop3A_192 : vector<16xf32> to vector<1x16xf32>
          tpu.vector_store %arg16[%parallel_loop3A_200, %parallel_loop3A_201], %parallel_loop3A_204 {strides = array<i32>} : memref<128x128xf32, #tpu.memory_space<vmem>>, vector<1x16xf32>,
          %parallel_loop3A_205 = arith.index_cast %parallel_loop3A_141 : i32 to index
          %parallel_loop3A_206 = arith.constant 48 : index
          %parallel_loop3A_207 = tpu.vector_load %arg16[%parallel_loop3A_205, %parallel_loop3A_206] {strides = array<i32>} : memref<128x128xf32, #tpu.memory_space<vmem>>, vector<1x16xf32>,
          %parallel_loop3A_208 = vector.shape_cast %parallel_loop3A_207 : vector<1x16xf32> to vector<16xf32>
          %parallel_loop3A_209 = vector.shape_cast %parallel_loop3A_199 : vector<16xf32> to vector<1x16xf32>
          tpu.vector_store %arg16[%parallel_loop3A_205, %parallel_loop3A_206], %parallel_loop3A_209 {strides = array<i32>} : memref<128x128xf32, #tpu.memory_space<vmem>>, vector<1x16xf32>,
          %parallel_loop3A_210 = arith.index_cast %parallel_loop3A_141 : i32 to index
          %parallel_loop3A_211 = arith.constant 32 : index
          %parallel_loop3A_212 = tpu.vector_load %arg10[%parallel_loop3A_210, %parallel_loop3A_211] {strides = array<i32>} : memref<128x64xi32, #tpu.memory_space<vmem>>, vector<1x16xi32>,
          %parallel_loop3A_213 = vector.shape_cast %parallel_loop3A_212 : vector<1x16xi32> to vector<16xi32>
          %parallel_loop3A_214 = arith.index_cast %parallel_loop3A_141 : i32 to index
          %parallel_loop3A_215 = arith.constant 32 : index
          %parallel_loop3A_216 = tpu.vector_load %arg13[%parallel_loop3A_214, %parallel_loop3A_215] {strides = array<i32>} : memref<128x64xi32, #tpu.memory_space<vmem>>, vector<1x16xi32>,
          %parallel_loop3A_217 = vector.shape_cast %parallel_loop3A_216 : vector<1x16xi32> to vector<16xi32>
          %parallel_loop3A_218 = arith.constant 16 : i32
          %parallel_loop3A_219 = vector.broadcast %parallel_loop3A_218 : i32 to vector<16xi32>
          %parallel_loop3A_220 = arith.shli %parallel_loop3A_213, %parallel_loop3A_219 : vector<16xi32>
          %parallel_loop3A_221 = tpu.bitcast %parallel_loop3A_220 : vector<16xi32> -> vector<16xf32>
          %parallel_loop3A_222 = arith.constant 16 : i32
          %parallel_loop3A_223 = vector.broadcast %parallel_loop3A_222 : i32 to vector<16xi32>
          %parallel_loop3A_224 = arith.shli %parallel_loop3A_217, %parallel_loop3A_223 : vector<16xi32>
          %parallel_loop3A_225 = tpu.bitcast %parallel_loop3A_224 : vector<16xi32> -> vector<16xf32>
          %parallel_loop3A_226 = arith.addf %parallel_loop3A_221, %parallel_loop3A_225 : vector<16xf32>
          %parallel_loop3A_227 = vector.broadcast %parallel_loop3A_133 : i32 to vector<16xi32>
          %parallel_loop3A_228 = arith.andi %parallel_loop3A_213, %parallel_loop3A_227 : vector<16xi32>
          %parallel_loop3A_229 = tpu.bitcast %parallel_loop3A_228 : vector<16xi32> -> vector<16xf32>
          %parallel_loop3A_230 = vector.broadcast %parallel_loop3A_133 : i32 to vector<16xi32>
          %parallel_loop3A_231 = arith.andi %parallel_loop3A_217, %parallel_loop3A_230 : vector<16xi32>
          %parallel_loop3A_232 = tpu.bitcast %parallel_loop3A_231 : vector<16xi32> -> vector<16xf32>
          %parallel_loop3A_233 = arith.addf %parallel_loop3A_229, %parallel_loop3A_232 : vector<16xf32>
          %parallel_loop3A_234 = arith.index_cast %parallel_loop3A_141 : i32 to index
          %parallel_loop3A_235 = arith.constant 64 : index
          %parallel_loop3A_236 = tpu.vector_load %arg16[%parallel_loop3A_234, %parallel_loop3A_235] {strides = array<i32>} : memref<128x128xf32, #tpu.memory_space<vmem>>, vector<1x16xf32>,
          %parallel_loop3A_237 = vector.shape_cast %parallel_loop3A_236 : vector<1x16xf32> to vector<16xf32>
          %parallel_loop3A_238 = vector.shape_cast %parallel_loop3A_226 : vector<16xf32> to vector<1x16xf32>
          tpu.vector_store %arg16[%parallel_loop3A_234, %parallel_loop3A_235], %parallel_loop3A_238 {strides = array<i32>} : memref<128x128xf32, #tpu.memory_space<vmem>>, vector<1x16xf32>,
          %parallel_loop3A_239 = arith.index_cast %parallel_loop3A_141 : i32 to index
          %parallel_loop3A_240 = arith.constant 80 : index
          %parallel_loop3A_241 = tpu.vector_load %arg16[%parallel_loop3A_239, %parallel_loop3A_240] {strides = array<i32>} : memref<128x128xf32, #tpu.memory_space<vmem>>, vector<1x16xf32>,
          %parallel_loop3A_242 = vector.shape_cast %parallel_loop3A_241 : vector<1x16xf32> to vector<16xf32>
          %parallel_loop3A_243 = vector.shape_cast %parallel_loop3A_233 : vector<16xf32> to vector<1x16xf32>
          tpu.vector_store %arg16[%parallel_loop3A_239, %parallel_loop3A_240], %parallel_loop3A_243 {strides = array<i32>} : memref<128x128xf32, #tpu.memory_space<vmem>>, vector<1x16xf32>,
          %parallel_loop3A_244 = arith.index_cast %parallel_loop3A_141 : i32 to index
          %parallel_loop3A_245 = arith.constant 48 : index
          %parallel_loop3A_246 = tpu.vector_load %arg10[%parallel_loop3A_244, %parallel_loop3A_245] {strides = array<i32>} : memref<128x64xi32, #tpu.memory_space<vmem>>, vector<1x16xi32>,
          %parallel_loop3A_247 = vector.shape_cast %parallel_loop3A_246 : vector<1x16xi32> to vector<16xi32>
          %parallel_loop3A_248 = arith.index_cast %parallel_loop3A_141 : i32 to index
          %parallel_loop3A_249 = arith.constant 48 : index
          %parallel_loop3A_250 = tpu.vector_load %arg13[%parallel_loop3A_248, %parallel_loop3A_249] {strides = array<i32>} : memref<128x64xi32, #tpu.memory_space<vmem>>, vector<1x16xi32>,
          %parallel_loop3A_251 = vector.shape_cast %parallel_loop3A_250 : vector<1x16xi32> to vector<16xi32>
          %parallel_loop3A_252 = arith.constant 16 : i32
          %parallel_loop3A_253 = vector.broadcast %parallel_loop3A_252 : i32 to vector<16xi32>
          %parallel_loop3A_254 = arith.shli %parallel_loop3A_247, %parallel_loop3A_253 : vector<16xi32>
          %parallel_loop3A_255 = tpu.bitcast %parallel_loop3A_254 : vector<16xi32> -> vector<16xf32>
          %parallel_loop3A_256 = arith.constant 16 : i32
          %parallel_loop3A_257 = vector.broadcast %parallel_loop3A_256 : i32 to vector<16xi32>
          %parallel_loop3A_258 = arith.shli %parallel_loop3A_251, %parallel_loop3A_257 : vector<16xi32>
          %parallel_loop3A_259 = tpu.bitcast %parallel_loop3A_258 : vector<16xi32> -> vector<16xf32>
          %parallel_loop3A_260 = arith.addf %parallel_loop3A_255, %parallel_loop3A_259 : vector<16xf32>
          %parallel_loop3A_261 = vector.broadcast %parallel_loop3A_133 : i32 to vector<16xi32>
          %parallel_loop3A_262 = arith.andi %parallel_loop3A_247, %parallel_loop3A_261 : vector<16xi32>
          %parallel_loop3A_263 = tpu.bitcast %parallel_loop3A_262 : vector<16xi32> -> vector<16xf32>
          %parallel_loop3A_264 = vector.broadcast %parallel_loop3A_133 : i32 to vector<16xi32>
          %parallel_loop3A_265 = arith.andi %parallel_loop3A_251, %parallel_loop3A_264 : vector<16xi32>
          %parallel_loop3A_266 = tpu.bitcast %parallel_loop3A_265 : vector<16xi32> -> vector<16xf32>
          %parallel_loop3A_267 = arith.addf %parallel_loop3A_263, %parallel_loop3A_266 : vector<16xf32>
          %parallel_loop3A_268 = arith.index_cast %parallel_loop3A_141 : i32 to index
          %parallel_loop3A_269 = arith.constant 96 : index
          %parallel_loop3A_270 = tpu.vector_load %arg16[%parallel_loop3A_268, %parallel_loop3A_269] {strides = array<i32>} : memref<128x128xf32, #tpu.memory_space<vmem>>, vector<1x16xf32>,
          %parallel_loop3A_271 = vector.shape_cast %parallel_loop3A_270 : vector<1x16xf32> to vector<16xf32>
          %parallel_loop3A_272 = vector.shape_cast %parallel_loop3A_260 : vector<16xf32> to vector<1x16xf32>
          tpu.vector_store %arg16[%parallel_loop3A_268, %parallel_loop3A_269], %parallel_loop3A_272 {strides = array<i32>} : memref<128x128xf32, #tpu.memory_space<vmem>>, vector<1x16xf32>,
          %parallel_loop3A_273 = arith.index_cast %parallel_loop3A_141 : i32 to index
          %parallel_loop3A_274 = arith.constant 112 : index
          %parallel_loop3A_275 = tpu.vector_load %arg16[%parallel_loop3A_273, %parallel_loop3A_274] {strides = array<i32>} : memref<128x128xf32, #tpu.memory_space<vmem>>, vector<1x16xf32>,
          %parallel_loop3A_276 = vector.shape_cast %parallel_loop3A_275 : vector<1x16xf32> to vector<16xf32>
          %parallel_loop3A_277 = vector.shape_cast %parallel_loop3A_267 : vector<16xf32> to vector<1x16xf32>
          tpu.vector_store %arg16[%parallel_loop3A_273, %parallel_loop3A_274], %parallel_loop3A_277 {strides = array<i32>} : memref<128x128xf32, #tpu.memory_space<vmem>>, vector<1x16xf32>,
        } {sc.loop_unroll_factor = 8 : i64, sc.parallel_access}
        %mul3A_134 = arith.constant 128 : i32
        %mul3A_135 = arith.muli %sub3A_66, %mul3A_134 : i32
        %add3A_136 = arith.addi %mul3A_2, %mul3A_135 : i32
        %dma_start3A_137 = arith.constant 0 : i32
        %dma_start3A_138 = tpu.memref_slice %arg6[%add3A_136, %dma_start3A_137] : memref<160000x128xf32, #tpu.memory_space<hbm>> -> memref<128x128xf32, #tpu.memory_space<hbm>>
        %dma_start3A_139 = arith.constant 0 : i32
        %dma_start3A_140 = tpu.memref_slice %arg6[%add3A_136, %dma_start3A_139] : memref<160000x128xf32, #tpu.memory_space<hbm>> -> memref<128x128xf32, #tpu.memory_space<hbm>>
        tpu.enqueue_dma source(%arg16 : memref<128x128xf32, #tpu.memory_space<vmem>>) target(%dma_start3A_140 : memref<128x128xf32, #tpu.memory_space<hbm>>) target_semaphore(%arg25 : memref<!tpu.dma_semaphore, #tpu.memory_space<semaphore_mem>>)
      } else {
      }
      %lt3A_70 = arith.constant 39 : i32
      %lt3A_71 = arith.cmpi slt, %add3A_65, %lt3A_70 : i32
      %convert_element_type3A_72 = arith.extui %lt3A_71 : i1 to i32
      %cond3A_73 = arith.constant 0 : i32
      %cond3A_74 = arith.cmpi ne, %convert_element_type3A_72, %cond3A_73 : i32
      scf.if %cond3A_74 {
        %mul3A_113 = arith.constant 128 : i32
        %mul3A_114 = arith.muli %add3A_65, %mul3A_113 : i32
        %dma_start3A_115 = tpu.memref_slice %arg7[%mul3A_114] : memref<5000xi32, #tpu.memory_space<vmem>> -> memref<128xi32, #tpu.memory_space<vmem>>
        %dma_start3A_116 = arith.constant 0 : i32
        %dma_start3A_117 = arith.constant 0 : i32
        %dma_start3A_118 = tpu.memref_slice %arg2[%dma_start3A_116, %dma_start3A_117] : memref<10000x64xi32, #tpu.memory_space<hbm>> -> memref<10000x64xi32, #tpu.memory_space<hbm>>
        tpu.enqueue_indirect_dma source(%dma_start3A_118 : memref<10000x64xi32, #tpu.memory_space<hbm>>) target(%arg9 : memref<128x64xi32, #tpu.memory_space<vmem>>) offsets(%dma_start3A_115 : memref<128xi32, #tpu.memory_space<vmem>>) semaphore(%arg18 : memref<!tpu.dma_semaphore, #tpu.memory_space<semaphore_mem>>)
        %mul3A_119 = arith.constant 128 : i32
        %mul3A_120 = arith.muli %add3A_65, %mul3A_119 : i32
        %dma_start3A_121 = tpu.memref_slice %arg8[%mul3A_120] : memref<5000xi32, #tpu.memory_space<vmem>> -> memref<128xi32, #tpu.memory_space<vmem>>
        %dma_start3A_122 = arith.constant 0 : i32
        %dma_start3A_123 = arith.constant 0 : i32
        %dma_start3A_124 = tpu.memref_slice %arg3[%dma_start3A_122, %dma_start3A_123] : memref<10000x64xi32, #tpu.memory_space<hbm>> -> memref<10000x64xi32, #tpu.memory_space<hbm>>
        tpu.enqueue_indirect_dma source(%dma_start3A_124 : memref<10000x64xi32, #tpu.memory_space<hbm>>) target(%arg12 : memref<128x64xi32, #tpu.memory_space<vmem>>) offsets(%dma_start3A_121 : memref<128xi32, #tpu.memory_space<vmem>>) semaphore(%arg21 : memref<!tpu.dma_semaphore, #tpu.memory_space<semaphore_mem>>)
      } else {
      }
      %mul3A_75 = arith.constant 3 : i32
      %mul3A_76 = arith.muli %scan3A_61, %mul3A_75 : i32
      %add3A_77 = arith.constant 1 : i32
      %add3A_78 = arith.addi %mul3A_76, %add3A_77 : i32
      %sub3A_79 = arith.constant 2 : i32
      %sub3A_80 = arith.subi %add3A_78, %sub3A_79 : i32
      %ge3A_81 = arith.constant 0 : i32
      %ge3A_82 = arith.cmpi sge, %sub3A_80, %ge3A_81 : i32
      %lt3A_83 = arith.constant 39 : i32
      %lt3A_84 = arith.cmpi slt, %sub3A_80, %lt3A_83 : i32
      %and3A_85 = arith.andi %ge3A_82, %lt3A_84 : i1
      %convert_element_type3A_86 = arith.extui %and3A_85 : i1 to i32
      %cond3A_87 = arith.constant 0 : i32
      %cond3A_88 = arith.cmpi ne, %convert_element_type3A_86, %cond3A_87 : i32
      scf.if %cond3A_88 {
        %mul3A_113 = arith.constant 128 : i32
        %mul3A_114 = arith.muli %sub3A_80, %mul3A_113 : i32
        %dma_wait3A_115 = tpu.memref_slice %arg7[%mul3A_114] : memref<5000xi32, #tpu.memory_space<vmem>> -> memref<128xi32, #tpu.memory_space<vmem>>
        %dma_wait3A_116 = arith.constant 0 : i32
        %dma_wait3A_117 = arith.constant 0 : i32
        %dma_wait3A_118 = tpu.memref_slice %arg2[%dma_wait3A_116, %dma_wait3A_117] : memref<10000x64xi32, #tpu.memory_space<hbm>> -> memref<10000x64xi32, #tpu.memory_space<hbm>>
        tpu.wait_indirect_dma semaphore(%arg20 : memref<!tpu.dma_semaphore, #tpu.memory_space<semaphore_mem>>) src(%dma_wait3A_118 : memref<10000x64xi32, #tpu.memory_space<hbm>>) dst(%arg11 : memref<128x64xi32, #tpu.memory_space<vmem>>)
        %mul3A_119 = arith.constant 128 : i32
        %mul3A_120 = arith.muli %sub3A_80, %mul3A_119 : i32
        %dma_wait3A_121 = tpu.memref_slice %arg8[%mul3A_120] : memref<5000xi32, #tpu.memory_space<vmem>> -> memref<128xi32, #tpu.memory_space<vmem>>
        %dma_wait3A_122 = arith.constant 0 : i32
        %dma_wait3A_123 = arith.constant 0 : i32
        %dma_wait3A_124 = tpu.memref_slice %arg3[%dma_wait3A_122, %dma_wait3A_123] : memref<10000x64xi32, #tpu.memory_space<hbm>> -> memref<10000x64xi32, #tpu.memory_space<hbm>>
        tpu.wait_indirect_dma semaphore(%arg23 : memref<!tpu.dma_semaphore, #tpu.memory_space<semaphore_mem>>) src(%dma_wait3A_124 : memref<10000x64xi32, #tpu.memory_space<hbm>>) dst(%arg14 : memref<128x64xi32, #tpu.memory_space<vmem>>)
        %ge3A_125 = arith.constant 3 : i32
        %ge3A_126 = arith.cmpi sge, %sub3A_80, %ge3A_125 : i32
        %convert_element_type3A_127 = arith.extui %ge3A_126 : i1 to i32
        %cond3A_128 = arith.constant 0 : i32
        %cond3A_129 = arith.cmpi ne, %convert_element_type3A_127, %cond3A_128 : i32
        scf.if %cond3A_129 {
          %sub3A_141 = arith.constant 3 : i32
          %sub3A_142 = arith.subi %sub3A_80, %sub3A_141 : i32
          %mul3A_143 = arith.constant 128 : i32
          %mul3A_144 = arith.muli %sub3A_142, %mul3A_143 : i32
          %add3A_145 = arith.addi %mul3A_2, %mul3A_144 : i32
          %dma_wait3A_146 = arith.constant 0 : i32
          %dma_wait3A_147 = tpu.memref_slice %arg6[%add3A_145, %dma_wait3A_146] : memref<160000x128xf32, #tpu.memory_space<hbm>> -> memref<128x128xf32, #tpu.memory_space<hbm>>
          %dma_wait3A_148 = arith.constant 0 : i32
          %dma_wait3A_149 = tpu.memref_slice %arg6[%add3A_145, %dma_wait3A_148] : memref<160000x128xf32, #tpu.memory_space<hbm>> -> memref<128x128xf32, #tpu.memory_space<hbm>>
          tpu.wait_dma2 semaphore(%arg26 : memref<!tpu.dma_semaphore, #tpu.memory_space<semaphore_mem>>) src(%arg17 : memref<128x128xf32, #tpu.memory_space<vmem>>) dst(%dma_wait3A_149 : memref<128x128xf32, #tpu.memory_space<hbm>>)
        } else {
        }
        %parallel_loop3A_130 = arith.constant 0 : i32
        %parallel_loop3A_131 = arith.constant 128 : i32
        %parallel_loop3A_132 = arith.constant 1 : i32
        %parallel_loop3A_133 = arith.constant -65536 : i32
        scf.for %parallel_loop3A_141 = %parallel_loop3A_130 to %parallel_loop3A_131 step %parallel_loop3A_132  : i32 {
          %parallel_loop3A_142 = arith.index_cast %parallel_loop3A_141 : i32 to index
          %parallel_loop3A_143 = arith.constant 0 : index
          %parallel_loop3A_144 = tpu.vector_load %arg11[%parallel_loop3A_142, %parallel_loop3A_143] {strides = array<i32>} : memref<128x64xi32, #tpu.memory_space<vmem>>, vector<1x16xi32>,
          %parallel_loop3A_145 = vector.shape_cast %parallel_loop3A_144 : vector<1x16xi32> to vector<16xi32>
          %parallel_loop3A_146 = arith.index_cast %parallel_loop3A_141 : i32 to index
          %parallel_loop3A_147 = arith.constant 0 : index
          %parallel_loop3A_148 = tpu.vector_load %arg14[%parallel_loop3A_146, %parallel_loop3A_147] {strides = array<i32>} : memref<128x64xi32, #tpu.memory_space<vmem>>, vector<1x16xi32>,
          %parallel_loop3A_149 = vector.shape_cast %parallel_loop3A_148 : vector<1x16xi32> to vector<16xi32>
          %parallel_loop3A_150 = arith.constant 16 : i32
          %parallel_loop3A_151 = vector.broadcast %parallel_loop3A_150 : i32 to vector<16xi32>
          %parallel_loop3A_152 = arith.shli %parallel_loop3A_145, %parallel_loop3A_151 : vector<16xi32>
          %parallel_loop3A_153 = tpu.bitcast %parallel_loop3A_152 : vector<16xi32> -> vector<16xf32>
          %parallel_loop3A_154 = arith.constant 16 : i32
          %parallel_loop3A_155 = vector.broadcast %parallel_loop3A_154 : i32 to vector<16xi32>
          %parallel_loop3A_156 = arith.shli %parallel_loop3A_149, %parallel_loop3A_155 : vector<16xi32>
          %parallel_loop3A_157 = tpu.bitcast %parallel_loop3A_156 : vector<16xi32> -> vector<16xf32>
          %parallel_loop3A_158 = arith.addf %parallel_loop3A_153, %parallel_loop3A_157 : vector<16xf32>
          %parallel_loop3A_159 = vector.broadcast %parallel_loop3A_133 : i32 to vector<16xi32>
          %parallel_loop3A_160 = arith.andi %parallel_loop3A_145, %parallel_loop3A_159 : vector<16xi32>
          %parallel_loop3A_161 = tpu.bitcast %parallel_loop3A_160 : vector<16xi32> -> vector<16xf32>
          %parallel_loop3A_162 = vector.broadcast %parallel_loop3A_133 : i32 to vector<16xi32>
          %parallel_loop3A_163 = arith.andi %parallel_loop3A_149, %parallel_loop3A_162 : vector<16xi32>
          %parallel_loop3A_164 = tpu.bitcast %parallel_loop3A_163 : vector<16xi32> -> vector<16xf32>
          %parallel_loop3A_165 = arith.addf %parallel_loop3A_161, %parallel_loop3A_164 : vector<16xf32>
          %parallel_loop3A_166 = arith.index_cast %parallel_loop3A_141 : i32 to index
          %parallel_loop3A_167 = arith.constant 0 : index
          %parallel_loop3A_168 = tpu.vector_load %arg17[%parallel_loop3A_166, %parallel_loop3A_167] {strides = array<i32>} : memref<128x128xf32, #tpu.memory_space<vmem>>, vector<1x16xf32>,
          %parallel_loop3A_169 = vector.shape_cast %parallel_loop3A_168 : vector<1x16xf32> to vector<16xf32>
          %parallel_loop3A_170 = vector.shape_cast %parallel_loop3A_158 : vector<16xf32> to vector<1x16xf32>
          tpu.vector_store %arg17[%parallel_loop3A_166, %parallel_loop3A_167], %parallel_loop3A_170 {strides = array<i32>} : memref<128x128xf32, #tpu.memory_space<vmem>>, vector<1x16xf32>,
          %parallel_loop3A_171 = arith.index_cast %parallel_loop3A_141 : i32 to index
          %parallel_loop3A_172 = arith.constant 16 : index
          %parallel_loop3A_173 = tpu.vector_load %arg17[%parallel_loop3A_171, %parallel_loop3A_172] {strides = array<i32>} : memref<128x128xf32, #tpu.memory_space<vmem>>, vector<1x16xf32>,
          %parallel_loop3A_174 = vector.shape_cast %parallel_loop3A_173 : vector<1x16xf32> to vector<16xf32>
          %parallel_loop3A_175 = vector.shape_cast %parallel_loop3A_165 : vector<16xf32> to vector<1x16xf32>
          tpu.vector_store %arg17[%parallel_loop3A_171, %parallel_loop3A_172], %parallel_loop3A_175 {strides = array<i32>} : memref<128x128xf32, #tpu.memory_space<vmem>>, vector<1x16xf32>,
          %parallel_loop3A_176 = arith.index_cast %parallel_loop3A_141 : i32 to index
          %parallel_loop3A_177 = arith.constant 16 : index
          %parallel_loop3A_178 = tpu.vector_load %arg11[%parallel_loop3A_176, %parallel_loop3A_177] {strides = array<i32>} : memref<128x64xi32, #tpu.memory_space<vmem>>, vector<1x16xi32>,
          %parallel_loop3A_179 = vector.shape_cast %parallel_loop3A_178 : vector<1x16xi32> to vector<16xi32>
          %parallel_loop3A_180 = arith.index_cast %parallel_loop3A_141 : i32 to index
          %parallel_loop3A_181 = arith.constant 16 : index
          %parallel_loop3A_182 = tpu.vector_load %arg14[%parallel_loop3A_180, %parallel_loop3A_181] {strides = array<i32>} : memref<128x64xi32, #tpu.memory_space<vmem>>, vector<1x16xi32>,
          %parallel_loop3A_183 = vector.shape_cast %parallel_loop3A_182 : vector<1x16xi32> to vector<16xi32>
          %parallel_loop3A_184 = arith.constant 16 : i32
          %parallel_loop3A_185 = vector.broadcast %parallel_loop3A_184 : i32 to vector<16xi32>
          %parallel_loop3A_186 = arith.shli %parallel_loop3A_179, %parallel_loop3A_185 : vector<16xi32>
          %parallel_loop3A_187 = tpu.bitcast %parallel_loop3A_186 : vector<16xi32> -> vector<16xf32>
          %parallel_loop3A_188 = arith.constant 16 : i32
          %parallel_loop3A_189 = vector.broadcast %parallel_loop3A_188 : i32 to vector<16xi32>
          %parallel_loop3A_190 = arith.shli %parallel_loop3A_183, %parallel_loop3A_189 : vector<16xi32>
          %parallel_loop3A_191 = tpu.bitcast %parallel_loop3A_190 : vector<16xi32> -> vector<16xf32>
          %parallel_loop3A_192 = arith.addf %parallel_loop3A_187, %parallel_loop3A_191 : vector<16xf32>
          %parallel_loop3A_193 = vector.broadcast %parallel_loop3A_133 : i32 to vector<16xi32>
          %parallel_loop3A_194 = arith.andi %parallel_loop3A_179, %parallel_loop3A_193 : vector<16xi32>
          %parallel_loop3A_195 = tpu.bitcast %parallel_loop3A_194 : vector<16xi32> -> vector<16xf32>
          %parallel_loop3A_196 = vector.broadcast %parallel_loop3A_133 : i32 to vector<16xi32>
          %parallel_loop3A_197 = arith.andi %parallel_loop3A_183, %parallel_loop3A_196 : vector<16xi32>
          %parallel_loop3A_198 = tpu.bitcast %parallel_loop3A_197 : vector<16xi32> -> vector<16xf32>
          %parallel_loop3A_199 = arith.addf %parallel_loop3A_195, %parallel_loop3A_198 : vector<16xf32>
          %parallel_loop3A_200 = arith.index_cast %parallel_loop3A_141 : i32 to index
          %parallel_loop3A_201 = arith.constant 32 : index
          %parallel_loop3A_202 = tpu.vector_load %arg17[%parallel_loop3A_200, %parallel_loop3A_201] {strides = array<i32>} : memref<128x128xf32, #tpu.memory_space<vmem>>, vector<1x16xf32>,
          %parallel_loop3A_203 = vector.shape_cast %parallel_loop3A_202 : vector<1x16xf32> to vector<16xf32>
          %parallel_loop3A_204 = vector.shape_cast %parallel_loop3A_192 : vector<16xf32> to vector<1x16xf32>
          tpu.vector_store %arg17[%parallel_loop3A_200, %parallel_loop3A_201], %parallel_loop3A_204 {strides = array<i32>} : memref<128x128xf32, #tpu.memory_space<vmem>>, vector<1x16xf32>,
          %parallel_loop3A_205 = arith.index_cast %parallel_loop3A_141 : i32 to index
          %parallel_loop3A_206 = arith.constant 48 : index
          %parallel_loop3A_207 = tpu.vector_load %arg17[%parallel_loop3A_205, %parallel_loop3A_206] {strides = array<i32>} : memref<128x128xf32, #tpu.memory_space<vmem>>, vector<1x16xf32>,
          %parallel_loop3A_208 = vector.shape_cast %parallel_loop3A_207 : vector<1x16xf32> to vector<16xf32>
          %parallel_loop3A_209 = vector.shape_cast %parallel_loop3A_199 : vector<16xf32> to vector<1x16xf32>
          tpu.vector_store %arg17[%parallel_loop3A_205, %parallel_loop3A_206], %parallel_loop3A_209 {strides = array<i32>} : memref<128x128xf32, #tpu.memory_space<vmem>>, vector<1x16xf32>,
          %parallel_loop3A_210 = arith.index_cast %parallel_loop3A_141 : i32 to index
          %parallel_loop3A_211 = arith.constant 32 : index
          %parallel_loop3A_212 = tpu.vector_load %arg11[%parallel_loop3A_210, %parallel_loop3A_211] {strides = array<i32>} : memref<128x64xi32, #tpu.memory_space<vmem>>, vector<1x16xi32>,
          %parallel_loop3A_213 = vector.shape_cast %parallel_loop3A_212 : vector<1x16xi32> to vector<16xi32>
          %parallel_loop3A_214 = arith.index_cast %parallel_loop3A_141 : i32 to index
          %parallel_loop3A_215 = arith.constant 32 : index
          %parallel_loop3A_216 = tpu.vector_load %arg14[%parallel_loop3A_214, %parallel_loop3A_215] {strides = array<i32>} : memref<128x64xi32, #tpu.memory_space<vmem>>, vector<1x16xi32>,
          %parallel_loop3A_217 = vector.shape_cast %parallel_loop3A_216 : vector<1x16xi32> to vector<16xi32>
          %parallel_loop3A_218 = arith.constant 16 : i32
          %parallel_loop3A_219 = vector.broadcast %parallel_loop3A_218 : i32 to vector<16xi32>
          %parallel_loop3A_220 = arith.shli %parallel_loop3A_213, %parallel_loop3A_219 : vector<16xi32>
          %parallel_loop3A_221 = tpu.bitcast %parallel_loop3A_220 : vector<16xi32> -> vector<16xf32>
          %parallel_loop3A_222 = arith.constant 16 : i32
          %parallel_loop3A_223 = vector.broadcast %parallel_loop3A_222 : i32 to vector<16xi32>
          %parallel_loop3A_224 = arith.shli %parallel_loop3A_217, %parallel_loop3A_223 : vector<16xi32>
          %parallel_loop3A_225 = tpu.bitcast %parallel_loop3A_224 : vector<16xi32> -> vector<16xf32>
          %parallel_loop3A_226 = arith.addf %parallel_loop3A_221, %parallel_loop3A_225 : vector<16xf32>
          %parallel_loop3A_227 = vector.broadcast %parallel_loop3A_133 : i32 to vector<16xi32>
          %parallel_loop3A_228 = arith.andi %parallel_loop3A_213, %parallel_loop3A_227 : vector<16xi32>
          %parallel_loop3A_229 = tpu.bitcast %parallel_loop3A_228 : vector<16xi32> -> vector<16xf32>
          %parallel_loop3A_230 = vector.broadcast %parallel_loop3A_133 : i32 to vector<16xi32>
          %parallel_loop3A_231 = arith.andi %parallel_loop3A_217, %parallel_loop3A_230 : vector<16xi32>
          %parallel_loop3A_232 = tpu.bitcast %parallel_loop3A_231 : vector<16xi32> -> vector<16xf32>
          %parallel_loop3A_233 = arith.addf %parallel_loop3A_229, %parallel_loop3A_232 : vector<16xf32>
          %parallel_loop3A_234 = arith.index_cast %parallel_loop3A_141 : i32 to index
          %parallel_loop3A_235 = arith.constant 64 : index
          %parallel_loop3A_236 = tpu.vector_load %arg17[%parallel_loop3A_234, %parallel_loop3A_235] {strides = array<i32>} : memref<128x128xf32, #tpu.memory_space<vmem>>, vector<1x16xf32>,
          %parallel_loop3A_237 = vector.shape_cast %parallel_loop3A_236 : vector<1x16xf32> to vector<16xf32>
          %parallel_loop3A_238 = vector.shape_cast %parallel_loop3A_226 : vector<16xf32> to vector<1x16xf32>
          tpu.vector_store %arg17[%parallel_loop3A_234, %parallel_loop3A_235], %parallel_loop3A_238 {strides = array<i32>} : memref<128x128xf32, #tpu.memory_space<vmem>>, vector<1x16xf32>,
          %parallel_loop3A_239 = arith.index_cast %parallel_loop3A_141 : i32 to index
          %parallel_loop3A_240 = arith.constant 80 : index
          %parallel_loop3A_241 = tpu.vector_load %arg17[%parallel_loop3A_239, %parallel_loop3A_240] {strides = array<i32>} : memref<128x128xf32, #tpu.memory_space<vmem>>, vector<1x16xf32>,
          %parallel_loop3A_242 = vector.shape_cast %parallel_loop3A_241 : vector<1x16xf32> to vector<16xf32>
          %parallel_loop3A_243 = vector.shape_cast %parallel_loop3A_233 : vector<16xf32> to vector<1x16xf32>
          tpu.vector_store %arg17[%parallel_loop3A_239, %parallel_loop3A_240], %parallel_loop3A_243 {strides = array<i32>} : memref<128x128xf32, #tpu.memory_space<vmem>>, vector<1x16xf32>,
          %parallel_loop3A_244 = arith.index_cast %parallel_loop3A_141 : i32 to index
          %parallel_loop3A_245 = arith.constant 48 : index
          %parallel_loop3A_246 = tpu.vector_load %arg11[%parallel_loop3A_244, %parallel_loop3A_245] {strides = array<i32>} : memref<128x64xi32, #tpu.memory_space<vmem>>, vector<1x16xi32>,
          %parallel_loop3A_247 = vector.shape_cast %parallel_loop3A_246 : vector<1x16xi32> to vector<16xi32>
          %parallel_loop3A_248 = arith.index_cast %parallel_loop3A_141 : i32 to index
          %parallel_loop3A_249 = arith.constant 48 : index
          %parallel_loop3A_250 = tpu.vector_load %arg14[%parallel_loop3A_248, %parallel_loop3A_249] {strides = array<i32>} : memref<128x64xi32, #tpu.memory_space<vmem>>, vector<1x16xi32>,
          %parallel_loop3A_251 = vector.shape_cast %parallel_loop3A_250 : vector<1x16xi32> to vector<16xi32>
          %parallel_loop3A_252 = arith.constant 16 : i32
          %parallel_loop3A_253 = vector.broadcast %parallel_loop3A_252 : i32 to vector<16xi32>
          %parallel_loop3A_254 = arith.shli %parallel_loop3A_247, %parallel_loop3A_253 : vector<16xi32>
          %parallel_loop3A_255 = tpu.bitcast %parallel_loop3A_254 : vector<16xi32> -> vector<16xf32>
          %parallel_loop3A_256 = arith.constant 16 : i32
          %parallel_loop3A_257 = vector.broadcast %parallel_loop3A_256 : i32 to vector<16xi32>
          %parallel_loop3A_258 = arith.shli %parallel_loop3A_251, %parallel_loop3A_257 : vector<16xi32>
          %parallel_loop3A_259 = tpu.bitcast %parallel_loop3A_258 : vector<16xi32> -> vector<16xf32>
          %parallel_loop3A_260 = arith.addf %parallel_loop3A_255, %parallel_loop3A_259 : vector<16xf32>
          %parallel_loop3A_261 = vector.broadcast %parallel_loop3A_133 : i32 to vector<16xi32>
          %parallel_loop3A_262 = arith.andi %parallel_loop3A_247, %parallel_loop3A_261 : vector<16xi32>
          %parallel_loop3A_263 = tpu.bitcast %parallel_loop3A_262 : vector<16xi32> -> vector<16xf32>
          %parallel_loop3A_264 = vector.broadcast %parallel_loop3A_133 : i32 to vector<16xi32>
          %parallel_loop3A_265 = arith.andi %parallel_loop3A_251, %parallel_loop3A_264 : vector<16xi32>
          %parallel_loop3A_266 = tpu.bitcast %parallel_loop3A_265 : vector<16xi32> -> vector<16xf32>
          %parallel_loop3A_267 = arith.addf %parallel_loop3A_263, %parallel_loop3A_266 : vector<16xf32>
          %parallel_loop3A_268 = arith.index_cast %parallel_loop3A_141 : i32 to index
          %parallel_loop3A_269 = arith.constant 96 : index
          %parallel_loop3A_270 = tpu.vector_load %arg17[%parallel_loop3A_268, %parallel_loop3A_269] {strides = array<i32>} : memref<128x128xf32, #tpu.memory_space<vmem>>, vector<1x16xf32>,
          %parallel_loop3A_271 = vector.shape_cast %parallel_loop3A_270 : vector<1x16xf32> to vector<16xf32>
          %parallel_loop3A_272 = vector.shape_cast %parallel_loop3A_260 : vector<16xf32> to vector<1x16xf32>
          tpu.vector_store %arg17[%parallel_loop3A_268, %parallel_loop3A_269], %parallel_loop3A_272 {strides = array<i32>} : memref<128x128xf32, #tpu.memory_space<vmem>>, vector<1x16xf32>,
          %parallel_loop3A_273 = arith.index_cast %parallel_loop3A_141 : i32 to index
          %parallel_loop3A_274 = arith.constant 112 : index
          %parallel_loop3A_275 = tpu.vector_load %arg17[%parallel_loop3A_273, %parallel_loop3A_274] {strides = array<i32>} : memref<128x128xf32, #tpu.memory_space<vmem>>, vector<1x16xf32>,
          %parallel_loop3A_276 = vector.shape_cast %parallel_loop3A_275 : vector<1x16xf32> to vector<16xf32>
          %parallel_loop3A_277 = vector.shape_cast %parallel_loop3A_267 : vector<16xf32> to vector<1x16xf32>
          tpu.vector_store %arg17[%parallel_loop3A_273, %parallel_loop3A_274], %parallel_loop3A_277 {strides = array<i32>} : memref<128x128xf32, #tpu.memory_space<vmem>>, vector<1x16xf32>,
        } {sc.loop_unroll_factor = 8 : i64, sc.parallel_access}
        %mul3A_134 = arith.constant 128 : i32
        %mul3A_135 = arith.muli %sub3A_80, %mul3A_134 : i32
        %add3A_136 = arith.addi %mul3A_2, %mul3A_135 : i32
        %dma_start3A_137 = arith.constant 0 : i32
        %dma_start3A_138 = tpu.memref_slice %arg6[%add3A_136, %dma_start3A_137] : memref<160000x128xf32, #tpu.memory_space<hbm>> -> memref<128x128xf32, #tpu.memory_space<hbm>>
        %dma_start3A_139 = arith.constant 0 : i32
        %dma_start3A_140 = tpu.memref_slice %arg6[%add3A_136, %dma_start3A_139] : memref<160000x128xf32, #tpu.memory_space<hbm>> -> memref<128x128xf32, #tpu.memory_space<hbm>>
        tpu.enqueue_dma source(%arg17 : memref<128x128xf32, #tpu.memory_space<vmem>>) target(%dma_start3A_140 : memref<128x128xf32, #tpu.memory_space<hbm>>) target_semaphore(%arg26 : memref<!tpu.dma_semaphore, #tpu.memory_space<semaphore_mem>>)
      } else {
      }
      %lt3A_89 = arith.constant 39 : i32
      %lt3A_90 = arith.cmpi slt, %add3A_78, %lt3A_89 : i32
      %convert_element_type3A_91 = arith.extui %lt3A_90 : i1 to i32
      %cond3A_92 = arith.constant 0 : i32
      %cond3A_93 = arith.cmpi ne, %convert_element_type3A_91, %cond3A_92 : i32
      scf.if %cond3A_93 {
        %mul3A_113 = arith.constant 128 : i32
        %mul3A_114 = arith.muli %add3A_78, %mul3A_113 : i32
        %dma_start3A_115 = tpu.memref_slice %arg7[%mul3A_114] : memref<5000xi32, #tpu.memory_space<vmem>> -> memref<128xi32, #tpu.memory_space<vmem>>
        %dma_start3A_116 = arith.constant 0 : i32
        %dma_start3A_117 = arith.constant 0 : i32
        %dma_start3A_118 = tpu.memref_slice %arg2[%dma_start3A_116, %dma_start3A_117] : memref<10000x64xi32, #tpu.memory_space<hbm>> -> memref<10000x64xi32, #tpu.memory_space<hbm>>
        tpu.enqueue_indirect_dma source(%dma_start3A_118 : memref<10000x64xi32, #tpu.memory_space<hbm>>) target(%arg10 : memref<128x64xi32, #tpu.memory_space<vmem>>) offsets(%dma_start3A_115 : memref<128xi32, #tpu.memory_space<vmem>>) semaphore(%arg19 : memref<!tpu.dma_semaphore, #tpu.memory_space<semaphore_mem>>)
        %mul3A_119 = arith.constant 128 : i32
        %mul3A_120 = arith.muli %add3A_78, %mul3A_119 : i32
        %dma_start3A_121 = tpu.memref_slice %arg8[%mul3A_120] : memref<5000xi32, #tpu.memory_space<vmem>> -> memref<128xi32, #tpu.memory_space<vmem>>
        %dma_start3A_122 = arith.constant 0 : i32
        %dma_start3A_123 = arith.constant 0 : i32
        %dma_start3A_124 = tpu.memref_slice %arg3[%dma_start3A_122, %dma_start3A_123] : memref<10000x64xi32, #tpu.memory_space<hbm>> -> memref<10000x64xi32, #tpu.memory_space<hbm>>
        tpu.enqueue_indirect_dma source(%dma_start3A_124 : memref<10000x64xi32, #tpu.memory_space<hbm>>) target(%arg13 : memref<128x64xi32, #tpu.memory_space<vmem>>) offsets(%dma_start3A_121 : memref<128xi32, #tpu.memory_space<vmem>>) semaphore(%arg22 : memref<!tpu.dma_semaphore, #tpu.memory_space<semaphore_mem>>)
      } else {
      }
      %mul3A_94 = arith.constant 3 : i32
      %mul3A_95 = arith.muli %scan3A_61, %mul3A_94 : i32
      %add3A_96 = arith.constant 2 : i32
      %add3A_97 = arith.addi %mul3A_95, %add3A_96 : i32
      %sub3A_98 = arith.constant 2 : i32
      %sub3A_99 = arith.subi %add3A_97, %sub3A_98 : i32
      %ge3A_100 = arith.constant 0 : i32
      %ge3A_101 = arith.cmpi sge, %sub3A_99, %ge3A_100 : i32
      %lt3A_102 = arith.constant 39 : i32
      %lt3A_103 = arith.cmpi slt, %sub3A_99, %lt3A_102 : i32
      %and3A_104 = arith.andi %ge3A_101, %lt3A_103 : i1
      %convert_element_type3A_105 = arith.extui %and3A_104 : i1 to i32
      %cond3A_106 = arith.constant 0 : i32
      %cond3A_107 = arith.cmpi ne, %convert_element_type3A_105, %cond3A_106 : i32
      scf.if %cond3A_107 {
        %mul3A_113 = arith.constant 128 : i32
        %mul3A_114 = arith.muli %sub3A_99, %mul3A_113 : i32
        %dma_wait3A_115 = tpu.memref_slice %arg7[%mul3A_114] : memref<5000xi32, #tpu.memory_space<vmem>> -> memref<128xi32, #tpu.memory_space<vmem>>
        %dma_wait3A_116 = arith.constant 0 : i32
        %dma_wait3A_117 = arith.constant 0 : i32
        %dma_wait3A_118 = tpu.memref_slice %arg2[%dma_wait3A_116, %dma_wait3A_117] : memref<10000x64xi32, #tpu.memory_space<hbm>> -> memref<10000x64xi32, #tpu.memory_space<hbm>>
        tpu.wait_indirect_dma semaphore(%arg18 : memref<!tpu.dma_semaphore, #tpu.memory_space<semaphore_mem>>) src(%dma_wait3A_118 : memref<10000x64xi32, #tpu.memory_space<hbm>>) dst(%arg9 : memref<128x64xi32, #tpu.memory_space<vmem>>)
        %mul3A_119 = arith.constant 128 : i32
        %mul3A_120 = arith.muli %sub3A_99, %mul3A_119 : i32
        %dma_wait3A_121 = tpu.memref_slice %arg8[%mul3A_120] : memref<5000xi32, #tpu.memory_space<vmem>> -> memref<128xi32, #tpu.memory_space<vmem>>
        %dma_wait3A_122 = arith.constant 0 : i32
        %dma_wait3A_123 = arith.constant 0 : i32
        %dma_wait3A_124 = tpu.memref_slice %arg3[%dma_wait3A_122, %dma_wait3A_123] : memref<10000x64xi32, #tpu.memory_space<hbm>> -> memref<10000x64xi32, #tpu.memory_space<hbm>>
        tpu.wait_indirect_dma semaphore(%arg21 : memref<!tpu.dma_semaphore, #tpu.memory_space<semaphore_mem>>) src(%dma_wait3A_124 : memref<10000x64xi32, #tpu.memory_space<hbm>>) dst(%arg12 : memref<128x64xi32, #tpu.memory_space<vmem>>)
        %ge3A_125 = arith.constant 3 : i32
        %ge3A_126 = arith.cmpi sge, %sub3A_99, %ge3A_125 : i32
        %convert_element_type3A_127 = arith.extui %ge3A_126 : i1 to i32
        %cond3A_128 = arith.constant 0 : i32
        %cond3A_129 = arith.cmpi ne, %convert_element_type3A_127, %cond3A_128 : i32
        scf.if %cond3A_129 {
          %sub3A_141 = arith.constant 3 : i32
          %sub3A_142 = arith.subi %sub3A_99, %sub3A_141 : i32
          %mul3A_143 = arith.constant 128 : i32
          %mul3A_144 = arith.muli %sub3A_142, %mul3A_143 : i32
          %add3A_145 = arith.addi %mul3A_2, %mul3A_144 : i32
          %dma_wait3A_146 = arith.constant 0 : i32
          %dma_wait3A_147 = tpu.memref_slice %arg6[%add3A_145, %dma_wait3A_146] : memref<160000x128xf32, #tpu.memory_space<hbm>> -> memref<128x128xf32, #tpu.memory_space<hbm>>
          %dma_wait3A_148 = arith.constant 0 : i32
          %dma_wait3A_149 = tpu.memref_slice %arg6[%add3A_145, %dma_wait3A_148] : memref<160000x128xf32, #tpu.memory_space<hbm>> -> memref<128x128xf32, #tpu.memory_space<hbm>>
          tpu.wait_dma2 semaphore(%arg24 : memref<!tpu.dma_semaphore, #tpu.memory_space<semaphore_mem>>) src(%arg15 : memref<128x128xf32, #tpu.memory_space<vmem>>) dst(%dma_wait3A_149 : memref<128x128xf32, #tpu.memory_space<hbm>>)
        } else {
        }
        %parallel_loop3A_130 = arith.constant 0 : i32
        %parallel_loop3A_131 = arith.constant 128 : i32
        %parallel_loop3A_132 = arith.constant 1 : i32
        %parallel_loop3A_133 = arith.constant -65536 : i32
        scf.for %parallel_loop3A_141 = %parallel_loop3A_130 to %parallel_loop3A_131 step %parallel_loop3A_132  : i32 {
          %parallel_loop3A_142 = arith.index_cast %parallel_loop3A_141 : i32 to index
          %parallel_loop3A_143 = arith.constant 0 : index
          %parallel_loop3A_144 = tpu.vector_load %arg9[%parallel_loop3A_142, %parallel_loop3A_143] {strides = array<i32>} : memref<128x64xi32, #tpu.memory_space<vmem>>, vector<1x16xi32>,
          %parallel_loop3A_145 = vector.shape_cast %parallel_loop3A_144 : vector<1x16xi32> to vector<16xi32>
          %parallel_loop3A_146 = arith.index_cast %parallel_loop3A_141 : i32 to index
          %parallel_loop3A_147 = arith.constant 0 : index
          %parallel_loop3A_148 = tpu.vector_load %arg12[%parallel_loop3A_146, %parallel_loop3A_147] {strides = array<i32>} : memref<128x64xi32, #tpu.memory_space<vmem>>, vector<1x16xi32>,
          %parallel_loop3A_149 = vector.shape_cast %parallel_loop3A_148 : vector<1x16xi32> to vector<16xi32>
          %parallel_loop3A_150 = arith.constant 16 : i32
          %parallel_loop3A_151 = vector.broadcast %parallel_loop3A_150 : i32 to vector<16xi32>
          %parallel_loop3A_152 = arith.shli %parallel_loop3A_145, %parallel_loop3A_151 : vector<16xi32>
          %parallel_loop3A_153 = tpu.bitcast %parallel_loop3A_152 : vector<16xi32> -> vector<16xf32>
          %parallel_loop3A_154 = arith.constant 16 : i32
          %parallel_loop3A_155 = vector.broadcast %parallel_loop3A_154 : i32 to vector<16xi32>
          %parallel_loop3A_156 = arith.shli %parallel_loop3A_149, %parallel_loop3A_155 : vector<16xi32>
          %parallel_loop3A_157 = tpu.bitcast %parallel_loop3A_156 : vector<16xi32> -> vector<16xf32>
          %parallel_loop3A_158 = arith.addf %parallel_loop3A_153, %parallel_loop3A_157 : vector<16xf32>
          %parallel_loop3A_159 = vector.broadcast %parallel_loop3A_133 : i32 to vector<16xi32>
          %parallel_loop3A_160 = arith.andi %parallel_loop3A_145, %parallel_loop3A_159 : vector<16xi32>
          %parallel_loop3A_161 = tpu.bitcast %parallel_loop3A_160 : vector<16xi32> -> vector<16xf32>
          %parallel_loop3A_162 = vector.broadcast %parallel_loop3A_133 : i32 to vector<16xi32>
          %parallel_loop3A_163 = arith.andi %parallel_loop3A_149, %parallel_loop3A_162 : vector<16xi32>
          %parallel_loop3A_164 = tpu.bitcast %parallel_loop3A_163 : vector<16xi32> -> vector<16xf32>
          %parallel_loop3A_165 = arith.addf %parallel_loop3A_161, %parallel_loop3A_164 : vector<16xf32>
          %parallel_loop3A_166 = arith.index_cast %parallel_loop3A_141 : i32 to index
          %parallel_loop3A_167 = arith.constant 0 : index
          %parallel_loop3A_168 = tpu.vector_load %arg15[%parallel_loop3A_166, %parallel_loop3A_167] {strides = array<i32>} : memref<128x128xf32, #tpu.memory_space<vmem>>, vector<1x16xf32>,
          %parallel_loop3A_169 = vector.shape_cast %parallel_loop3A_168 : vector<1x16xf32> to vector<16xf32>
          %parallel_loop3A_170 = vector.shape_cast %parallel_loop3A_158 : vector<16xf32> to vector<1x16xf32>
          tpu.vector_store %arg15[%parallel_loop3A_166, %parallel_loop3A_167], %parallel_loop3A_170 {strides = array<i32>} : memref<128x128xf32, #tpu.memory_space<vmem>>, vector<1x16xf32>,
          %parallel_loop3A_171 = arith.index_cast %parallel_loop3A_141 : i32 to index
          %parallel_loop3A_172 = arith.constant 16 : index
          %parallel_loop3A_173 = tpu.vector_load %arg15[%parallel_loop3A_171, %parallel_loop3A_172] {strides = array<i32>} : memref<128x128xf32, #tpu.memory_space<vmem>>, vector<1x16xf32>,
          %parallel_loop3A_174 = vector.shape_cast %parallel_loop3A_173 : vector<1x16xf32> to vector<16xf32>
          %parallel_loop3A_175 = vector.shape_cast %parallel_loop3A_165 : vector<16xf32> to vector<1x16xf32>
          tpu.vector_store %arg15[%parallel_loop3A_171, %parallel_loop3A_172], %parallel_loop3A_175 {strides = array<i32>} : memref<128x128xf32, #tpu.memory_space<vmem>>, vector<1x16xf32>,
          %parallel_loop3A_176 = arith.index_cast %parallel_loop3A_141 : i32 to index
          %parallel_loop3A_177 = arith.constant 16 : index
          %parallel_loop3A_178 = tpu.vector_load %arg9[%parallel_loop3A_176, %parallel_loop3A_177] {strides = array<i32>} : memref<128x64xi32, #tpu.memory_space<vmem>>, vector<1x16xi32>,
          %parallel_loop3A_179 = vector.shape_cast %parallel_loop3A_178 : vector<1x16xi32> to vector<16xi32>
          %parallel_loop3A_180 = arith.index_cast %parallel_loop3A_141 : i32 to index
          %parallel_loop3A_181 = arith.constant 16 : index
          %parallel_loop3A_182 = tpu.vector_load %arg12[%parallel_loop3A_180, %parallel_loop3A_181] {strides = array<i32>} : memref<128x64xi32, #tpu.memory_space<vmem>>, vector<1x16xi32>,
          %parallel_loop3A_183 = vector.shape_cast %parallel_loop3A_182 : vector<1x16xi32> to vector<16xi32>
          %parallel_loop3A_184 = arith.constant 16 : i32
          %parallel_loop3A_185 = vector.broadcast %parallel_loop3A_184 : i32 to vector<16xi32>
          %parallel_loop3A_186 = arith.shli %parallel_loop3A_179, %parallel_loop3A_185 : vector<16xi32>
          %parallel_loop3A_187 = tpu.bitcast %parallel_loop3A_186 : vector<16xi32> -> vector<16xf32>
          %parallel_loop3A_188 = arith.constant 16 : i32
          %parallel_loop3A_189 = vector.broadcast %parallel_loop3A_188 : i32 to vector<16xi32>
          %parallel_loop3A_190 = arith.shli %parallel_loop3A_183, %parallel_loop3A_189 : vector<16xi32>
          %parallel_loop3A_191 = tpu.bitcast %parallel_loop3A_190 : vector<16xi32> -> vector<16xf32>
          %parallel_loop3A_192 = arith.addf %parallel_loop3A_187, %parallel_loop3A_191 : vector<16xf32>
          %parallel_loop3A_193 = vector.broadcast %parallel_loop3A_133 : i32 to vector<16xi32>
          %parallel_loop3A_194 = arith.andi %parallel_loop3A_179, %parallel_loop3A_193 : vector<16xi32>
          %parallel_loop3A_195 = tpu.bitcast %parallel_loop3A_194 : vector<16xi32> -> vector<16xf32>
          %parallel_loop3A_196 = vector.broadcast %parallel_loop3A_133 : i32 to vector<16xi32>
          %parallel_loop3A_197 = arith.andi %parallel_loop3A_183, %parallel_loop3A_196 : vector<16xi32>
          %parallel_loop3A_198 = tpu.bitcast %parallel_loop3A_197 : vector<16xi32> -> vector<16xf32>
          %parallel_loop3A_199 = arith.addf %parallel_loop3A_195, %parallel_loop3A_198 : vector<16xf32>
          %parallel_loop3A_200 = arith.index_cast %parallel_loop3A_141 : i32 to index
          %parallel_loop3A_201 = arith.constant 32 : index
          %parallel_loop3A_202 = tpu.vector_load %arg15[%parallel_loop3A_200, %parallel_loop3A_201] {strides = array<i32>} : memref<128x128xf32, #tpu.memory_space<vmem>>, vector<1x16xf32>,
          %parallel_loop3A_203 = vector.shape_cast %parallel_loop3A_202 : vector<1x16xf32> to vector<16xf32>
          %parallel_loop3A_204 = vector.shape_cast %parallel_loop3A_192 : vector<16xf32> to vector<1x16xf32>
          tpu.vector_store %arg15[%parallel_loop3A_200, %parallel_loop3A_201], %parallel_loop3A_204 {strides = array<i32>} : memref<128x128xf32, #tpu.memory_space<vmem>>, vector<1x16xf32>,
          %parallel_loop3A_205 = arith.index_cast %parallel_loop3A_141 : i32 to index
          %parallel_loop3A_206 = arith.constant 48 : index
          %parallel_loop3A_207 = tpu.vector_load %arg15[%parallel_loop3A_205, %parallel_loop3A_206] {strides = array<i32>} : memref<128x128xf32, #tpu.memory_space<vmem>>, vector<1x16xf32>,
          %parallel_loop3A_208 = vector.shape_cast %parallel_loop3A_207 : vector<1x16xf32> to vector<16xf32>
          %parallel_loop3A_209 = vector.shape_cast %parallel_loop3A_199 : vector<16xf32> to vector<1x16xf32>
          tpu.vector_store %arg15[%parallel_loop3A_205, %parallel_loop3A_206], %parallel_loop3A_209 {strides = array<i32>} : memref<128x128xf32, #tpu.memory_space<vmem>>, vector<1x16xf32>,
          %parallel_loop3A_210 = arith.index_cast %parallel_loop3A_141 : i32 to index
          %parallel_loop3A_211 = arith.constant 32 : index
          %parallel_loop3A_212 = tpu.vector_load %arg9[%parallel_loop3A_210, %parallel_loop3A_211] {strides = array<i32>} : memref<128x64xi32, #tpu.memory_space<vmem>>, vector<1x16xi32>,
          %parallel_loop3A_213 = vector.shape_cast %parallel_loop3A_212 : vector<1x16xi32> to vector<16xi32>
          %parallel_loop3A_214 = arith.index_cast %parallel_loop3A_141 : i32 to index
          %parallel_loop3A_215 = arith.constant 32 : index
          %parallel_loop3A_216 = tpu.vector_load %arg12[%parallel_loop3A_214, %parallel_loop3A_215] {strides = array<i32>} : memref<128x64xi32, #tpu.memory_space<vmem>>, vector<1x16xi32>,
          %parallel_loop3A_217 = vector.shape_cast %parallel_loop3A_216 : vector<1x16xi32> to vector<16xi32>
          %parallel_loop3A_218 = arith.constant 16 : i32
          %parallel_loop3A_219 = vector.broadcast %parallel_loop3A_218 : i32 to vector<16xi32>
          %parallel_loop3A_220 = arith.shli %parallel_loop3A_213, %parallel_loop3A_219 : vector<16xi32>
          %parallel_loop3A_221 = tpu.bitcast %parallel_loop3A_220 : vector<16xi32> -> vector<16xf32>
          %parallel_loop3A_222 = arith.constant 16 : i32
          %parallel_loop3A_223 = vector.broadcast %parallel_loop3A_222 : i32 to vector<16xi32>
          %parallel_loop3A_224 = arith.shli %parallel_loop3A_217, %parallel_loop3A_223 : vector<16xi32>
          %parallel_loop3A_225 = tpu.bitcast %parallel_loop3A_224 : vector<16xi32> -> vector<16xf32>
          %parallel_loop3A_226 = arith.addf %parallel_loop3A_221, %parallel_loop3A_225 : vector<16xf32>
          %parallel_loop3A_227 = vector.broadcast %parallel_loop3A_133 : i32 to vector<16xi32>
          %parallel_loop3A_228 = arith.andi %parallel_loop3A_213, %parallel_loop3A_227 : vector<16xi32>
          %parallel_loop3A_229 = tpu.bitcast %parallel_loop3A_228 : vector<16xi32> -> vector<16xf32>
          %parallel_loop3A_230 = vector.broadcast %parallel_loop3A_133 : i32 to vector<16xi32>
          %parallel_loop3A_231 = arith.andi %parallel_loop3A_217, %parallel_loop3A_230 : vector<16xi32>
          %parallel_loop3A_232 = tpu.bitcast %parallel_loop3A_231 : vector<16xi32> -> vector<16xf32>
          %parallel_loop3A_233 = arith.addf %parallel_loop3A_229, %parallel_loop3A_232 : vector<16xf32>
          %parallel_loop3A_234 = arith.index_cast %parallel_loop3A_141 : i32 to index
          %parallel_loop3A_235 = arith.constant 64 : index
          %parallel_loop3A_236 = tpu.vector_load %arg15[%parallel_loop3A_234, %parallel_loop3A_235] {strides = array<i32>} : memref<128x128xf32, #tpu.memory_space<vmem>>, vector<1x16xf32>,
          %parallel_loop3A_237 = vector.shape_cast %parallel_loop3A_236 : vector<1x16xf32> to vector<16xf32>
          %parallel_loop3A_238 = vector.shape_cast %parallel_loop3A_226 : vector<16xf32> to vector<1x16xf32>
          tpu.vector_store %arg15[%parallel_loop3A_234, %parallel_loop3A_235], %parallel_loop3A_238 {strides = array<i32>} : memref<128x128xf32, #tpu.memory_space<vmem>>, vector<1x16xf32>,
          %parallel_loop3A_239 = arith.index_cast %parallel_loop3A_141 : i32 to index
          %parallel_loop3A_240 = arith.constant 80 : index
          %parallel_loop3A_241 = tpu.vector_load %arg15[%parallel_loop3A_239, %parallel_loop3A_240] {strides = array<i32>} : memref<128x128xf32, #tpu.memory_space<vmem>>, vector<1x16xf32>,
          %parallel_loop3A_242 = vector.shape_cast %parallel_loop3A_241 : vector<1x16xf32> to vector<16xf32>
          %parallel_loop3A_243 = vector.shape_cast %parallel_loop3A_233 : vector<16xf32> to vector<1x16xf32>
          tpu.vector_store %arg15[%parallel_loop3A_239, %parallel_loop3A_240], %parallel_loop3A_243 {strides = array<i32>} : memref<128x128xf32, #tpu.memory_space<vmem>>, vector<1x16xf32>,
          %parallel_loop3A_244 = arith.index_cast %parallel_loop3A_141 : i32 to index
          %parallel_loop3A_245 = arith.constant 48 : index
          %parallel_loop3A_246 = tpu.vector_load %arg9[%parallel_loop3A_244, %parallel_loop3A_245] {strides = array<i32>} : memref<128x64xi32, #tpu.memory_space<vmem>>, vector<1x16xi32>,
          %parallel_loop3A_247 = vector.shape_cast %parallel_loop3A_246 : vector<1x16xi32> to vector<16xi32>
          %parallel_loop3A_248 = arith.index_cast %parallel_loop3A_141 : i32 to index
          %parallel_loop3A_249 = arith.constant 48 : index
          %parallel_loop3A_250 = tpu.vector_load %arg12[%parallel_loop3A_248, %parallel_loop3A_249] {strides = array<i32>} : memref<128x64xi32, #tpu.memory_space<vmem>>, vector<1x16xi32>,
          %parallel_loop3A_251 = vector.shape_cast %parallel_loop3A_250 : vector<1x16xi32> to vector<16xi32>
          %parallel_loop3A_252 = arith.constant 16 : i32
          %parallel_loop3A_253 = vector.broadcast %parallel_loop3A_252 : i32 to vector<16xi32>
          %parallel_loop3A_254 = arith.shli %parallel_loop3A_247, %parallel_loop3A_253 : vector<16xi32>
          %parallel_loop3A_255 = tpu.bitcast %parallel_loop3A_254 : vector<16xi32> -> vector<16xf32>
          %parallel_loop3A_256 = arith.constant 16 : i32
          %parallel_loop3A_257 = vector.broadcast %parallel_loop3A_256 : i32 to vector<16xi32>
          %parallel_loop3A_258 = arith.shli %parallel_loop3A_251, %parallel_loop3A_257 : vector<16xi32>
          %parallel_loop3A_259 = tpu.bitcast %parallel_loop3A_258 : vector<16xi32> -> vector<16xf32>
          %parallel_loop3A_260 = arith.addf %parallel_loop3A_255, %parallel_loop3A_259 : vector<16xf32>
          %parallel_loop3A_261 = vector.broadcast %parallel_loop3A_133 : i32 to vector<16xi32>
          %parallel_loop3A_262 = arith.andi %parallel_loop3A_247, %parallel_loop3A_261 : vector<16xi32>
          %parallel_loop3A_263 = tpu.bitcast %parallel_loop3A_262 : vector<16xi32> -> vector<16xf32>
          %parallel_loop3A_264 = vector.broadcast %parallel_loop3A_133 : i32 to vector<16xi32>
          %parallel_loop3A_265 = arith.andi %parallel_loop3A_251, %parallel_loop3A_264 : vector<16xi32>
          %parallel_loop3A_266 = tpu.bitcast %parallel_loop3A_265 : vector<16xi32> -> vector<16xf32>
          %parallel_loop3A_267 = arith.addf %parallel_loop3A_263, %parallel_loop3A_266 : vector<16xf32>
          %parallel_loop3A_268 = arith.index_cast %parallel_loop3A_141 : i32 to index
          %parallel_loop3A_269 = arith.constant 96 : index
          %parallel_loop3A_270 = tpu.vector_load %arg15[%parallel_loop3A_268, %parallel_loop3A_269] {strides = array<i32>} : memref<128x128xf32, #tpu.memory_space<vmem>>, vector<1x16xf32>,
          %parallel_loop3A_271 = vector.shape_cast %parallel_loop3A_270 : vector<1x16xf32> to vector<16xf32>
          %parallel_loop3A_272 = vector.shape_cast %parallel_loop3A_260 : vector<16xf32> to vector<1x16xf32>
          tpu.vector_store %arg15[%parallel_loop3A_268, %parallel_loop3A_269], %parallel_loop3A_272 {strides = array<i32>} : memref<128x128xf32, #tpu.memory_space<vmem>>, vector<1x16xf32>,
          %parallel_loop3A_273 = arith.index_cast %parallel_loop3A_141 : i32 to index
          %parallel_loop3A_274 = arith.constant 112 : index
          %parallel_loop3A_275 = tpu.vector_load %arg15[%parallel_loop3A_273, %parallel_loop3A_274] {strides = array<i32>} : memref<128x128xf32, #tpu.memory_space<vmem>>, vector<1x16xf32>,
          %parallel_loop3A_276 = vector.shape_cast %parallel_loop3A_275 : vector<1x16xf32> to vector<16xf32>
          %parallel_loop3A_277 = vector.shape_cast %parallel_loop3A_267 : vector<16xf32> to vector<1x16xf32>
          tpu.vector_store %arg15[%parallel_loop3A_273, %parallel_loop3A_274], %parallel_loop3A_277 {strides = array<i32>} : memref<128x128xf32, #tpu.memory_space<vmem>>, vector<1x16xf32>,
        } {sc.loop_unroll_factor = 8 : i64, sc.parallel_access}
        %mul3A_134 = arith.constant 128 : i32
        %mul3A_135 = arith.muli %sub3A_99, %mul3A_134 : i32
        %add3A_136 = arith.addi %mul3A_2, %mul3A_135 : i32
        %dma_start3A_137 = arith.constant 0 : i32
        %dma_start3A_138 = tpu.memref_slice %arg6[%add3A_136, %dma_start3A_137] : memref<160000x128xf32, #tpu.memory_space<hbm>> -> memref<128x128xf32, #tpu.memory_space<hbm>>
        %dma_start3A_139 = arith.constant 0 : i32
        %dma_start3A_140 = tpu.memref_slice %arg6[%add3A_136, %dma_start3A_139] : memref<160000x128xf32, #tpu.memory_space<hbm>> -> memref<128x128xf32, #tpu.memory_space<hbm>>
        tpu.enqueue_dma source(%arg15 : memref<128x128xf32, #tpu.memory_space<vmem>>) target(%dma_start3A_140 : memref<128x128xf32, #tpu.memory_space<hbm>>) target_semaphore(%arg24 : memref<!tpu.dma_semaphore, #tpu.memory_space<semaphore_mem>>)
      } else {
      }
      %lt3A_108 = arith.constant 39 : i32
      %lt3A_109 = arith.cmpi slt, %add3A_97, %lt3A_108 : i32
      %convert_element_type3A_110 = arith.extui %lt3A_109 : i1 to i32
      %cond3A_111 = arith.constant 0 : i32
      %cond3A_112 = arith.cmpi ne, %convert_element_type3A_110, %cond3A_111 : i32
      scf.if %cond3A_112 {
        %mul3A_113 = arith.constant 128 : i32
        %mul3A_114 = arith.muli %add3A_97, %mul3A_113 : i32
        %dma_start3A_115 = tpu.memref_slice %arg7[%mul3A_114] : memref<5000xi32, #tpu.memory_space<vmem>> -> memref<128xi32, #tpu.memory_space<vmem>>
        %dma_start3A_116 = arith.constant 0 : i32
        %dma_start3A_117 = arith.constant 0 : i32
        %dma_start3A_118 = tpu.memref_slice %arg2[%dma_start3A_116, %dma_start3A_117] : memref<10000x64xi32, #tpu.memory_space<hbm>> -> memref<10000x64xi32, #tpu.memory_space<hbm>>
        tpu.enqueue_indirect_dma source(%dma_start3A_118 : memref<10000x64xi32, #tpu.memory_space<hbm>>) target(%arg11 : memref<128x64xi32, #tpu.memory_space<vmem>>) offsets(%dma_start3A_115 : memref<128xi32, #tpu.memory_space<vmem>>) semaphore(%arg20 : memref<!tpu.dma_semaphore, #tpu.memory_space<semaphore_mem>>)
        %mul3A_119 = arith.constant 128 : i32
        %mul3A_120 = arith.muli %add3A_97, %mul3A_119 : i32
        %dma_start3A_121 = tpu.memref_slice %arg8[%mul3A_120] : memref<5000xi32, #tpu.memory_space<vmem>> -> memref<128xi32, #tpu.memory_space<vmem>>
        %dma_start3A_122 = arith.constant 0 : i32
        %dma_start3A_123 = arith.constant 0 : i32
        %dma_start3A_124 = tpu.memref_slice %arg3[%dma_start3A_122, %dma_start3A_123] : memref<10000x64xi32, #tpu.memory_space<hbm>> -> memref<10000x64xi32, #tpu.memory_space<hbm>>
        tpu.enqueue_indirect_dma source(%dma_start3A_124 : memref<10000x64xi32, #tpu.memory_space<hbm>>) target(%arg14 : memref<128x64xi32, #tpu.memory_space<vmem>>) offsets(%dma_start3A_121 : memref<128xi32, #tpu.memory_space<vmem>>) semaphore(%arg23 : memref<!tpu.dma_semaphore, #tpu.memory_space<semaphore_mem>>)
      } else {
      }
    }
    %scan3A_7 = arith.constant 14 : i32
    %add3A_8 = arith.constant 4608 : i32
    %add3A_9 = arith.addi %mul3A_2, %add3A_8 : i32
    %dma_wait3A = arith.constant 0 : i32
    %dma_wait3A_10 = tpu.memref_slice %arg6[%add3A_9, %dma_wait3A] : memref<160000x128xf32, #tpu.memory_space<hbm>> -> memref<128x128xf32, #tpu.memory_space<hbm>>
    %dma_wait3A_11 = arith.constant 0 : i32
    %dma_wait3A_12 = tpu.memref_slice %arg6[%add3A_9, %dma_wait3A_11] : memref<160000x128xf32, #tpu.memory_space<hbm>> -> memref<128x128xf32, #tpu.memory_space<hbm>>
    tpu.wait_dma2 semaphore(%arg24 : memref<!tpu.dma_semaphore, #tpu.memory_space<semaphore_mem>>) src(%arg15 : memref<128x128xf32, #tpu.memory_space<vmem>>) dst(%dma_wait3A_12 : memref<128x128xf32, #tpu.memory_space<hbm>>)
    %add3A_13 = arith.constant 4736 : i32
    %add3A_14 = arith.addi %mul3A_2, %add3A_13 : i32
    %dma_wait3A_15 = arith.constant 0 : i32
    %dma_wait3A_16 = tpu.memref_slice %arg6[%add3A_14, %dma_wait3A_15] : memref<160000x128xf32, #tpu.memory_space<hbm>> -> memref<128x128xf32, #tpu.memory_space<hbm>>
    %dma_wait3A_17 = arith.constant 0 : i32
    %dma_wait3A_18 = tpu.memref_slice %arg6[%add3A_14, %dma_wait3A_17] : memref<160000x128xf32, #tpu.memory_space<hbm>> -> memref<128x128xf32, #tpu.memory_space<hbm>>
    tpu.wait_dma2 semaphore(%arg25 : memref<!tpu.dma_semaphore, #tpu.memory_space<semaphore_mem>>) src(%arg16 : memref<128x128xf32, #tpu.memory_space<vmem>>) dst(%dma_wait3A_18 : memref<128x128xf32, #tpu.memory_space<hbm>>)
    %add3A_19 = arith.constant 4864 : i32
    %add3A_20 = arith.addi %mul3A_2, %add3A_19 : i32
    %dma_wait3A_21 = arith.constant 0 : i32
    %dma_wait3A_22 = tpu.memref_slice %arg6[%add3A_20, %dma_wait3A_21] : memref<160000x128xf32, #tpu.memory_space<hbm>> -> memref<128x128xf32, #tpu.memory_space<hbm>>
    %dma_wait3A_23 = arith.constant 0 : i32
    %dma_wait3A_24 = tpu.memref_slice %arg6[%add3A_20, %dma_wait3A_23] : memref<160000x128xf32, #tpu.memory_space<hbm>> -> memref<128x128xf32, #tpu.memory_space<hbm>>
    tpu.wait_dma2 semaphore(%arg26 : memref<!tpu.dma_semaphore, #tpu.memory_space<semaphore_mem>>) src(%arg17 : memref<128x128xf32, #tpu.memory_space<vmem>>) dst(%dma_wait3A_24 : memref<128x128xf32, #tpu.memory_space<hbm>>)
    %dma_start3A = arith.constant 0 : i32
    %dma_start3A_25 = arith.constant 0 : i32
    %dma_start3A_26 = tpu.memref_slice %arg9[%dma_start3A, %dma_start3A_25] : memref<128x64xi32, #tpu.memory_space<vmem>> -> memref<8x64xi32, #tpu.memory_space<vmem>>
    %dma_start3A_27 = arith.constant 4992 : i32
    %dma_start3A_28 = tpu.memref_slice %arg7[%dma_start3A_27] : memref<5000xi32, #tpu.memory_space<vmem>> -> memref<8xi32, #tpu.memory_space<vmem>>
    %dma_start3A_29 = arith.constant 0 : i32
    %dma_start3A_30 = arith.constant 0 : i32
    %dma_start3A_31 = tpu.memref_slice %arg2[%dma_start3A_29, %dma_start3A_30] : memref<10000x64xi32, #tpu.memory_space<hbm>> -> memref<10000x64xi32, #tpu.memory_space<hbm>>
    tpu.enqueue_indirect_dma source(%dma_start3A_31 : memref<10000x64xi32, #tpu.memory_space<hbm>>) target(%dma_start3A_26 : memref<8x64xi32, #tpu.memory_space<vmem>>) offsets(%dma_start3A_28 : memref<8xi32, #tpu.memory_space<vmem>>) semaphore(%arg18 : memref<!tpu.dma_semaphore, #tpu.memory_space<semaphore_mem>>)
    %dma_start3A_32 = arith.constant 0 : i32
    %dma_start3A_33 = arith.constant 0 : i32
    %dma_start3A_34 = tpu.memref_slice %arg12[%dma_start3A_32, %dma_start3A_33] : memref<128x64xi32, #tpu.memory_space<vmem>> -> memref<8x64xi32, #tpu.memory_space<vmem>>
    %dma_start3A_35 = arith.constant 4992 : i32
    %dma_start3A_36 = tpu.memref_slice %arg8[%dma_start3A_35] : memref<5000xi32, #tpu.memory_space<vmem>> -> memref<8xi32, #tpu.memory_space<vmem>>
    %dma_start3A_37 = arith.constant 0 : i32
    %dma_start3A_38 = arith.constant 0 : i32
    %dma_start3A_39 = tpu.memref_slice %arg3[%dma_start3A_37, %dma_start3A_38] : memref<10000x64xi32, #tpu.memory_space<hbm>> -> memref<10000x64xi32, #tpu.memory_space<hbm>>
    tpu.enqueue_indirect_dma source(%dma_start3A_39 : memref<10000x64xi32, #tpu.memory_space<hbm>>) target(%dma_start3A_34 : memref<8x64xi32, #tpu.memory_space<vmem>>) offsets(%dma_start3A_36 : memref<8xi32, #tpu.memory_space<vmem>>) semaphore(%arg21 : memref<!tpu.dma_semaphore, #tpu.memory_space<semaphore_mem>>)
    %dma_wait3A_40 = arith.constant 0 : i32
    %dma_wait3A_41 = arith.constant 0 : i32
    %dma_wait3A_42 = tpu.memref_slice %arg9[%dma_wait3A_40, %dma_wait3A_41] : memref<128x64xi32, #tpu.memory_space<vmem>> -> memref<8x64xi32, #tpu.memory_space<vmem>>
    %dma_wait3A_43 = arith.constant 4992 : i32
    %dma_wait3A_44 = tpu.memref_slice %arg7[%dma_wait3A_43] : memref<5000xi32, #tpu.memory_space<vmem>> -> memref<8xi32, #tpu.memory_space<vmem>>
    %dma_wait3A_45 = arith.constant 0 : i32
    %dma_wait3A_46 = arith.constant 0 : i32
    %dma_wait3A_47 = tpu.memref_slice %arg2[%dma_wait3A_45, %dma_wait3A_46] : memref<10000x64xi32, #tpu.memory_space<hbm>> -> memref<10000x64xi32, #tpu.memory_space<hbm>>
    tpu.wait_indirect_dma semaphore(%arg18 : memref<!tpu.dma_semaphore, #tpu.memory_space<semaphore_mem>>) src(%dma_wait3A_47 : memref<10000x64xi32, #tpu.memory_space<hbm>>) dst(%dma_wait3A_42 : memref<8x64xi32, #tpu.memory_space<vmem>>)
    %dma_wait3A_48 = arith.constant 0 : i32
    %dma_wait3A_49 = arith.constant 0 : i32
    %dma_wait3A_50 = tpu.memref_slice %arg12[%dma_wait3A_48, %dma_wait3A_49] : memref<128x64xi32, #tpu.memory_space<vmem>> -> memref<8x64xi32, #tpu.memory_space<vmem>>
    %dma_wait3A_51 = arith.constant 4992 : i32
    %dma_wait3A_52 = tpu.memref_slice %arg8[%dma_wait3A_51] : memref<5000xi32, #tpu.memory_space<vmem>> -> memref<8xi32, #tpu.memory_space<vmem>>
    %dma_wait3A_53 = arith.constant 0 : i32
    %dma_wait3A_54 = arith.constant 0 : i32
    %dma_wait3A_55 = tpu.memref_slice %arg3[%dma_wait3A_53, %dma_wait3A_54] : memref<10000x64xi32, #tpu.memory_space<hbm>> -> memref<10000x64xi32, #tpu.memory_space<hbm>>
    tpu.wait_indirect_dma semaphore(%arg21 : memref<!tpu.dma_semaphore, #tpu.memory_space<semaphore_mem>>) src(%dma_wait3A_55 : memref<10000x64xi32, #tpu.memory_space<hbm>>) dst(%dma_wait3A_50 : memref<8x64xi32, #tpu.memory_space<vmem>>)
    %parallel_loop3A = arith.constant 0 : i32
    %parallel_loop3A_56 = arith.constant 8 : i32
    %parallel_loop3A_57 = arith.constant 1 : i32
    %parallel_loop3A_58 = arith.constant -65536 : i32
    scf.for %parallel_loop3A_61 = %parallel_loop3A to %parallel_loop3A_56 step %parallel_loop3A_57  : i32 {
      %parallel_loop3A_62 = arith.index_cast %parallel_loop3A_61 : i32 to index
      %parallel_loop3A_63 = arith.constant 0 : index
      %parallel_loop3A_64 = tpu.vector_load %arg9[%parallel_loop3A_62, %parallel_loop3A_63] {strides = array<i32>} : memref<128x64xi32, #tpu.memory_space<vmem>>, vector<1x16xi32>,
      %parallel_loop3A_65 = vector.shape_cast %parallel_loop3A_64 : vector<1x16xi32> to vector<16xi32>
      %parallel_loop3A_66 = arith.index_cast %parallel_loop3A_61 : i32 to index
      %parallel_loop3A_67 = arith.constant 0 : index
      %parallel_loop3A_68 = tpu.vector_load %arg12[%parallel_loop3A_66, %parallel_loop3A_67] {strides = array<i32>} : memref<128x64xi32, #tpu.memory_space<vmem>>, vector<1x16xi32>,
      %parallel_loop3A_69 = vector.shape_cast %parallel_loop3A_68 : vector<1x16xi32> to vector<16xi32>
      %parallel_loop3A_70 = arith.constant 16 : i32
      %parallel_loop3A_71 = vector.broadcast %parallel_loop3A_70 : i32 to vector<16xi32>
      %parallel_loop3A_72 = arith.shli %parallel_loop3A_65, %parallel_loop3A_71 : vector<16xi32>
      %parallel_loop3A_73 = tpu.bitcast %parallel_loop3A_72 : vector<16xi32> -> vector<16xf32>
      %parallel_loop3A_74 = arith.constant 16 : i32
      %parallel_loop3A_75 = vector.broadcast %parallel_loop3A_74 : i32 to vector<16xi32>
      %parallel_loop3A_76 = arith.shli %parallel_loop3A_69, %parallel_loop3A_75 : vector<16xi32>
      %parallel_loop3A_77 = tpu.bitcast %parallel_loop3A_76 : vector<16xi32> -> vector<16xf32>
      %parallel_loop3A_78 = arith.addf %parallel_loop3A_73, %parallel_loop3A_77 : vector<16xf32>
      %parallel_loop3A_79 = vector.broadcast %parallel_loop3A_58 : i32 to vector<16xi32>
      %parallel_loop3A_80 = arith.andi %parallel_loop3A_65, %parallel_loop3A_79 : vector<16xi32>
      %parallel_loop3A_81 = tpu.bitcast %parallel_loop3A_80 : vector<16xi32> -> vector<16xf32>
      %parallel_loop3A_82 = vector.broadcast %parallel_loop3A_58 : i32 to vector<16xi32>
      %parallel_loop3A_83 = arith.andi %parallel_loop3A_69, %parallel_loop3A_82 : vector<16xi32>
      %parallel_loop3A_84 = tpu.bitcast %parallel_loop3A_83 : vector<16xi32> -> vector<16xf32>
      %parallel_loop3A_85 = arith.addf %parallel_loop3A_81, %parallel_loop3A_84 : vector<16xf32>
      %parallel_loop3A_86 = arith.index_cast %parallel_loop3A_61 : i32 to index
      %parallel_loop3A_87 = arith.constant 0 : index
      %parallel_loop3A_88 = tpu.vector_load %arg15[%parallel_loop3A_86, %parallel_loop3A_87] {strides = array<i32>} : memref<128x128xf32, #tpu.memory_space<vmem>>, vector<1x16xf32>,
      %parallel_loop3A_89 = vector.shape_cast %parallel_loop3A_88 : vector<1x16xf32> to vector<16xf32>
      %parallel_loop3A_90 = vector.shape_cast %parallel_loop3A_78 : vector<16xf32> to vector<1x16xf32>
      tpu.vector_store %arg15[%parallel_loop3A_86, %parallel_loop3A_87], %parallel_loop3A_90 {strides = array<i32>} : memref<128x128xf32, #tpu.memory_space<vmem>>, vector<1x16xf32>,
      %parallel_loop3A_91 = arith.index_cast %parallel_loop3A_61 : i32 to index
      %parallel_loop3A_92 = arith.constant 16 : index
      %parallel_loop3A_93 = tpu.vector_load %arg15[%parallel_loop3A_91, %parallel_loop3A_92] {strides = array<i32>} : memref<128x128xf32, #tpu.memory_space<vmem>>, vector<1x16xf32>,
      %parallel_loop3A_94 = vector.shape_cast %parallel_loop3A_93 : vector<1x16xf32> to vector<16xf32>
      %parallel_loop3A_95 = vector.shape_cast %parallel_loop3A_85 : vector<16xf32> to vector<1x16xf32>
      tpu.vector_store %arg15[%parallel_loop3A_91, %parallel_loop3A_92], %parallel_loop3A_95 {strides = array<i32>} : memref<128x128xf32, #tpu.memory_space<vmem>>, vector<1x16xf32>,
      %parallel_loop3A_96 = arith.index_cast %parallel_loop3A_61 : i32 to index
      %parallel_loop3A_97 = arith.constant 16 : index
      %parallel_loop3A_98 = tpu.vector_load %arg9[%parallel_loop3A_96, %parallel_loop3A_97] {strides = array<i32>} : memref<128x64xi32, #tpu.memory_space<vmem>>, vector<1x16xi32>,
      %parallel_loop3A_99 = vector.shape_cast %parallel_loop3A_98 : vector<1x16xi32> to vector<16xi32>
      %parallel_loop3A_100 = arith.index_cast %parallel_loop3A_61 : i32 to index
      %parallel_loop3A_101 = arith.constant 16 : index
      %parallel_loop3A_102 = tpu.vector_load %arg12[%parallel_loop3A_100, %parallel_loop3A_101] {strides = array<i32>} : memref<128x64xi32, #tpu.memory_space<vmem>>, vector<1x16xi32>,
      %parallel_loop3A_103 = vector.shape_cast %parallel_loop3A_102 : vector<1x16xi32> to vector<16xi32>
      %parallel_loop3A_104 = arith.constant 16 : i32
      %parallel_loop3A_105 = vector.broadcast %parallel_loop3A_104 : i32 to vector<16xi32>
      %parallel_loop3A_106 = arith.shli %parallel_loop3A_99, %parallel_loop3A_105 : vector<16xi32>
      %parallel_loop3A_107 = tpu.bitcast %parallel_loop3A_106 : vector<16xi32> -> vector<16xf32>
      %parallel_loop3A_108 = arith.constant 16 : i32
      %parallel_loop3A_109 = vector.broadcast %parallel_loop3A_108 : i32 to vector<16xi32>
      %parallel_loop3A_110 = arith.shli %parallel_loop3A_103, %parallel_loop3A_109 : vector<16xi32>
      %parallel_loop3A_111 = tpu.bitcast %parallel_loop3A_110 : vector<16xi32> -> vector<16xf32>
      %parallel_loop3A_112 = arith.addf %parallel_loop3A_107, %parallel_loop3A_111 : vector<16xf32>
      %parallel_loop3A_113 = vector.broadcast %parallel_loop3A_58 : i32 to vector<16xi32>
      %parallel_loop3A_114 = arith.andi %parallel_loop3A_99, %parallel_loop3A_113 : vector<16xi32>
      %parallel_loop3A_115 = tpu.bitcast %parallel_loop3A_114 : vector<16xi32> -> vector<16xf32>
      %parallel_loop3A_116 = vector.broadcast %parallel_loop3A_58 : i32 to vector<16xi32>
      %parallel_loop3A_117 = arith.andi %parallel_loop3A_103, %parallel_loop3A_116 : vector<16xi32>
      %parallel_loop3A_118 = tpu.bitcast %parallel_loop3A_117 : vector<16xi32> -> vector<16xf32>
      %parallel_loop3A_119 = arith.addf %parallel_loop3A_115, %parallel_loop3A_118 : vector<16xf32>
      %parallel_loop3A_120 = arith.index_cast %parallel_loop3A_61 : i32 to index
      %parallel_loop3A_121 = arith.constant 32 : index
      %parallel_loop3A_122 = tpu.vector_load %arg15[%parallel_loop3A_120, %parallel_loop3A_121] {strides = array<i32>} : memref<128x128xf32, #tpu.memory_space<vmem>>, vector<1x16xf32>,
      %parallel_loop3A_123 = vector.shape_cast %parallel_loop3A_122 : vector<1x16xf32> to vector<16xf32>
      %parallel_loop3A_124 = vector.shape_cast %parallel_loop3A_112 : vector<16xf32> to vector<1x16xf32>
      tpu.vector_store %arg15[%parallel_loop3A_120, %parallel_loop3A_121], %parallel_loop3A_124 {strides = array<i32>} : memref<128x128xf32, #tpu.memory_space<vmem>>, vector<1x16xf32>,
      %parallel_loop3A_125 = arith.index_cast %parallel_loop3A_61 : i32 to index
      %parallel_loop3A_126 = arith.constant 48 : index
      %parallel_loop3A_127 = tpu.vector_load %arg15[%parallel_loop3A_125, %parallel_loop3A_126] {strides = array<i32>} : memref<128x128xf32, #tpu.memory_space<vmem>>, vector<1x16xf32>,
      %parallel_loop3A_128 = vector.shape_cast %parallel_loop3A_127 : vector<1x16xf32> to vector<16xf32>
      %parallel_loop3A_129 = vector.shape_cast %parallel_loop3A_119 : vector<16xf32> to vector<1x16xf32>
      tpu.vector_store %arg15[%parallel_loop3A_125, %parallel_loop3A_126], %parallel_loop3A_129 {strides = array<i32>} : memref<128x128xf32, #tpu.memory_space<vmem>>, vector<1x16xf32>,
      %parallel_loop3A_130 = arith.index_cast %parallel_loop3A_61 : i32 to index
      %parallel_loop3A_131 = arith.constant 32 : index
      %parallel_loop3A_132 = tpu.vector_load %arg9[%parallel_loop3A_130, %parallel_loop3A_131] {strides = array<i32>} : memref<128x64xi32, #tpu.memory_space<vmem>>, vector<1x16xi32>,
      %parallel_loop3A_133 = vector.shape_cast %parallel_loop3A_132 : vector<1x16xi32> to vector<16xi32>
      %parallel_loop3A_134 = arith.index_cast %parallel_loop3A_61 : i32 to index
      %parallel_loop3A_135 = arith.constant 32 : index
      %parallel_loop3A_136 = tpu.vector_load %arg12[%parallel_loop3A_134, %parallel_loop3A_135] {strides = array<i32>} : memref<128x64xi32, #tpu.memory_space<vmem>>, vector<1x16xi32>,
      %parallel_loop3A_137 = vector.shape_cast %parallel_loop3A_136 : vector<1x16xi32> to vector<16xi32>
      %parallel_loop3A_138 = arith.constant 16 : i32
      %parallel_loop3A_139 = vector.broadcast %parallel_loop3A_138 : i32 to vector<16xi32>
      %parallel_loop3A_140 = arith.shli %parallel_loop3A_133, %parallel_loop3A_139 : vector<16xi32>
      %parallel_loop3A_141 = tpu.bitcast %parallel_loop3A_140 : vector<16xi32> -> vector<16xf32>
      %parallel_loop3A_142 = arith.constant 16 : i32
      %parallel_loop3A_143 = vector.broadcast %parallel_loop3A_142 : i32 to vector<16xi32>
      %parallel_loop3A_144 = arith.shli %parallel_loop3A_137, %parallel_loop3A_143 : vector<16xi32>
      %parallel_loop3A_145 = tpu.bitcast %parallel_loop3A_144 : vector<16xi32> -> vector<16xf32>
      %parallel_loop3A_146 = arith.addf %parallel_loop3A_141, %parallel_loop3A_145 : vector<16xf32>
      %parallel_loop3A_147 = vector.broadcast %parallel_loop3A_58 : i32 to vector<16xi32>
      %parallel_loop3A_148 = arith.andi %parallel_loop3A_133, %parallel_loop3A_147 : vector<16xi32>
      %parallel_loop3A_149 = tpu.bitcast %parallel_loop3A_148 : vector<16xi32> -> vector<16xf32>
      %parallel_loop3A_150 = vector.broadcast %parallel_loop3A_58 : i32 to vector<16xi32>
      %parallel_loop3A_151 = arith.andi %parallel_loop3A_137, %parallel_loop3A_150 : vector<16xi32>
      %parallel_loop3A_152 = tpu.bitcast %parallel_loop3A_151 : vector<16xi32> -> vector<16xf32>
      %parallel_loop3A_153 = arith.addf %parallel_loop3A_149, %parallel_loop3A_152 : vector<16xf32>
      %parallel_loop3A_154 = arith.index_cast %parallel_loop3A_61 : i32 to index
      %parallel_loop3A_155 = arith.constant 64 : index
      %parallel_loop3A_156 = tpu.vector_load %arg15[%parallel_loop3A_154, %parallel_loop3A_155] {strides = array<i32>} : memref<128x128xf32, #tpu.memory_space<vmem>>, vector<1x16xf32>,
      %parallel_loop3A_157 = vector.shape_cast %parallel_loop3A_156 : vector<1x16xf32> to vector<16xf32>
      %parallel_loop3A_158 = vector.shape_cast %parallel_loop3A_146 : vector<16xf32> to vector<1x16xf32>
      tpu.vector_store %arg15[%parallel_loop3A_154, %parallel_loop3A_155], %parallel_loop3A_158 {strides = array<i32>} : memref<128x128xf32, #tpu.memory_space<vmem>>, vector<1x16xf32>,
      %parallel_loop3A_159 = arith.index_cast %parallel_loop3A_61 : i32 to index
      %parallel_loop3A_160 = arith.constant 80 : index
      %parallel_loop3A_161 = tpu.vector_load %arg15[%parallel_loop3A_159, %parallel_loop3A_160] {strides = array<i32>} : memref<128x128xf32, #tpu.memory_space<vmem>>, vector<1x16xf32>,
      %parallel_loop3A_162 = vector.shape_cast %parallel_loop3A_161 : vector<1x16xf32> to vector<16xf32>
      %parallel_loop3A_163 = vector.shape_cast %parallel_loop3A_153 : vector<16xf32> to vector<1x16xf32>
      tpu.vector_store %arg15[%parallel_loop3A_159, %parallel_loop3A_160], %parallel_loop3A_163 {strides = array<i32>} : memref<128x128xf32, #tpu.memory_space<vmem>>, vector<1x16xf32>,
      %parallel_loop3A_164 = arith.index_cast %parallel_loop3A_61 : i32 to index
      %parallel_loop3A_165 = arith.constant 48 : index
      %parallel_loop3A_166 = tpu.vector_load %arg9[%parallel_loop3A_164, %parallel_loop3A_165] {strides = array<i32>} : memref<128x64xi32, #tpu.memory_space<vmem>>, vector<1x16xi32>,
      %parallel_loop3A_167 = vector.shape_cast %parallel_loop3A_166 : vector<1x16xi32> to vector<16xi32>
      %parallel_loop3A_168 = arith.index_cast %parallel_loop3A_61 : i32 to index
      %parallel_loop3A_169 = arith.constant 48 : index
      %parallel_loop3A_170 = tpu.vector_load %arg12[%parallel_loop3A_168, %parallel_loop3A_169] {strides = array<i32>} : memref<128x64xi32, #tpu.memory_space<vmem>>, vector<1x16xi32>,
      %parallel_loop3A_171 = vector.shape_cast %parallel_loop3A_170 : vector<1x16xi32> to vector<16xi32>
      %parallel_loop3A_172 = arith.constant 16 : i32
      %parallel_loop3A_173 = vector.broadcast %parallel_loop3A_172 : i32 to vector<16xi32>
      %parallel_loop3A_174 = arith.shli %parallel_loop3A_167, %parallel_loop3A_173 : vector<16xi32>
      %parallel_loop3A_175 = tpu.bitcast %parallel_loop3A_174 : vector<16xi32> -> vector<16xf32>
      %parallel_loop3A_176 = arith.constant 16 : i32
      %parallel_loop3A_177 = vector.broadcast %parallel_loop3A_176 : i32 to vector<16xi32>
      %parallel_loop3A_178 = arith.shli %parallel_loop3A_171, %parallel_loop3A_177 : vector<16xi32>
      %parallel_loop3A_179 = tpu.bitcast %parallel_loop3A_178 : vector<16xi32> -> vector<16xf32>
      %parallel_loop3A_180 = arith.addf %parallel_loop3A_175, %parallel_loop3A_179 : vector<16xf32>
      %parallel_loop3A_181 = vector.broadcast %parallel_loop3A_58 : i32 to vector<16xi32>
      %parallel_loop3A_182 = arith.andi %parallel_loop3A_167, %parallel_loop3A_181 : vector<16xi32>
      %parallel_loop3A_183 = tpu.bitcast %parallel_loop3A_182 : vector<16xi32> -> vector<16xf32>
      %parallel_loop3A_184 = vector.broadcast %parallel_loop3A_58 : i32 to vector<16xi32>
      %parallel_loop3A_185 = arith.andi %parallel_loop3A_171, %parallel_loop3A_184 : vector<16xi32>
      %parallel_loop3A_186 = tpu.bitcast %parallel_loop3A_185 : vector<16xi32> -> vector<16xf32>
      %parallel_loop3A_187 = arith.addf %parallel_loop3A_183, %parallel_loop3A_186 : vector<16xf32>
      %parallel_loop3A_188 = arith.index_cast %parallel_loop3A_61 : i32 to index
      %parallel_loop3A_189 = arith.constant 96 : index
      %parallel_loop3A_190 = tpu.vector_load %arg15[%parallel_loop3A_188, %parallel_loop3A_189] {strides = array<i32>} : memref<128x128xf32, #tpu.memory_space<vmem>>, vector<1x16xf32>,
      %parallel_loop3A_191 = vector.shape_cast %parallel_loop3A_190 : vector<1x16xf32> to vector<16xf32>
      %parallel_loop3A_192 = vector.shape_cast %parallel_loop3A_180 : vector<16xf32> to vector<1x16xf32>
      tpu.vector_store %arg15[%parallel_loop3A_188, %parallel_loop3A_189], %parallel_loop3A_192 {strides = array<i32>} : memref<128x128xf32, #tpu.memory_space<vmem>>, vector<1x16xf32>,
      %parallel_loop3A_193 = arith.index_cast %parallel_loop3A_61 : i32 to index
      %parallel_loop3A_194 = arith.constant 112 : index
      %parallel_loop3A_195 = tpu.vector_load %arg15[%parallel_loop3A_193, %parallel_loop3A_194] {strides = array<i32>} : memref<128x128xf32, #tpu.memory_space<vmem>>, vector<1x16xf32>,
      %parallel_loop3A_196 = vector.shape_cast %parallel_loop3A_195 : vector<1x16xf32> to vector<16xf32>
      %parallel_loop3A_197 = vector.shape_cast %parallel_loop3A_187 : vector<16xf32> to vector<1x16xf32>
      tpu.vector_store %arg15[%parallel_loop3A_193, %parallel_loop3A_194], %parallel_loop3A_197 {strides = array<i32>} : memref<128x128xf32, #tpu.memory_space<vmem>>, vector<1x16xf32>,
    } {sc.loop_unroll_factor = 8 : i64, sc.parallel_access}
    %add3A_59 = arith.constant 4992 : i32
    %add3A_60 = arith.addi %mul3A_2, %add3A_59 : i32
    "tpu.region"() ({
      %run_scoped3A = tpu.sem_alloc : memref<!tpu.dma_semaphore, #tpu.memory_space<semaphore_mem>>
      %dma_start3A_61 = arith.constant 0 : i32
      %dma_start3A_62 = arith.constant 0 : i32
      %dma_start3A_63 = tpu.memref_slice %arg15[%dma_start3A_61, %dma_start3A_62] : memref<128x128xf32, #tpu.memory_space<vmem>> -> memref<8x128xf32, #tpu.memory_space<vmem>>
      %dma_start3A_64 = arith.constant 0 : i32
      %dma_start3A_65 = tpu.memref_slice %arg6[%add3A_60, %dma_start3A_64] : memref<160000x128xf32, #tpu.memory_space<hbm>> -> memref<8x128xf32, #tpu.memory_space<hbm>>
      %dma_start3A_66 = arith.constant 0 : i32
      %dma_start3A_67 = tpu.memref_slice %arg6[%add3A_60, %dma_start3A_66] : memref<160000x128xf32, #tpu.memory_space<hbm>> -> memref<8x128xf32, #tpu.memory_space<hbm>>
      %dma_start3A_68 = arith.constant 0 : i32
      %dma_start3A_69 = arith.constant 0 : i32
      %dma_start3A_70 = tpu.memref_slice %arg15[%dma_start3A_68, %dma_start3A_69] : memref<128x128xf32, #tpu.memory_space<vmem>> -> memref<8x128xf32, #tpu.memory_space<vmem>>
      tpu.enqueue_dma source(%dma_start3A_70 : memref<8x128xf32, #tpu.memory_space<vmem>>) target(%dma_start3A_67 : memref<8x128xf32, #tpu.memory_space<hbm>>) target_semaphore(%run_scoped3A : memref<!tpu.dma_semaphore, #tpu.memory_space<semaphore_mem>>)
      %dma_wait3A_71 = arith.constant 0 : i32
      %dma_wait3A_72 = arith.constant 0 : i32
      %dma_wait3A_73 = tpu.memref_slice %arg15[%dma_wait3A_71, %dma_wait3A_72] : memref<128x128xf32, #tpu.memory_space<vmem>> -> memref<8x128xf32, #tpu.memory_space<vmem>>
      %dma_wait3A_74 = arith.constant 0 : i32
      %dma_wait3A_75 = tpu.memref_slice %arg6[%add3A_60, %dma_wait3A_74] : memref<160000x128xf32, #tpu.memory_space<hbm>> -> memref<8x128xf32, #tpu.memory_space<hbm>>
      %dma_wait3A_76 = arith.constant 0 : i32
      %dma_wait3A_77 = tpu.memref_slice %arg6[%add3A_60, %dma_wait3A_76] : memref<160000x128xf32, #tpu.memory_space<hbm>> -> memref<8x128xf32, #tpu.memory_space<hbm>>
      %dma_wait3A_78 = arith.constant 0 : i32
      %dma_wait3A_79 = arith.constant 0 : i32
      %dma_wait3A_80 = tpu.memref_slice %arg15[%dma_wait3A_78, %dma_wait3A_79] : memref<128x128xf32, #tpu.memory_space<vmem>> -> memref<8x128xf32, #tpu.memory_space<vmem>>
      tpu.wait_dma2 semaphore(%run_scoped3A : memref<!tpu.dma_semaphore, #tpu.memory_space<semaphore_mem>>) src(%dma_wait3A_80 : memref<8x128xf32, #tpu.memory_space<vmem>>) dst(%dma_wait3A_77 : memref<8x128xf32, #tpu.memory_space<hbm>>)
      tpu.yield
    }) : () -> ()
    return
  }
}

module attributes {stable_mosaic.version = 14 : i64} {
  func.func @_node_transform_body(%arg0: i32, %arg1: memref<5000x128xf32, #tpu.memory_space<vmem>>, %arg2: memref<5000x128xf32, #tpu.memory_space<vmem>>, %arg3: memref<128x128xf32, #tpu.memory_space<vmem>>, %arg4: memref<128x128xf32, #tpu.memory_space<vmem>>, %arg5: memref<1x128xf32, #tpu.memory_space<vmem>>, %arg6: memref<1x128xf32, #tpu.memory_space<vmem>>, %arg7: memref<5000x64xi32, #tpu.memory_space<vmem>>, %arg8: memref<5000x64xi32, #tpu.memory_space<vmem>>) attributes {dimension_semantics = [#tpu.dimension_semantics<arbitrary>], iteration_bounds = array<i64: 2>, scalar_prefetch = 0 : i64, scratch_operands = 0 : i64, tpu.core_type = #tpu.core_type<tc>, window_params = [{transform_indices = @transform_0, window_bounds = array<i64: 5000, 128>}, {transform_indices = @transform_1, window_bounds = array<i64: 5000, 128>}, {pipeline_mode = #tpu.pipeline_mode<synchronous>, transform_indices = @transform_2, window_bounds = array<i64: 128, 128>}, {pipeline_mode = #tpu.pipeline_mode<synchronous>, transform_indices = @transform_3, window_bounds = array<i64: 128, 128>}, {pipeline_mode = #tpu.pipeline_mode<synchronous>, transform_indices = @transform_4, window_bounds = array<i64: 1, 128>}, {pipeline_mode = #tpu.pipeline_mode<synchronous>, transform_indices = @transform_5, window_bounds = array<i64: 1, 128>}, {transform_indices = @transform_6, window_bounds = array<i64: 5000, 64>}, {transform_indices = @transform_7, window_bounds = array<i64: 5000, 64>}]} {
    %get3A = arith.constant 0 : index
    %get3A_0 = arith.constant 0 : index
    %get3A_1 = vector.load %arg1[%get3A, %get3A_0] : memref<5000x128xf32, #tpu.memory_space<vmem>>, vector<5000x128xf32>
    %get3A_2 = arith.constant 0 : index
    %get3A_3 = arith.constant 0 : index
    %get3A_4 = vector.load %arg3[%get3A_2, %get3A_3] : memref<128x128xf32, #tpu.memory_space<vmem>>, vector<128x128xf32>
    %dot_general3A = arith.constant dense<0.000000e+00> : vector<5000x128xf32>
    %dot_general3A_5 = tpu.matmul %get3A_1, %get3A_4, %dot_general3A {dimension_numbers = #tpu.dot_dimension_numbers<[1], [0], [0], [1], [0, 0, 1, 1], [], []>, transpose_lhs_hint = false} : vector<5000x128xf32>, vector<128x128xf32>, vector<5000x128xf32> -> vector<5000x128xf32>
    %get3A_6 = arith.constant 0 : index
    %get3A_7 = arith.constant 0 : index
    %get3A_8 = vector.load %arg5[%get3A_6, %get3A_7] : memref<1x128xf32, #tpu.memory_space<vmem>>, vector<1x128xf32>
    %add3A = vector.broadcast %get3A_8 : vector<1x128xf32> to vector<5000x128xf32>
    %add3A_9 = arith.addf %dot_general3A_5, %add3A : vector<5000x128xf32>
    %convert_element_type3A = arith.truncf %add3A_9 : vector<5000x128xf32> to vector<5000x128xbf16>
    %bitcast_convert_type3A = tpu.bitcast %convert_element_type3A : vector<5000x128xbf16> -> vector<5000x128xi16>
    %convert_element_type3A_10 = arith.extui %bitcast_convert_type3A : vector<5000x128xi16> to vector<5000x128xi32>
    %slice3A = vector.extract_strided_slice %convert_element_type3A_10 {offsets = [0, 0], sizes = [5000, 64], strides = [1, 1]} : vector<5000x128xi32> to vector<5000x64xi32>
    %slice3A_11 = vector.extract_strided_slice %convert_element_type3A_10 {offsets = [0, 64], sizes = [5000, 64], strides = [1, 1]} : vector<5000x128xi32> to vector<5000x64xi32>
    %shift_left3A = arith.constant 16 : i32
    %shift_left3A_12 = vector.broadcast %shift_left3A : i32 to vector<5000x64xi32>
    %shift_left3A_13 = arith.shli %slice3A_11, %shift_left3A_12 : vector<5000x64xi32>
    %or3A = arith.ori %slice3A, %shift_left3A_13 : vector<5000x64xi32>
    %swap3A = arith.constant 0 : index
    %swap3A_14 = arith.constant 0 : index
    %swap3A_15 = vector.load %arg7[%swap3A, %swap3A_14] : memref<5000x64xi32, #tpu.memory_space<vmem>>, vector<5000x64xi32>
    tpu.vector_store %arg7[%swap3A, %swap3A_14], %or3A {strides = array<i32>} : memref<5000x64xi32, #tpu.memory_space<vmem>>, vector<5000x64xi32>,
    %get3A_16 = arith.constant 0 : index
    %get3A_17 = arith.constant 0 : index
    %get3A_18 = vector.load %arg2[%get3A_16, %get3A_17] : memref<5000x128xf32, #tpu.memory_space<vmem>>, vector<5000x128xf32>
    %get3A_19 = arith.constant 0 : index
    %get3A_20 = arith.constant 0 : index
    %get3A_21 = vector.load %arg4[%get3A_19, %get3A_20] : memref<128x128xf32, #tpu.memory_space<vmem>>, vector<128x128xf32>
    %dot_general3A_22 = arith.constant dense<0.000000e+00> : vector<5000x128xf32>
    %dot_general3A_23 = tpu.matmul %get3A_18, %get3A_21, %dot_general3A_22 {dimension_numbers = #tpu.dot_dimension_numbers<[1], [0], [0], [1], [0, 0, 1, 1], [], []>, transpose_lhs_hint = false} : vector<5000x128xf32>, vector<128x128xf32>, vector<5000x128xf32> -> vector<5000x128xf32>
    %get3A_24 = arith.constant 0 : index
    %get3A_25 = arith.constant 0 : index
    %get3A_26 = vector.load %arg6[%get3A_24, %get3A_25] : memref<1x128xf32, #tpu.memory_space<vmem>>, vector<1x128xf32>
    %add3A_27 = vector.broadcast %get3A_26 : vector<1x128xf32> to vector<5000x128xf32>
    %add3A_28 = arith.addf %dot_general3A_23, %add3A_27 : vector<5000x128xf32>
    %convert_element_type3A_29 = arith.truncf %add3A_28 : vector<5000x128xf32> to vector<5000x128xbf16>
    %bitcast_convert_type3A_30 = tpu.bitcast %convert_element_type3A_29 : vector<5000x128xbf16> -> vector<5000x128xi16>
    %convert_element_type3A_31 = arith.extui %bitcast_convert_type3A_30 : vector<5000x128xi16> to vector<5000x128xi32>
    %slice3A_32 = vector.extract_strided_slice %convert_element_type3A_31 {offsets = [0, 0], sizes = [5000, 64], strides = [1, 1]} : vector<5000x128xi32> to vector<5000x64xi32>
    %slice3A_33 = vector.extract_strided_slice %convert_element_type3A_31 {offsets = [0, 64], sizes = [5000, 64], strides = [1, 1]} : vector<5000x128xi32> to vector<5000x64xi32>
    %shift_left3A_34 = arith.constant 16 : i32
    %shift_left3A_35 = vector.broadcast %shift_left3A_34 : i32 to vector<5000x64xi32>
    %shift_left3A_36 = arith.shli %slice3A_33, %shift_left3A_35 : vector<5000x64xi32>
    %or3A_37 = arith.ori %slice3A_32, %shift_left3A_36 : vector<5000x64xi32>
    %swap3A_38 = arith.constant 0 : index
    %swap3A_39 = arith.constant 0 : index
    %swap3A_40 = vector.load %arg8[%swap3A_38, %swap3A_39] : memref<5000x64xi32, #tpu.memory_space<vmem>>, vector<5000x64xi32>
    tpu.vector_store %arg8[%swap3A_38, %swap3A_39], %or3A_37 {strides = array<i32>} : memref<5000x64xi32, #tpu.memory_space<vmem>>, vector<5000x64xi32>,
    return
  }
  func.func @transform_0(%arg0: i32) -> (i32, i32) {
    %c0_i32 = arith.constant 0 : i32
    %c0_i32_0 = arith.constant 0 : i32
    return %arg0, %c0_i32 : i32, i32
  }
  func.func @transform_1(%arg0: i32) -> (i32, i32) {
    %c0_i32 = arith.constant 0 : i32
    %c0_i32_0 = arith.constant 0 : i32
    return %arg0, %c0_i32 : i32, i32
  }
  func.func @transform_2(%arg0: i32) -> (i32, i32) {
    %c0_i32 = arith.constant 0 : i32
    %c0_i32_0 = arith.constant 0 : i32
    %c0_i32_1 = arith.constant 0 : i32
    return %c0_i32, %c0_i32_0 : i32, i32
  }
  func.func @transform_3(%arg0: i32) -> (i32, i32) {
    %c0_i32 = arith.constant 0 : i32
    %c0_i32_0 = arith.constant 0 : i32
    %c0_i32_1 = arith.constant 0 : i32
    return %c0_i32, %c0_i32_0 : i32, i32
  }
  func.func @transform_4(%arg0: i32) -> (i32, i32) {
    %c0_i32 = arith.constant 0 : i32
    %c0_i32_0 = arith.constant 0 : i32
    %c0_i32_1 = arith.constant 0 : i32
    return %c0_i32, %c0_i32_0 : i32, i32
  }
  func.func @transform_5(%arg0: i32) -> (i32, i32) {
    %c0_i32 = arith.constant 0 : i32
    %c0_i32_0 = arith.constant 0 : i32
    %c0_i32_1 = arith.constant 0 : i32
    return %c0_i32, %c0_i32_0 : i32, i32
  }
  func.func @transform_6(%arg0: i32) -> (i32, i32) {
    %c0_i32 = arith.constant 0 : i32
    %c0_i32_0 = arith.constant 0 : i32
    return %arg0, %c0_i32 : i32, i32
  }
  func.func @transform_7(%arg0: i32) -> (i32, i32) {
    %c0_i32 = arith.constant 0 : i32
    %c0_i32_0 = arith.constant 0 : i32
    return %arg0, %c0_i32 : i32, i32
  }
}

</mosaic_0001>

<sc_bundles>
// kernel: kernel.4.cloned.1.call-start
scs
__scs_entry_jumppad:
0x0: {  	(pc) =	sbr.rel $0x88, $3  }
0x1: {  	(tag) =	ssettag $0x0;
	lr =	simm.s32 $0x1  }
0x2: {  	[smem:$0x3F99] =	sst lr;
	_ =	strace $0xD0000000  }
0x3: {  	_ = 	snop  }
0x4: {  	_ = 	snop  }
0x5: {  	_ = 	snop  }
0x6: {  	_ = 	snop  }
0x7: {  	_ = 	snop  }
__scs_overlays_trampoline_lowered:
0x8: {  	[smem:$0x3FA8] =	sst s0  }
0x9: {  	[smem:$0x3FA9] =	sst s1  }
0xa: {  	[smem:$0x3FAA] =	sst s2  }
0xb: {  	[smem:$0x3FAB] =	sst s3  }
0xc: {  	[smem:$0x3FAC] =	sst s4  }
0xd: {  	[smem:$0x3FAD] =	sst s5  }
0xe: {  	[smem:$0x3FAE] =	sst s6  }
0xf: {  	[smem:$0x3FAF] =	sst s7  }
0x10: {  	[smem:$0x3FB0] =	sst s8  }
0x11: {  	[smem:$0x3FB1] =	sst s9;
	s0 =	simm.s32 @!p0 $0x0  }
0x12: {  	s1 =	sld [smem:$0x3F97];
	s0 =	simm.s32 @p0 $0x1  }
0x13: {  	[smem:$0x3FB2] =	sst s0;
	s0 =	simm.s32 @!p1 $0x0  }
0x14: {  	s2 =	sld [smem:$0x3F96];
	s0 =	simm.s32 @p1 $0x1  }
0x15: {  	[smem:$0x3FB3] =	sst s0;
	s0 =	simm.s32 @!p2 $0x0  }
0x16: {  	s3 =	sld [smem:$0x3FDB];
	s0 =	simm.s32 @p2 $0x1  }
0x17: {  	s4 =	simm.s32 $0x1BF5;
	[smem:$0x3FB5] =	sst s0  }
0x18: {  	s0 =	sld [smem:$0x3F98];
	_ =	swait.ge [sflag:s4], $0x0  }
0x19: {  	s7 =	sld [smem:$0x3F99]  }
0x1a: {  	s8 =	sadd.s32 $0xFFFFE003, lr  }
0x1b: {  	s9 =	sadd.s32 $0xFFFFFEF7, lr;
	s5 =	simm.s32 $0xFFFFFFFF;
	p2 =	slt.u32 s8, $0xFFFFF086  }
0x1c: {  	p1 =	slt.u32 s9, $0xF7A;
	s5 =	simm.s32 @!p2 $0x0  }
0x1d: {  	s5 =	simm.s32 @p1 $0x1;
	p0 =	seq.s32 s7, s2  }
0x1e: {  	s7 =	smul.u32 @!p0 $0xF7A, s2;
	p2 =	seq.s32 @!p0 s5, $0x0  }
0x1f: {  	s9 =	smul.u32 $0xF7A, s1;
	s8 =	simm.s32 @!p0 $0x1BF5;
	p2 =	por !p2, p0  }
0x20: {  	[sflag:s8] =	ssyncset.s32 @!p0 $0xFFFFF086;
	s6 =	sadd.s32 @!p0 s3, s7;
	s7 =	simm.s32 @!p0 $0x108  }
0x21: {  	s3 =	sadd.s32 s3, s9;
	s6 =	sadd.s32 @!p0 $0x88, s6;
	s7 =	simm.s32 @p2 $0x1082  }
0x22: {  	[simem:s7], [sflag:s8] =	dma.local @!p0 [hbm:s6], $0xF7A  }
0x23: {  	s9 =	sor.u32 $0xD0000000, s2;
	s6 =	simm.s32 $0x108;
	_ =	swait.ge @!p0 [sflag:s8], $0x0  }
0x24: {  	s3 =	sadd.s32 $0x88, s3;
	s6 =	simm.s32 @!p1 $0x1082;
	[sflag:s4] =	ssyncset.s32 $0xFFFFF086  }
0x25: {  	[simem:s6], [sflag:s4] =	dma.local [hbm:s3], $0xF7A  }
0x26: {  	[smem:$0x3F99] =	sst s1;
	(tag) =	ssettag s2;
	_ =	strace s9  }
0x27: {  	s1 =	sld [smem:$0x3FA9]  }
0x28: {  	s2 =	sld [smem:$0x3FAA]  }
0x29: {  	s4 =	sld [smem:$0x3FAC]  }
0x2a: {  	p0 =	seq.s32 s5, $0x0;
	s5 =	sld [smem:$0x3FAD]  }
0x2b: {  	s6 =	sld [smem:$0x3FAE]  }
0x2c: {  	s7 =	sld [smem:$0x3FAF]  }
0x2d: {  	s3 =	simm.s32 $0x108;
	s8 =	sld [smem:$0x3FB0]  }
0x2e: {  	s3 =	simm.s32 @!p0 $0x1082;
	s9 =	sld [smem:$0x3FB1]  }
0x2f: {  	lr =	sadd.s32 s0, s3;
	s0 =	sld [smem:$0x3FA8]  }
0x30: {  	s3 =	sld [smem:$0x3FAB]  }
0x31: {  	[smem:$0x3FB4] =	sst s10  }
0x32: {  	s10 =	sld [smem:$0x3FB2];
	_ =	sdelay $0x3  }
0x33: {  	p0 =	seq.s32 s10, $0x1;
	s10 =	sld [smem:$0x3FB4];
	_ =	sdelay $0x3  }
0x34: {  	[smem:$0x3FB4] =	sst s10  }
0x35: {  	s10 =	sld [smem:$0x3FB3];
	_ =	sdelay $0x3  }
0x36: {  	p1 =	seq.s32 s10, $0x1;
	s10 =	sld [smem:$0x3FB4];
	_ =	sdelay $0x3  }
0x37: {  	[smem:$0x3FB4] =	sst s10  }
0x38: {  	s10 =	sld [smem:$0x3FB5]  }
0x39: {  	_ = 	snop;
	(pc) =	sbr.ind lr, $3  }
0x3a: {  	_ = 	snop  }
0x3b: {  	_ = 	snop  }
0x3c: {  	p2 =	seq.s32 s10, $0x1;
	s10 =	sld [smem:$0x3FB4]  }
0x3d: {  	_ =	shalt  }
0x3e: {  	_ =	shalt  }
0x3f: {  	_ =	shalt  }
0x40: {  	_ =	shalt  }
0x41: {  	_ =	shalt  }
0x42: {  	_ =	shalt  }
0x43: {  	_ =	shalt  }
0x44: {  	_ =	shalt  }
0x45: {  	_ =	shalt  }
0x46: {  	_ =	shalt  }
0x47: {  	_ =	shalt  }
0x48: {  	_ =	shalt  }
0x49: {  	_ =	shalt  }
0x4a: {  	_ =	shalt  }
0x4b: {  	_ =	shalt  }
0x4c: {  	_ =	shalt  }
0x4d: {  	_ =	shalt  }
0x4e: {  	_ =	shalt  }
0x4f: {  	_ =	shalt  }
0x50: {  	_ =	shalt  }
0x51: {  	_ =	shalt  }
0x52: {  	_ =	shalt  }
0x53: {  	_ =	shalt  }
0x54: {  	_ =	shalt  }
0x55: {  	_ =	shalt  }
0x56: {  	_ =	shalt  }
0x57: {  	_ =	shalt  }
0x58: {  	_ =	shalt  }
0x59: {  	_ =	shalt  }
0x5a: {  	_ =	shalt  }
0x5b: {  	_ =	shalt  }
0x5c: {  	_ =	shalt  }
0x5d: {  	_ =	shalt  }
0x5e: {  	_ =	shalt  }
0x5f: {  	_ =	shalt  }
0x60: {  	_ =	shalt  }
0x61: {  	_ =	shalt  }
0x62: {  	_ =	shalt  }
0x63: {  	_ =	shalt  }
0x64: {  	_ =	shalt  }
0x65: {  	_ =	shalt  }
0x66: {  	_ =	shalt  }
0x67: {  	_ =	shalt  }
0x68: {  	_ =	shalt  }
0x69: {  	_ =	shalt  }
0x6a: {  	_ =	shalt  }
0x6b: {  	_ =	shalt  }
0x6c: {  	_ =	shalt  }
0x6d: {  	_ =	shalt  }
0x6e: {  	_ =	shalt  }
0x6f: {  	_ =	shalt  }
0x70: {  	_ =	shalt  }
0x71: {  	_ =	shalt  }
0x72: {  	_ =	shalt  }
0x73: {  	_ =	shalt  }
0x74: {  	_ =	shalt  }
0x75: {  	_ =	shalt  }
0x76: {  	_ =	shalt  }
0x77: {  	_ =	shalt  }
0x78: {  	_ =	shalt  }
0x79: {  	_ =	shalt  }
0x7a: {  	_ =	shalt  }
0x7b: {  	_ =	shalt  }
0x7c: {  	_ =	shalt  }
0x7d: {  	_ =	shalt  }
0x7e: {  	_ =	shalt  }
0x7f: {  	_ =	shalt  }
0x80: {  	_ =	shalt  }
0x81: {  	_ =	shalt  }
0x82: {  	_ =	shalt  }
0x83: {  	_ =	shalt  }
0x84: {  	_ =	shalt  }
0x85: {  	_ =	shalt  }
0x86: {  	_ =	shalt  }
0x87: {  	_ =	shalt  }
.Lfunc_end0:
.L_simem_size_0:
called_computation_lowered:
.L_overlay_start_0:
0x88: {  	s2 =	sld [smem:$0x3FD9]  }
0x89: {  	s3 =	sld [smem:$0x3FFE];
	_ =	sdelay $0x1  }
0x8a: {  	s1 =	srdreg.scid  }
0x8b: {  	s0 =	sand.u32 $0x1, s1  }
0x8c: {  	s17 =	sshll.u32 s0, $0xA;
	s2 =	sadd.s32 s3, s2  }
0x8d: {  	s2 =	sadd.s32 s2, s17  }
0x8e: {  	[smem:$0x3FC0] =	sst s2  }
0x8f: {  	_ = 	snop  }
0x90: {  	s2 =	sld [smem:$0x3FC7]  }
0x91: {  	s18 =	sld [smem:$0x3FC6]  }
0x92: {  	s4 =	sld [smem:$0x3FD0];
	(tm) =	ssettm $0x1  }
0x93: {  	s5 =	sld [smem:$0x3FFB];
	_ =	sdelay $0x3  }
0x94: {  	_ =	strace s5  }
0x95: {  	s5 =	sld [smem:$0x3FFC];
	_ =	sdelay $0x3  }
0x96: {  	_ =	strace s5  }
0x97: {  	s5 =	sld [smem:$0x3FFD];
	_ =	sdelay $0x3  }
0x98: {  	_ =	strace s5  }
0x99: {  	_ =	strace $0x8FFFFFFF  }
0x9a: {  	s19 =	sld [smem:$0x3FDB];
	_ =	sdelay $0x1  }
0x9b: {  	s6 =	simm.s32 $_scs_section_size  }
0x9c: {  	s7 =	simm.s32 $_size__tile_overlayer_lowered;
	s8 =	simm.s32 $_tile_overlayer_lowered  }
0x9d: {  	s22 =	simm.s32 $0x1BFF;
	s21 =	sshll.u32 s8, $0x1;
	s5 =	sadd.s32 s6, s19  }
0x9e: {  	s9 =	simm.s32 $0x0;
	s20 =	sshll.u32 s7, $0x1;
	s7 =	sadd.s32 s21, s5  }
0x9f: {  	[timem:s9], [sflag:s22] =	dma.local [hbm:s7], s20  }
0xa0: {  	_ =	swait.ge [sflag:s22], s20  }
0xa1: {  	s6 =	ssub.s32 $0x0, s20;
	[sflag:s22] =	ssyncset.done $0x0  }
0xa2: {  	[sflag:s22] =	ssyncadd.s32 s6;
	_ =	sdelay $0x1  }
0xa3: {  	s23 =	simm.s32 $0x1B8B  }
0xa4: {  	_ =	swait.ge [sflag:s23], $0x1  }
0xa5: {  	[sflag:s23] =	ssyncset.done $0x0  }
0xa6: {  	s25 =	simm.s32 $0x1B8E;
	s24 =	sld [smem:$0x3FFE];
	[sflag:s23] =	ssyncadd.s32 $0xFFFFFFFF  }
0xa7: {  	s26 =	simm.s32 $execute0_lowered;
	[smem:$0x3FD2] =	sst s25  }
0xa8: {  	s7 =	sshll.u32 s26, $0x1;
	_ =	strace $0x80000046;
	[dreg:$0x1] =	wrdreg $0xFFFFFFFF  }
0xa9: {  	s28 =	simm.s32 $_size_execute0_lowered;
	s5 =	sadd.s32 s5, s7;
	[dreg:$0x0] =	wrdreg $0x0  }
0xaa: {  	s7 =	sshll.u32 s28, $0x1;
	[dreg:$0x2] =	wrdreg s5  }
0xab: {  	[dreg:$0x3] =	wrdreg s7  }
0xac: {  	[dreg:$0x4] =	wrdreg $0xC0  }
0xad: {  	_ =	task [dreg:s9], $0x5FFFF  }
0xae: {  	[dreg:$0x1] =	wrdreg $0xFFFFFFFF  }
0xaf: {  	[dreg:$0x0] =	wrdreg $0x60  }
0xb0: {  	[dreg:$0x2] =	wrdreg s24  }
0xb1: {  	[dreg:$0x3] =	wrdreg s2  }
0xb2: {  	[dreg:$0x4] =	wrdreg s18  }
0xb3: {  	[dreg:$0x5] =	wrdreg s4  }
0xb4: {  	[dreg:$0x6] =	wrdreg $0x9  }
0xb5: {  	_ =	task.clear_ibuf [dreg:s9], $0x7FFFF;
	_ =	strace $0x90000046  }
0xb6: {  	s29 =	simm.s32 $0x9;
	_ =	strace $0x80000048  }
0xb7: {  	_ =	swait.ge [sflag:s29], $0x1  }
0xb8: {  	[sflag:s29] =	ssyncadd.s32 $0xFFFFFFFF  }
0xb9: {  	_ =	strace $0x90000048  }
0xba: {  	_ =	sfence  }
0xbb: {  	s30 =	sld [smem:$0x0];
	_ =	sdelay $0x2  }
0xbc: {  	s31 =	sshll.u32 s1, $0xD;
	s1 =	sshrl.u32 s1, $0x2  }
0xbd: {  	s3 =	sand.u32 $0x4000, s31;
	s1 =	sadd.s32 s1, s30  }
0xbe: {  	s0 =	sor.u32 s3, s0;
	s1 =	sshll.u32 s1, $0x11  }
0xbf: {  	s0 =	sor.u32 s1, s0  }
0xc0: {  	s0 =	sadd.s32 $0x8F2B, s0  }
0xc1: {  	[sflag:s0] =	ssyncadd.remote.s32 $0x1  }
0xc2: {  	_ =	sfence.sel $0xFFFF  }
0xc3: {  	[dreg:$0x0] =	wrdreg $0xFFFFFFFF;
	(pc) =	sbr.abs _section_cstart, $3  }
0xc4: {  	[dreg:$0x1] =	wrdreg $0xFFFFFFFF  }
0xc5: {  	_ =	task.clear_ibuf [dreg:s9], $0x2FFFF;
	_ =	strace $0x9FFFFFFF  }
0xc6: {  	(tm) =	ssettm $0x7FFFFFFF  }
0xc7: {  	_ =	shalt  }
tec
execute0_lowered:
.L_overlay_start_1:
0x0: {  	(tag) =	ssettag $0x1  }
0x1: {  	s0 =	rddreg [dreg:$0x0]  }
0x2: {  	s1 =	rddreg [dreg:$0x1]  }
0x3: {  	s8 =	rddreg [dreg:$0x2];
	s3 =	srdreg.scid  }
0x4: {  	s4 =	stileid.u32;
	s2 =	rddreg [dreg:$0x3]  }
0x5: {  	s12 =	simm.s32 $0xA;
	s14 =	simm.s32 $0x2;
	s15 =	simm.s32 $0x5  }
0x6: {  	s16 =	simm.s32 $0x12710;
	s17 =	simm.s32 $0x3;
	s18 =	simm.s32 $0x6  }
0x7: {  	s19 =	simm.s32 $0x16710;
	s21 =	simm.s32 $0x8;
	s28 =	simm.s32 $0x1  }
0x8: {  	s29 =	simm.s32 $0x4;
	s30 =	simm.s32 $0xE710;
	s31 =	simm.s32 $0x80  }
0x9: {  	s13 =	simm.s32 $0x6710;
	s23 =	simm.s32 $0xC710;
	s9 =	sand.u32 $0x1, s3  }
0xa: {  	s4 =	sshll.u32 s4, $0x1;
	s3 =	simm.s32 $0x0;
	s6 =	sadd.s32 $0xC00, s0  }
0xb: {  	s7 =	sadd.s32 $0x14600, s0;
	s5 =	sor.u32 s9, s4;
	s25 =	ssub.s32 $0x2, s9  }
0xc: {  	[smem:$0x7FF] =	sst s3;
	s4 =	smul.u32 $0x1388, s5;
	s9 =	sshrl.u32 s25, $0x1  }
0xd: {  	_ =	strace $0x80000047;
	s5 =	smul.u32 $0x9C400, s5;
	s0 =	ssub.s32 s25, s9  }
.Ltmp0:
0xe: {  	s10 =	sshrl.u32 s4, $0x3;
	s0 =	smax.u32 s0, $0x1;
	(pc) =	sbr.rel .LBB2_1-.Ltmp0, $4  }
0xf: {  	s11 =	sshrl.u32 s5, $0x3;
	s1 =	sadd.s32 s1, s10;
	[dreg:$0x8] =	wrdreg s0  }
0x10: {  	s26 =	sadd.s32 s2, s11;
	s8 =	sadd.s32 s8, s10;
	[dreg:$0x5] =	wrdreg s1  }
0x11: {  	s24 =	simm.s32 $0x0;
	[dreg:$0x6] =	wrdreg s8;
	s1 =	sadd.s32 $0x13800, s26  }
0x12: {  	s0 =	simm.s32 $0xA710;
	[dreg:$0x7] =	wrdreg s1;
	s1 =	simm.s32 $0x4710  }
.LBB2_14:
0x13: {  	s8 =	simm.s32 $0x7  }
0x14: {  	_ =	swait.ge [sflag:s8], $0x4000  }
0x15: {  	[sflag:s8] =	ssyncset.done $0x0  }
0x16: {  	[sflag:s8] =	ssyncadd.s32 $0xFFFFC000  }
0x17: {  	_ =	swait.ge [sflag:s21], $0x4000  }
0x18: {  	[sflag:s21] =	ssyncset.done $0x0  }
0x19: {  	s10 =	simm.s32 $0x9;
	[sflag:s21] =	ssyncadd.s32 $0xFFFFC000  }
0x1a: {  	_ =	swait.ge [sflag:s10], $0x4000  }
0x1b: {  	[sflag:s10] =	ssyncset.done $0x0  }
0x1c: {  	s11 =	simm.s32 $0x1380;
	s9 =	simm.s32 $0x2710;
	[sflag:s10] =	ssyncadd.s32 $0xFFFFC000  }
0x1d: {  	[tilespmem:s9], [sflag:$0x1] =	stream.indirect.gather [hbm4b:s6+s21], $0x40, s11, s21, $0xb8;
	[tilespmem:$0x1A710] =	vst v63  }
0x1e: {  	s20 =	simm.s32 $0x2708;
	s22 =	simm.s32 $0x8710  }
0x1f: {  	[tilespmem:s22], [sflag:$0x4] =	stream.indirect.gather [hbm4b:s7+s21], $0x40, s20, s21, $0xb8;
	[tilespmem:$0x1A710] =	vst v63  }
0x20: {  	_ =	swait.ge [sflag:s28], $0x200  }
0x21: {  	[sflag:s28] =	ssyncset.done $0x0  }
0x22: {  	[sflag:s28] =	ssyncadd.s32 $0xFFFFFE00  }
0x23: {  	_ =	swait.ge [sflag:s29], $0x200  }
0x24: {  	[sflag:s29] =	ssyncset.done $0x0  }
0x25: {  	[sflag:s29] =	ssyncadd.s32 $0xFFFFFE00  }
0x26: {  	v0 =	vld [tilespmem:$0x2710]  }
0x27: {  	v1 =	vld [tilespmem:$0x8710]  }
0x28: {  	v2 =	vld [tilespmem:$0x2720]  }
0x29: {  	v3 =	vld [tilespmem:$0x8720]  }
0x2a: {  	v4 =	vld [tilespmem:$0x2730]  }
0x2b: {  	v5 =	vld [tilespmem:$0x8730]  }
0x2c: {  	v8 =	vld [tilespmem:$0x2740];
	v6 =	vshll.u32 v0, $0x10;
	v7 =	vshll.u32 v1, $0x10  }
0x2d: {  	v36 =	vld [tilespmem:$0x8740];
	v0 =	vand.u32 $0xFFFF0000, v0;
	v1 =	vand.u32 $0xFFFF0000, v1;
	v6 =	vadd.f32 v7, v6  }
0x2e: {  	v10 =	vld [tilespmem:$0x2750];
	v37 =	vshll.u32 v2, $0x10;
	v9 =	vshll.u32 v3, $0x10;
	v0 =	vadd.f32 v1, v0  }
0x2f: {  	v38 =	vld [tilespmem:$0x8750];
	v2 =	vand.u32 $0xFFFF0000, v2;
	v3 =	vand.u32 $0xFFFF0000, v3;
	v1 =	vadd.f32 v9, v37;
	[tilespmem:$0xE710] =	vst v6  }
0x30: {  	v42 =	vld [tilespmem:$0x2760];
	v40 =	vshll.u32 v4, $0x10;
	v41 =	vshll.u32 v5, $0x10;
	v39 =	vadd.f32 v3, v2;
	[tilespmem:$0xE720] =	vst v0  }
0x31: {  	v46 =	vld [tilespmem:$0x8760];
	v44 =	vand.u32 $0xFFFF0000, v4;
	v45 =	vand.u32 $0xFFFF0000, v5;
	v43 =	vadd.f32 v41, v40;
	[tilespmem:$0xE730] =	vst v1  }
0x32: {  	v50 =	vld [tilespmem:$0x2770];
	v48 =	vshll.u32 v8, $0x10;
	v49 =	vshll.u32 v36, $0x10;
	v47 =	vadd.f32 v45, v44;
	[tilespmem:$0xE740] =	vst v39  }
0x33: {  	v54 =	vld [tilespmem:$0x8770];
	v52 =	vand.u32 $0xFFFF0000, v8;
	v53 =	vand.u32 $0xFFFF0000, v36;
	v51 =	vadd.f32 v49, v48;
	[tilespmem:$0xE750] =	vst v43  }
0x34: {  	v58 =	vld [tilespmem:$0x2780];
	v56 =	vshll.u32 v10, $0x10;
	v57 =	vshll.u32 v38, $0x10;
	v55 =	vadd.f32 v53, v52;
	[tilespmem:$0xE760] =	vst v47  }
0x35: {  	v62 =	vld [tilespmem:$0x8780];
	v60 =	vand.u32 $0xFFFF0000, v10;
	v61 =	vand.u32 $0xFFFF0000, v38;
	v59 =	vadd.f32 v57, v56;
	[tilespmem:$0xE770] =	vst v51  }
0x36: {  	v14 =	vld [tilespmem:$0x2790];
	v12 =	vshll.u32 v42, $0x10;
	v13 =	vshll.u32 v46, $0x10;
	v63 =	vadd.f32 v61, v60;
	[tilespmem:$0xE780] =	vst v55  }
0x37: {  	v18 =	vld [tilespmem:$0x8790];
	v16 =	vand.u32 $0xFFFF0000, v42;
	v17 =	vand.u32 $0xFFFF0000, v46;
	v15 =	vadd.f32 v13, v12;
	[tilespmem:$0xE790] =	vst v59  }
0x38: {  	v22 =	vld [tilespmem:$0x27A0];
	v20 =	vshll.u32 v50, $0x10;
	v21 =	vshll.u32 v54, $0x10;
	v19 =	vadd.f32 v17, v16;
	[tilespmem:$0xE7A0] =	vst v63  }
0x39: {  	v26 =	vld [tilespmem:$0x87A0];
	v24 =	vand.u32 $0xFFFF0000, v50;
	v25 =	vand.u32 $0xFFFF0000, v54;
	v23 =	vadd.f32 v21, v20;
	[tilespmem:$0xE7B0] =	vst v15  }
0x3a: {  	v30 =	vld [tilespmem:$0x27B0];
	v28 =	vshll.u32 v58, $0x10;
	v29 =	vshll.u32 v62, $0x10;
	v27 =	vadd.f32 v25, v24;
	[tilespmem:$0xE7C0] =	vst v19  }
0x3b: {  	v34 =	vld [tilespmem:$0x87B0];
	v32 =	vand.u32 $0xFFFF0000, v58;
	v33 =	vand.u32 $0xFFFF0000, v62;
	v31 =	vadd.f32 v29, v28;
	[tilespmem:$0xE7D0] =	vst v23  }
0x3c: {  	v36 =	vshll.u32 v14, $0x10;
	v38 =	vld [tilespmem:$0x27C0];
	v35 =	vadd.f32 v33, v32;
	v37 =	vshll.u32 v18, $0x10;
	[tilespmem:$0xE7E0] =	vst v27  }
0x3d: {  	v42 =	vld [tilespmem:$0x87C0];
	v40 =	vand.u32 $0xFFFF0000, v14;
	v41 =	vand.u32 $0xFFFF0000, v18;
	[tilespmem:$0xE7F0] =	vst v31;
	v39 =	vadd.f32 v37, v36  }
0x3e: {  	v46 =	vld [tilespmem:$0x27D0];
	v44 =	vshll.u32 v22, $0x10;
	v45 =	vshll.u32 v26, $0x10;
	[tilespmem:$0xE800] =	vst v35;
	v43 =	vadd.f32 v41, v40  }
0x3f: {  	v50 =	vld [tilespmem:$0x87D0];
	v48 =	vand.u32 $0xFFFF0000, v22;
	v49 =	vand.u32 $0xFFFF0000, v26;
	v47 =	vadd.f32 v45, v44;
	[tilespmem:$0xE810] =	vst v39  }
0x40: {  	v54 =	vld [tilespmem:$0x27E0];
	v52 =	vshll.u32 v30, $0x10;
	v53 =	vshll.u32 v34, $0x10;
	v51 =	vadd.f32 v49, v48;
	[tilespmem:$0xE820] =	vst v43  }
0x41: {  	v58 =	vld [tilespmem:$0x87E0];
	v56 =	vand.u32 $0xFFFF0000, v30;
	v57 =	vand.u32 $0xFFFF0000, v34;
	v55 =	vadd.f32 v53, v52;
	[tilespmem:$0xE830] =	vst v47  }
0x42: {  	v62 =	vld [tilespmem:$0x27F0];
	v59 =	vadd.f32 v57, v56;
	[tilespmem:$0xE840] =	vst v51;
	v60 =	vshll.u32 v38, $0x10;
	v61 =	vshll.u32 v42, $0x10  }
0x43: {  	v14 =	vld [tilespmem:$0x87F0];
	[tilespmem:$0xE850] =	vst v55;
	v12 =	vand.u32 $0xFFFF0000, v38;
	v13 =	vand.u32 $0xFFFF0000, v42;
	v63 =	vadd.f32 v61, v60  }
0x44: {  	v18 =	vld [tilespmem:$0x2800];
	[tilespmem:$0xE860] =	vst v59;
	v16 =	vshll.u32 v46, $0x10;
	v17 =	vshll.u32 v50, $0x10;
	v15 =	vadd.f32 v13, v12  }
0x45: {  	v22 =	vld [tilespmem:$0x8800];
	v20 =	vand.u32 $0xFFFF0000, v46;
	v21 =	vand.u32 $0xFFFF0000, v50;
	v19 =	vadd.f32 v17, v16;
	[tilespmem:$0xE870] =	vst v63  }
0x46: {  	v26 =	vld [tilespmem:$0x2810];
	v24 =	vshll.u32 v54, $0x10;
	v25 =	vshll.u32 v58, $0x10;
	v23 =	vadd.f32 v21, v20;
	[tilespmem:$0xE880] =	vst v15  }
0x47: {  	v30 =	vld [tilespmem:$0x8810];
	v28 =	vand.u32 $0xFFFF0000, v54;
	v29 =	vand.u32 $0xFFFF0000, v58;
	v27 =	vadd.f32 v25, v24;
	[tilespmem:$0xE890] =	vst v19  }
0x48: {  	v34 =	vld [tilespmem:$0x2820];
	v32 =	vshll.u32 v62, $0x10;
	v31 =	vadd.f32 v29, v28;
	v33 =	vshll.u32 v14, $0x10;
	[tilespmem:$0xE8A0] =	vst v23  }
0x49: {  	v36 =	vand.u32 $0xFFFF0000, v62;
	v38 =	vld [tilespmem:$0x8820];
	v37 =	vand.u32 $0xFFFF0000, v14;
	v35 =	vadd.f32 v33, v32;
	[tilespmem:$0xE8B0] =	vst v27  }
0x4a: {  	v42 =	vld [tilespmem:$0x2830];
	v40 =	vshll.u32 v18, $0x10;
	v41 =	vshll.u32 v22, $0x10;
	v39 =	vadd.f32 v37, v36;
	[tilespmem:$0xE8C0] =	vst v31  }
0x4b: {  	v46 =	vld [tilespmem:$0x8830];
	v44 =	vand.u32 $0xFFFF0000, v18;
	v45 =	vand.u32 $0xFFFF0000, v22;
	v43 =	vadd.f32 v41, v40;
	[tilespmem:$0xE8D0] =	vst v35  }
0x4c: {  	v50 =	vld [tilespmem:$0x2840];
	v48 =	vshll.u32 v26, $0x10;
	v49 =	vshll.u32 v30, $0x10;
	v47 =	vadd.f32 v45, v44;
	[tilespmem:$0xE8E0] =	vst v39  }
0x4d: {  	v54 =	vld [tilespmem:$0x8840];
	v52 =	vand.u32 $0xFFFF0000, v26;
	v53 =	vand.u32 $0xFFFF0000, v30;
	v51 =	vadd.f32 v49, v48;
	[tilespmem:$0xE8F0] =	vst v43  }
0x4e: {  	v58 =	vld [tilespmem:$0x2850];
	v56 =	vshll.u32 v34, $0x10;
	v55 =	vadd.f32 v53, v52;
	[tilespmem:$0xE900] =	vst v47;
	v57 =	vshll.u32 v38, $0x10  }
0x4f: {  	v62 =	vld [tilespmem:$0x8850];
	v60 =	vand.u32 $0xFFFF0000, v34;
	[tilespmem:$0xE910] =	vst v51;
	v61 =	vand.u32 $0xFFFF0000, v38;
	v59 =	vadd.f32 v57, v56  }
0x50: {  	v14 =	vld [tilespmem:$0x2860];
	[tilespmem:$0xE920] =	vst v55;
	v12 =	vshll.u32 v42, $0x10;
	v13 =	vshll.u32 v46, $0x10;
	v63 =	vadd.f32 v61, v60  }
0x51: {  	v18 =	vld [tilespmem:$0x8860];
	v16 =	vand.u32 $0xFFFF0000, v42;
	v17 =	vand.u32 $0xFFFF0000, v46;
	v15 =	vadd.f32 v13, v12;
	[tilespmem:$0xE930] =	vst v59  }
0x52: {  	v22 =	vld [tilespmem:$0x2870];
	v20 =	vshll.u32 v50, $0x10;
	v21 =	vshll.u32 v54, $0x10;
	v19 =	vadd.f32 v17, v16;
	[tilespmem:$0xE940] =	vst v63  }
0x53: {  	v26 =	vld [tilespmem:$0x8870];
	v24 =	vand.u32 $0xFFFF0000, v50;
	v25 =	vand.u32 $0xFFFF0000, v54;
	v23 =	vadd.f32 v21, v20;
	[tilespmem:$0xE950] =	vst v15  }
0x54: {  	v30 =	vld [tilespmem:$0x2880];
	v28 =	vshll.u32 v58, $0x10;
	v29 =	vshll.u32 v62, $0x10;
	v27 =	vadd.f32 v25, v24;
	[tilespmem:$0xE960] =	vst v19  }
0x55: {  	v34 =	vld [tilespmem:$0x8880];
	v32 =	vand.u32 $0xFFFF0000, v58;
	v33 =	vand.u32 $0xFFFF0000, v62;
	v31 =	vadd.f32 v29, v28;
	[tilespmem:$0xE970] =	vst v23  }
0x56: {  	v38 =	vld [tilespmem:$0x2890];
	v35 =	vadd.f32 v33, v32;
	v36 =	vshll.u32 v14, $0x10;
	v37 =	vshll.u32 v18, $0x10;
	[tilespmem:$0xE980] =	vst v27  }
0x57: {  	v42 =	vld [tilespmem:$0x8890];
	v40 =	vand.u32 $0xFFFF0000, v14;
	v41 =	vand.u32 $0xFFFF0000, v18;
	v39 =	vadd.f32 v37, v36;
	[tilespmem:$0xE990] =	vst v31  }
0x58: {  	v46 =	vld [tilespmem:$0x28A0];
	v44 =	vshll.u32 v22, $0x10;
	v45 =	vshll.u32 v26, $0x10;
	v43 =	vadd.f32 v41, v40;
	[tilespmem:$0xE9A0] =	vst v35  }
0x59: {  	v50 =	vld [tilespmem:$0x88A0];
	v48 =	vand.u32 $0xFFFF0000, v22;
	v49 =	vand.u32 $0xFFFF0000, v26;
	v47 =	vadd.f32 v45, v44;
	[tilespmem:$0xE9B0] =	vst v39  }
0x5a: {  	v54 =	vld [tilespmem:$0x28B0];
	v52 =	vshll.u32 v30, $0x10;
	v53 =	vshll.u32 v34, $0x10;
	v51 =	vadd.f32 v49, v48;
	[tilespmem:$0xE9C0] =	vst v43  }
0x5b: {  	v58 =	vld [tilespmem:$0x88B0];
	v56 =	vand.u32 $0xFFFF0000, v30;
	v57 =	vand.u32 $0xFFFF0000, v34;
	v55 =	vadd.f32 v53, v52;
	[tilespmem:$0xE9D0] =	vst v47  }
0x5c: {  	v62 =	vld [tilespmem:$0x28C0];
	v59 =	vadd.f32 v57, v56;
	[tilespmem:$0xE9E0] =	vst v51;
	v60 =	vshll.u32 v38, $0x10;
	v61 =	vshll.u32 v42, $0x10  }
0x5d: {  	v12 =	vld [tilespmem:$0x88C0];
	[tilespmem:$0xE9F0] =	vst v55;
	v10 =	vand.u32 $0xFFFF0000, v38;
	v11 =	vand.u32 $0xFFFF0000, v42;
	v63 =	vadd.f32 v61, v60  }
0x5e: {  	v16 =	vld [tilespmem:$0x28D0];
	[tilespmem:$0xEA00] =	vst v59;
	v14 =	vshll.u32 v46, $0x10;
	v15 =	vshll.u32 v50, $0x10;
	v13 =	vadd.f32 v11, v10  }
0x5f: {  	v20 =	vld [tilespmem:$0x88D0];
	v18 =	vand.u32 $0xFFFF0000, v46;
	v19 =	vand.u32 $0xFFFF0000, v50;
	v17 =	vadd.f32 v15, v14;
	[tilespmem:$0xEA10] =	vst v63  }
0x60: {  	v24 =	vld [tilespmem:$0x28E0];
	v22 =	vshll.u32 v54, $0x10;
	v23 =	vshll.u32 v58, $0x10;
	v21 =	vadd.f32 v19, v18;
	[tilespmem:$0xEA20] =	vst v13  }
0x61: {  	v28 =	vld [tilespmem:$0x88E0];
	v26 =	vand.u32 $0xFFFF0000, v54;
	v27 =	vand.u32 $0xFFFF0000, v58;
	v25 =	vadd.f32 v23, v22;
	[tilespmem:$0xEA30] =	vst v17  }
0x62: {  	v32 =	vld [tilespmem:$0x28F0];
	v30 =	vshll.u32 v62, $0x10;
	v29 =	vadd.f32 v27, v26;
	v31 =	vshll.u32 v12, $0x10;
	[tilespmem:$0xEA40] =	vst v21  }
0x63: {  	v36 =	vld [tilespmem:$0x88F0];
	v34 =	vand.u32 $0xFFFF0000, v62;
	v35 =	vand.u32 $0xFFFF0000, v12;
	v33 =	vadd.f32 v31, v30;
	[tilespmem:$0xEA50] =	vst v25  }
0x64: {  	v40 =	vld [tilespmem:$0x2900];
	v38 =	vshll.u32 v16, $0x10;
	v39 =	vshll.u32 v20, $0x10;
	v37 =	vadd.f32 v35, v34;
	[tilespmem:$0xEA60] =	vst v29  }
0x65: {  	v44 =	vld [tilespmem:$0x8900];
	v42 =	vand.u32 $0xFFFF0000, v16;
	v43 =	vand.u32 $0xFFFF0000, v20;
	v41 =	vadd.f32 v39, v38;
	[tilespmem:$0xEA70] =	vst v33  }
0x66: {  	v46 =	vshll.u32 v24, $0x10;
	v47 =	vshll.u32 v28, $0x10;
	v45 =	vadd.f32 v43, v42;
	[tilespmem:$0xEA80] =	vst v37  }
0x67: {  	v49 =	vand.u32 $0xFFFF0000, v24;
	v50 =	vand.u32 $0xFFFF0000, v28;
	v48 =	vadd.f32 v47, v46;
	[tilespmem:$0xEA90] =	vst v41  }
0x68: {  	v52 =	vshll.u32 v32, $0x10;
	v51 =	vadd.f32 v50, v49;
	v53 =	vshll.u32 v36, $0x10;
	[tilespmem:$0xEAA0] =	vst v45  }
0x69: {  	v55 =	vand.u32 $0xFFFF0000, v32;
	v56 =	vand.u32 $0xFFFF0000, v36;
	v54 =	vadd.f32 v53, v52;
	[tilespmem:$0xEAB0] =	vst v48  }
0x6a: {  	v58 =	vshll.u32 v40, $0x10;
	v59 =	vshll.u32 v44, $0x10;
	v57 =	vadd.f32 v56, v55;
	[tilespmem:$0xEAC0] =	vst v51  }
0x6b: {  	v61 =	vand.u32 $0xFFFF0000, v40;
	v62 =	vand.u32 $0xFFFF0000, v44;
	v60 =	vadd.f32 v59, v58;
	[tilespmem:$0xEAD0] =	vst v54  }
0x6c: {  	v63 =	vadd.f32 v62, v61;
	[tilespmem:$0xEAE0] =	vst v57  }
0x6d: {  	[tilespmem:$0xEAF0] =	vst v60  }
0x6e: {  	s25 =	rddreg [dreg:$0x7];
	[tilespmem:$0xEB00] =	vst v63  }
0x6f: {  	[hbm4b:s25+s3] =	stream.linear.scatter [tilespmem:s30], [sflag:$0xA], $0x400, $0x38;
	[tilespmem:$0x1A710] =	vst v63  }
0x70: {  	_ =	swait.ge [sflag:s12], $0x400  }
0x71: {  	s24 =	sadd.s32 $0x1, s24;
	s26 =	rddreg [dreg:$0x8]  }
0x72: {  	p0 =	sne.s32 s24, s26  }
.Ltmp1:
0x73: {  	_ = 	snop;
	(pc) =	sbr.rel @!p0 .LBB2_15-.Ltmp1, $3  }
0x74: {  	_ =	sdelay $0x1  }
0x75: {  	[sflag:s12] =	ssyncset.done $0x0  }
0x76: {  	[sflag:s12] =	ssyncadd.s32 $0xFFFFFC00  }
.LBB2_1:
0x77: {  	s8 =	rddreg [dreg:$0x5]  }
0x78: {  	[tilespmem:s3], [sflag:$0xA] =	stream.linear.gather [hbm4b:s8+s3], $0x1388, $0x38;
	[tilespmem:$0x1A710] =	vst v63  }
0x79: {  	_ =	swait.ge [sflag:s12], $0x1388  }
0x7a: {  	[sflag:s12] =	ssyncset.done $0x0  }
0x7b: {  	s9 =	simm.s32 $0x1388;
	s26 =	rddreg [dreg:$0x6];
	[sflag:s12] =	ssyncadd.s32 $0xFFFFEC78  }
0x7c: {  	[tilespmem:s9], [sflag:$0xA] =	stream.linear.gather [hbm4b:s26+s3], $0x1388, $0x38;
	[tilespmem:$0x1A710] =	vst v63  }
0x7d: {  	_ =	swait.ge [sflag:s12], $0x1388  }
0x7e: {  	[sflag:s12] =	ssyncset.done $0x0  }
0x7f: {  	s25 =	simm.s32 $0x0;
	[sflag:s12] =	ssyncadd.s32 $0xFFFFEC78  }
.LBB2_2:
0x80: {  	s8 =	smul.u32 $0x3, s25;
	_ =	sdelay $0x1  }
0x81: {  	s26 =	sadd.s32 $0xFFFFFFFE, s8  }
0x82: {  	p0 =	sgt.u32 s26, $0x26  }
.Ltmp2:
0x83: {  	_ = 	snop;
	(pc) =	sbr.rel @p0 .LBB2_6-.Ltmp2, $1  }
0x84: {  	_ =	sdelay $0x3  }
0x85: {  	_ =	swait.ge [sflag:s14], $0x2000  }
0x86: {  	[sflag:s14] =	ssyncset.done $0x0  }
0x87: {  	[sflag:s14] =	ssyncadd.s32 $0xFFFFE000  }
0x88: {  	_ =	swait.ge [sflag:s15], $0x2000  }
0x89: {  	p0 =	slt.u32 s25, $0x2;
	[sflag:s15] =	ssyncset.done $0x0  }
0x8a: {  	s9 =	simm.s32 @!p0 $0x8;
	[sflag:s15] =	ssyncadd.s32 $0xFFFFE000  }
0x8b: {  	_ =	swait.ge @!p0 [sflag:s9], $0x4000  }
0x8c: {  	[sflag:s9] =	ssyncset.done @!p0 $0x0  }
0x8d: {  	s11 =	simm.s32 $0x4810;
	[sflag:s9] =	ssyncadd.s32 @!p0 $0xFFFFC000  }
0x8e: {  	s10 =	simm.s32 $0xA810;
	v0 =	vld [tilespmem:s11+$0xC0]  }
0x8f: {  	v1 =	vld [tilespmem:s10+$0xC0]  }
0x90: {  	v2 =	vld [tilespmem:s10+$0xFFFFFF00]  }
0x91: {  	v4 =	vld [tilespmem:s10+$0xFFFFFF40]  }
0x92: {  	v3 =	vld [tilespmem:s11+$0xFFFFFF40]  }
0x93: {  	v5 =	vld [tilespmem:s11+$0xFFFFFF80]  }
0x94: {  	v6 =	vld [tilespmem:s10+$0xFFFFFF80]  }
0x95: {  	v9 =	vld [tilespmem:s11+$0xFFFFFFC0];
	v7 =	vshll.u32 v0, $0x10;
	v8 =	vshll.u32 v1, $0x10;
	v0 =	vand.u32 $0xFFFF0000, v0  }
0x96: {  	v10 =	vld [tilespmem:s10+$0xFFFFFFC0];
	v1 =	vand.u32 $0xFFFF0000, v1;
	v11 =	vshll.u32 v4, $0x10;
	v7 =	vadd.f32 v8, v7  }
0x97: {  	s9 =	simm.s32 $0x12910;
	v12 =	vld [tilespmem:s11+$0x0];
	v4 =	vand.u32 $0xFFFF0000, v4;
	v8 =	vshll.u32 v2, $0x10;
	v0 =	vadd.f32 v1, v0  }
0x98: {  	v13 =	vld [tilespmem:s10+$0x0];
	v1 =	vand.u32 $0xFFFF0000, v2;
	v2 =	vshll.u32 v3, $0x10;
	v3 =	vand.u32 $0xFFFF0000, v3;
	[tilespmem:s9+$0x180] =	vst v7  }
0x99: {  	v15 =	vld [tilespmem:s11+$0x40];
	v2 =	vadd.f32 v11, v2;
	v3 =	vadd.f32 v4, v3;
	[tilespmem:s9+$0x190] =	vst v0  }
0x9a: {  	v7 =	vshll.u32 v5, $0x10;
	v0 =	vand.u32 $0xFFFF0000, v5;
	v5 =	vshll.u32 v6, $0x10;
	v11 =	vld [tilespmem:s11+$0xD0]  }
0x9b: {  	v6 =	vand.u32 $0xFFFF0000, v6;
	v14 =	vld [tilespmem:s10+$0xD0];
	v5 =	vadd.f32 v5, v7  }
0x9c: {  	v0 =	vadd.f32 v6, v0;
	v6 =	vshll.u32 v12, $0x10;
	[tilespmem:s9+$0xFFFFFE90] =	vst v3;
	v3 =	vand.u32 $0xFFFF0000, v12;
	v12 =	vld [tilespmem:s11+$0x80]  }
0x9d: {  	v4 =	vshll.u32 v9, $0x10;
	v9 =	vand.u32 $0xFFFF0000, v9;
	v7 =	vshll.u32 v10, $0x10;
	[tilespmem:s9+$0xFFFFFE80] =	vst v2  }
0x9e: {  	v2 =	vand.u32 $0xFFFF0000, v10;
	v10 =	vld [tilespmem:s10+$0x40];
	v4 =	vadd.f32 v7, v4;
	v7 =	vshll.u32 v13, $0x10;
	[tilespmem:s9+$0xFFFFFF00] =	vst v5  }
0x9f: {  	v2 =	vadd.f32 v2, v9;
	v5 =	vand.u32 $0xFFFF0000, v13;
	v6 =	vadd.f32 v7, v6;
	[tilespmem:s9+$0xFFFFFF10] =	vst v0;
	v0 =	vld [tilespmem:s11+$0xFFFFFF00]  }
0xa0: {  	v7 =	vld [tilespmem:s10+$0x80];
	v13 =	vshll.u32 v15, $0x10;
	v15 =	vand.u32 $0xFFFF0000, v15;
	v3 =	vadd.f32 v5, v3;
	[tilespmem:s9+$0xFFFFFF80] =	vst v4  }
0xa1: {  	v4 =	vld [tilespmem:s11+$0xFFFFFF50];
	[tilespmem:s9+$0xFFFFFF90] =	vst v2;
	v5 =	vshll.u32 v11, $0x10;
	v9 =	vshll.u32 v14, $0x10;
	v16 =	vshll.u32 v12, $0x10  }
0xa2: {  	v2 =	vld [tilespmem:s10+$0xFFFFFF50];
	[tilespmem:s9+$0x0] =	vst v6;
	v5 =	vadd.f32 v9, v5;
	v9 =	vand.u32 $0xFFFF0000, v11;
	v11 =	vand.u32 $0xFFFF0000, v14  }
0xa3: {  	[tilespmem:s9+$0x10] =	vst v3;
	v14 =	vshll.u32 v10, $0x10;
	v10 =	vand.u32 $0xFFFF0000, v10;
	v9 =	vadd.f32 v11, v9;
	v11 =	vld [tilespmem:s11+$0xFFFFFF90]  }
0xa4: {  	v12 =	vand.u32 $0xFFFF0000, v12;
	v6 =	vshll.u32 v0, $0x10;
	v10 =	vadd.f32 v10, v15;
	[tilespmem:s9+$0x1A0] =	vst v5;
	v5 =	vld [tilespmem:s10+$0xFFFFFF90]  }
0xa5: {  	v0 =	vand.u32 $0xFFFF0000, v0;
	v3 =	vadd.f32 v8, v6;
	[tilespmem:s9+$0x1B0] =	vst v9;
	v9 =	vadd.f32 v14, v13;
	v14 =	vld [tilespmem:s11+$0xFFFFFFD0]  }
0xa6: {  	v17 =	vshll.u32 v7, $0x10;
	v7 =	vand.u32 $0xFFFF0000, v7;
	v0 =	vadd.f32 v1, v0;
	[tilespmem:s9+$0x90] =	vst v10;
	v13 =	vld [tilespmem:s11+$0xE0]  }
0xa7: {  	v1 =	vshll.u32 v4, $0x10;
	v8 =	vshll.u32 v2, $0x10;
	v2 =	vand.u32 $0xFFFF0000, v2;
	v6 =	vld [tilespmem:s10+$0xE0];
	[tilespmem:s9+$0xFFFFFE00] =	vst v3  }
0xa8: {  	v7 =	vadd.f32 v7, v12;
	v1 =	vadd.f32 v8, v1;
	v3 =	vand.u32 $0xFFFF0000, v4;
	v4 =	vld [tilespmem:s10+$0xFFFFFFD0];
	[tilespmem:s9+$0xFFFFFE10] =	vst v0  }
0xa9: {  	[tilespmem:s9+$0x80] =	vst v9;
	v9 =	vadd.f32 v17, v16;
	v16 =	vld [tilespmem:s11+$0xFFFFFF10];
	v2 =	vadd.f32 v2, v3  }
0xaa: {  	[tilespmem:s9+$0xFFFFFEA0] =	vst v1;
	v0 =	vshll.u32 v11, $0x10;
	v12 =	vshll.u32 v5, $0x10;
	v3 =	vand.u32 $0xFFFF0000, v5;
	v5 =	vld [tilespmem:s10+$0xFFFFFF10]  }
0xab: {  	v11 =	vand.u32 $0xFFFF0000, v11;
	[tilespmem:s9+$0x100] =	vst v9;
	v0 =	vadd.f32 v12, v0;
	v1 =	vshll.u32 v14, $0x10;
	v12 =	vld [tilespmem:s11+$0x50]  }
0xac: {  	v15 =	vld [tilespmem:s11+$0x10];
	[tilespmem:s9+$0xFFFFFEB0] =	vst v2;
	v2 =	vadd.f32 v3, v11;
	v8 =	vshll.u32 v13, $0x10;
	v9 =	vshll.u32 v6, $0x10  }
0xad: {  	v10 =	vld [tilespmem:s10+$0x10];
	[tilespmem:s9+$0x110] =	vst v7;
	v6 =	vand.u32 $0xFFFF0000, v6;
	v7 =	vadd.f32 v9, v8;
	v8 =	vand.u32 $0xFFFF0000, v13  }
0xae: {  	v17 =	vld [tilespmem:s11+$0x90];
	v9 =	vshll.u32 v4, $0x10;
	v4 =	vand.u32 $0xFFFF0000, v4;
	[tilespmem:s9+$0xFFFFFF30] =	vst v2;
	v6 =	vadd.f32 v6, v8  }
0xaf: {  	v8 =	vand.u32 $0xFFFF0000, v14;
	v14 =	vld [tilespmem:s10+$0x50];
	v1 =	vadd.f32 v9, v1;
	[tilespmem:s9+$0x1C0] =	vst v7;
	v7 =	vshll.u32 v16, $0x10  }
0xb0: {  	[tilespmem:s9+$0x1D0] =	vst v6;
	v6 =	vshll.u32 v5, $0x10;
	v2 =	vshll.u32 v12, $0x10;
	v11 =	vand.u32 $0xFFFF0000, v12;
	v12 =	vld [tilespmem:s10+$0x90]  }
0xb1: {  	[tilespmem:s9+$0xFFFFFF20] =	vst v0;
	v16 =	vand.u32 $0xFFFF0000, v16;
	v5 =	vand.u32 $0xFFFF0000, v5;
	v3 =	vld [tilespmem:s11+$0xF0];
	v6 =	vadd.f32 v6, v7  }
0xb2: {  	v0 =	vshll.u32 v10, $0x10;
	[tilespmem:s9+$0xFFFFFFA0] =	vst v1;
	v7 =	vand.u32 $0xFFFF0000, v10;
	v10 =	vld [tilespmem:s10+$0xF0];
	v5 =	vadd.f32 v5, v16  }
0xb3: {  	v13 =	vshll.u32 v15, $0x10;
	v15 =	vand.u32 $0xFFFF0000, v15;
	v4 =	vadd.f32 v4, v8;
	[tilespmem:s9+$0xFFFFFE20] =	vst v6;
	v6 =	vld [tilespmem:s11+$0xFFFFFF60]  }
0xb4: {  	v8 =	vshll.u32 v17, $0x10;
	v1 =	vadd.f32 v0, v13;
	v7 =	vadd.f32 v7, v15;
	[tilespmem:s9+$0xFFFFFE30] =	vst v5;
	v5 =	vld [tilespmem:s10+$0xFFFFFF60]  }
0xb5: {  	v16 =	vand.u32 $0xFFFF0000, v17;
	v9 =	vshll.u32 v14, $0x10;
	v14 =	vand.u32 $0xFFFF0000, v14;
	v17 =	vld [tilespmem:s11+$0xFFFFFF20]  }
0xb6: {  	v13 =	vld [tilespmem:s10+$0xFFFFFF20];
	v2 =	vadd.f32 v9, v2;
	[tilespmem:s9+$0x30] =	vst v7;
	v7 =	vadd.f32 v14, v11  }
0xb7: {  	[tilespmem:s9+$0xFFFFFFB0] =	vst v4;
	v9 =	vld [tilespmem:s11+$0xFFFFFFA0];
	v0 =	vshll.u32 v3, $0x10;
	v3 =	vand.u32 $0xFFFF0000, v3;
	v4 =	vand.u32 $0xFFFF0000, v10  }
0xb8: {  	[tilespmem:s9+$0x20] =	vst v1;
	v15 =	vld [tilespmem:s10+$0xFFFFFFA0];
	v1 =	vshll.u32 v12, $0x10;
	v12 =	vand.u32 $0xFFFF0000, v12;
	v3 =	vadd.f32 v4, v3  }
0xb9: {  	v11 =	vld [tilespmem:s11+$0xFFFFFFE0];
	v1 =	vadd.f32 v1, v8;
	v12 =	vadd.f32 v12, v16;
	[tilespmem:s9+$0xA0] =	vst v2;
	v4 =	vshll.u32 v6, $0x10  }
0xba: {  	v16 =	vld [tilespmem:s10+$0xFFFFFFE0];
	v8 =	vshll.u32 v5, $0x10;
	[tilespmem:s9+$0x1F0] =	vst v3;
	v3 =	vshll.u32 v17, $0x10;
	v14 =	vand.u32 $0xFFFF0000, v17  }
0xbb: {  	[tilespmem:s9+$0xB0] =	vst v7;
	v2 =	vshll.u32 v13, $0x10;
	v13 =	vand.u32 $0xFFFF0000, v13;
	v4 =	vadd.f32 v8, v4;
	v8 =	vld [tilespmem:s11+$0x20]  }
0xbc: {  	[tilespmem:s9+$0x120] =	vst v1;
	v7 =	vand.u32 $0xFFFF0000, v9;
	v2 =	vadd.f32 v2, v3;
	v3 =	vshll.u32 v9, $0x10;
	v9 =	vld [tilespmem:s10+$0x20]  }
0xbd: {  	[tilespmem:s9+$0x130] =	vst v12;
	v1 =	vadd.f32 v13, v14;
	v13 =	vshll.u32 v15, $0x10;
	v14 =	vand.u32 $0xFFFF0000, v15;
	v15 =	vld [tilespmem:s11+$0x60]  }
0xbe: {  	v6 =	vand.u32 $0xFFFF0000, v6;
	v5 =	vand.u32 $0xFFFF0000, v5;
	[tilespmem:s9+$0xFFFFFEC0] =	vst v4;
	v4 =	vadd.f32 v14, v7;
	v14 =	vld [tilespmem:s10+$0xA0]  }
0xbf: {  	[tilespmem:s9+$0xFFFFFE40] =	vst v2;
	v2 =	vadd.f32 v5, v6;
	v5 =	vshll.u32 v11, $0x10;
	v6 =	vand.u32 $0xFFFF0000, v11;
	v11 =	vld [tilespmem:s10+$0x60]  }
0xc0: {  	v12 =	vand.u32 $0xFFFF0000, v16;
	[tilespmem:s9+$0xFFFFFE50] =	vst v1;
	v1 =	vadd.f32 v13, v3;
	v13 =	vld [tilespmem:s11+$0xA0]  }
0xc1: {  	v3 =	vshll.u32 v16, $0x10;
	v16 =	vld [tilespmem:s11+$0xFFFFFF30];
	[tilespmem:s9+$0xFFFFFF50] =	vst v4;
	v7 =	vshll.u32 v8, $0x10;
	v8 =	vand.u32 $0xFFFF0000, v8  }
0xc2: {  	[tilespmem:s9+$0xFFFFFED0] =	vst v2;
	v2 =	vadd.f32 v3, v5;
	v3 =	vshll.u32 v9, $0x10;
	v5 =	vand.u32 $0xFFFF0000, v9;
	v9 =	vld [tilespmem:s10+$0xFFFFFF30]  }
0xc3: {  	[tilespmem:s9+$0xFFFFFF40] =	vst v1;
	v1 =	vadd.f32 v12, v6;
	v6 =	vshll.u32 v15, $0x10;
	v12 =	vand.u32 $0xFFFF0000, v15;
	v15 =	vld [tilespmem:s11+$0xFFFFFF70]  }
0xc4: {  	v17 =	vld [tilespmem:s10+$0xFFFFFFB0];
	v3 =	vadd.f32 v3, v7;
	[tilespmem:s9+$0xFFFFFFC0] =	vst v2;
	v2 =	vadd.f32 v5, v8;
	v4 =	vshll.u32 v11, $0x10  }
0xc5: {  	[tilespmem:s9+$0xFFFFFFD0] =	vst v1;
	v7 =	vand.u32 $0xFFFF0000, v11;
	v11 =	vld [tilespmem:s10+$0xFFFFFF70];
	v5 =	vshll.u32 v13, $0x10;
	v8 =	vand.u32 $0xFFFF0000, v13  }
0xc6: {  	v13 =	vld [tilespmem:s11+$0xFFFFFFB0];
	v1 =	vadd.f32 v4, v6;
	v4 =	vshll.u32 v14, $0x10;
	v6 =	vand.u32 $0xFFFF0000, v14;
	[tilespmem:s9+$0x40] =	vst v3  }
0xc7: {  	v14 =	vshll.u32 v16, $0x10;
	v3 =	vadd.f32 v7, v12;
	v7 =	vand.u32 $0xFFFF0000, v16;
	v12 =	vld [tilespmem:s11+$0xFFFFFFF0];
	[tilespmem:s9+$0x50] =	vst v2  }
0xc8: {  	v4 =	vadd.f32 v4, v5;
	v2 =	vadd.f32 v6, v8;
	v18 =	vld [tilespmem:s11+$0x30];
	v5 =	vshll.u32 v9, $0x10  }
0xc9: {  	v6 =	vand.u32 $0xFFFF0000, v9;
	v8 =	vshll.u32 v15, $0x10;
	v9 =	vand.u32 $0xFFFF0000, v15;
	v15 =	vld [tilespmem:s10+$0xFFFFFFF0];
	[tilespmem:s9+$0xC0] =	vst v1  }
0xca: {  	[tilespmem:s9+$0xD0] =	vst v3;
	v1 =	vshll.u32 v10, $0x10;
	v10 =	vshll.u32 v17, $0x10;
	v17 =	vand.u32 $0xFFFF0000, v17  }
0xcb: {  	v19 =	vld [tilespmem:s10+$0x30];
	v3 =	vadd.f32 v5, v14;
	[tilespmem:s9+$0x140] =	vst v4;
	v7 =	vadd.f32 v6, v7;
	v16 =	vshll.u32 v11, $0x10  }
0xcc: {  	[tilespmem:s9+$0x150] =	vst v2;
	v2 =	vld [tilespmem:s11+$0x70];
	v11 =	vand.u32 $0xFFFF0000, v11;
	v5 =	vshll.u32 v13, $0x10;
	v13 =	vand.u32 $0xFFFF0000, v13  }
0xcd: {  	v4 =	vld [tilespmem:s10+$0x70];
	[tilespmem:s9+$0xFFFFFE60] =	vst v3;
	v14 =	vadd.f32 v16, v8;
	v8 =	vshll.u32 v12, $0x10;
	v6 =	vand.u32 $0xFFFF0000, v12  }
0xce: {  	[tilespmem:s9+$0xFFFFFE70] =	vst v7;
	v11 =	vadd.f32 v11, v9;
	v3 =	vld [tilespmem:s11+$0xB0];
	v7 =	vand.u32 $0xFFFF0000, v18;
	v12 =	vshll.u32 v15, $0x10  }
0xcf: {  	v9 =	vand.u32 $0xFFFF0000, v15;
	[tilespmem:s9+$0xFFFFFEE0] =	vst v14;
	v14 =	vadd.f32 v10, v5;
	v10 =	vshll.u32 v18, $0x10;
	v5 =	vld [tilespmem:s10+$0xB0]  }
0xd0: {  	s20 =	simm.s32 $0x0;
	s22 =	simm.s32 $0x4A10;
	s11 =	simm.s32 $0x12910;
	[tilespmem:s9+$0xFFFFFEF0] =	vst v11;
	v15 =	vadd.f32 v17, v13;
	v13 =	vshll.u32 v19, $0x10;
	v11 =	vand.u32 $0xFFFF0000, v19  }
.LBB2_4:
0xd1: {  	v16 =	vld [tilespmem:s22+$0xC0];
	[tilespmem:s9+$0xFFFFFF60] =	vst v14;
	v8 =	vadd.f32 v12, v8;
	v12 =	vshll.u32 v2, $0x10;
	v2 =	vand.u32 $0xFFFF0000, v2;
	s10 =	sadd.s32 $0x200, s10  }
0xd2: {  	v6 =	vadd.f32 v9, v6;
	v14 =	vld [tilespmem:s10+$0xC0];
	[tilespmem:s9+$0xFFFFFF70] =	vst v15;
	v9 =	vshll.u32 v4, $0x10;
	v4 =	vand.u32 $0xFFFF0000, v4  }
0xd3: {  	v15 =	vld [tilespmem:s10+$0xFFFFFF00];
	[tilespmem:s9+$0xFFFFFFE0] =	vst v8;
	v8 =	vadd.f32 v13, v10;
	v10 =	vshll.u32 v3, $0x10;
	v3 =	vand.u32 $0xFFFF0000, v3  }
0xd4: {  	v13 =	vld [tilespmem:s22+$0xFFFFFF40];
	[tilespmem:s9+$0xFFFFFFF0] =	vst v6;
	v6 =	vadd.f32 v11, v7;
	v7 =	vshll.u32 v5, $0x10;
	v5 =	vand.u32 $0xFFFF0000, v5  }
0xd5: {  	v2 =	vadd.f32 v4, v2;
	v11 =	vld [tilespmem:s10+$0xFFFFFF40];
	[tilespmem:s9+$0x60] =	vst v8;
	v8 =	vadd.f32 v9, v12  }
0xd6: {  	v3 =	vadd.f32 v5, v3;
	v4 =	vld [tilespmem:s22+$0xFFFFFF80];
	[tilespmem:s9+$0x70] =	vst v6;
	v6 =	vadd.f32 v7, v10  }
0xd7: {  	v0 =	vadd.f32 v1, v0;
	v7 =	vshll.u32 v16, $0x10;
	v5 =	vld [tilespmem:s10+$0xFFFFFF80];
	v9 =	vshll.u32 v14, $0x10;
	[tilespmem:s9+$0xE0] =	vst v8  }
0xd8: {  	s20 =	sadd.s32 $0x8, s20;
	v8 =	vand.u32 $0xFFFF0000, v16;
	v1 =	vld [tilespmem:s22+$0xFFFFFFC0];
	v7 =	vadd.f32 v9, v7;
	v9 =	vand.u32 $0xFFFF0000, v14;
	[tilespmem:s9+$0xF0] =	vst v2  }
0xd9: {  	p0 =	slt.u32 s20, $0x78;
	v2 =	vshll.u32 v15, $0x10;
	v10 =	vand.u32 $0xFFFF0000, v15;
	s9 =	sadd.s32 $0x400, s9;
	v12 =	vld [tilespmem:s10+$0xFFFFFFC0];
	v8 =	vadd.f32 v9, v8;
	[tilespmem:s11+$0x160] =	vst v6  }
0xda: {  	v6 =	vshll.u32 v13, $0x10;
	v13 =	vand.u32 $0xFFFF0000, v13;
	v9 =	vshll.u32 v11, $0x10;
	v14 =	vld [tilespmem:s22+$0x0];
	[tilespmem:s9+$0x180] =	vst v7  }
0xdb: {  	v7 =	vand.u32 $0xFFFF0000, v11;
	v11 =	vshll.u32 v4, $0x10;
	v4 =	vand.u32 $0xFFFF0000, v4;
	v15 =	vld [tilespmem:s10+$0x0];
	[tilespmem:s9+$0x190] =	vst v8  }
0xdc: {  	v6 =	vadd.f32 v9, v6;
	v8 =	vshll.u32 v5, $0x10;
	v5 =	vand.u32 $0xFFFF0000, v5;
	v9 =	vld [tilespmem:s22+$0xD0];
	[tilespmem:s11+$0x170] =	vst v3  }
0xdd: {  	v3 =	vadd.f32 v7, v13;
	v7 =	vshll.u32 v1, $0x10;
	v1 =	vand.u32 $0xFFFF0000, v1;
	v13 =	vld [tilespmem:s10+$0xD0];
	[tilespmem:s11+$0x1E0] =	vst v0;
	s11 =	smov.u32 s9  }
0xde: {  	v0 =	vadd.f32 v8, v11;
	[tilespmem:s9+$0xFFFFFE80] =	vst v6;
	v6 =	vshll.u32 v12, $0x10;
	v8 =	vand.u32 $0xFFFF0000, v12;
	v11 =	vld [tilespmem:s22+$0x40]  }
0xdf: {  	[tilespmem:s9+$0xFFFFFE90] =	vst v3;
	v3 =	vadd.f32 v5, v4;
	v4 =	vshll.u32 v14, $0x10;
	v5 =	vand.u32 $0xFFFF0000, v14;
	v12 =	vld [tilespmem:s10+$0x40]  }
0xe0: {  	[tilespmem:s9+$0xFFFFFF00] =	vst v0;
	v0 =	vadd.f32 v6, v7;
	v6 =	vshll.u32 v15, $0x10;
	v7 =	vand.u32 $0xFFFF0000, v15;
	v14 =	vld [tilespmem:s22+$0x80]  }
0xe1: {  	v1 =	vadd.f32 v8, v1;
	[tilespmem:s9+$0xFFFFFF10] =	vst v3;
	v3 =	vadd.f32 v6, v4;
	v4 =	vld [tilespmem:s10+$0x80]  }
0xe2: {  	v6 =	vld [tilespmem:s22+$0xFFFFFF00];
	[tilespmem:s9+$0xFFFFFF80] =	vst v0;
	v0 =	vadd.f32 v7, v5;
	v5 =	vshll.u32 v9, $0x10;
	v7 =	vshll.u32 v13, $0x10  }
0xe3: {  	v8 =	vld [tilespmem:s22+$0xFFFFFF50];
	[tilespmem:s9+$0xFFFFFF90] =	vst v1;
	v1 =	vadd.f32 v7, v5;
	v5 =	vand.u32 $0xFFFF0000, v9;
	v7 =	vand.u32 $0xFFFF0000, v13  }
0xe4: {  	v9 =	vld [tilespmem:s10+$0xFFFFFF50];
	[tilespmem:s9+$0x0] =	vst v3;
	v3 =	vshll.u32 v11, $0x10;
	v13 =	vshll.u32 v12, $0x10;
	v5 =	vadd.f32 v7, v5  }
0xe5: {  	v11 =	vand.u32 $0xFFFF0000, v11;
	v12 =	vand.u32 $0xFFFF0000, v12;
	v7 =	vld [tilespmem:s22+$0xFFFFFF90];
	v15 =	vshll.u32 v14, $0x10;
	[tilespmem:s9+$0x1A0] =	vst v1  }
0xe6: {  	v14 =	vand.u32 $0xFFFF0000, v14;
	v1 =	vld [tilespmem:s10+$0xFFFFFF90];
	v16 =	vshll.u32 v4, $0x10;
	v4 =	vand.u32 $0xFFFF0000, v4;
	[tilespmem:s9+$0x1B0] =	vst v5  }
0xe7: {  	v5 =	vshll.u32 v6, $0x10;
	v6 =	vand.u32 $0xFFFF0000, v6;
	[tilespmem:s9+$0x10] =	vst v0;
	v0 =	vadd.f32 v13, v3;
	v3 =	vld [tilespmem:s22+$0xE0]  }
0xe8: {  	v2 =	vadd.f32 v2, v5;
	v5 =	vadd.f32 v10, v6;
	v6 =	vshll.u32 v8, $0x10;
	v10 =	vld [tilespmem:s10+$0xE0]  }
0xe9: {  	v11 =	vadd.f32 v12, v11;
	v13 =	vshll.u32 v9, $0x10;
	v17 =	vld [tilespmem:s22+$0xFFFFFFD0];
	[tilespmem:s9+$0x80] =	vst v0;
	v0 =	vadd.f32 v16, v15  }
0xea: {  	v4 =	vadd.f32 v4, v14;
	[tilespmem:s9+$0xFFFFFE00] =	vst v2;
	v2 =	vand.u32 $0xFFFF0000, v8;
	v8 =	vand.u32 $0xFFFF0000, v9;
	v9 =	vld [tilespmem:s10+$0xFFFFFFD0]  }
0xeb: {  	[tilespmem:s9+$0xFFFFFE10] =	vst v5;
	v5 =	vshll.u32 v7, $0x10;
	v12 =	vshll.u32 v1, $0x10;
	v7 =	vand.u32 $0xFFFF0000, v7;
	v14 =	vld [tilespmem:s22+$0x10]  }
0xec: {  	v6 =	vadd.f32 v13, v6;
	v2 =	vadd.f32 v8, v2;
	v1 =	vand.u32 $0xFFFF0000, v1;
	v15 =	vld [tilespmem:s22+$0xFFFFFF10];
	[tilespmem:s9+$0x90] =	vst v11  }
0xed: {  	v5 =	vadd.f32 v12, v5;
	v8 =	vld [tilespmem:s10+$0xFFFFFF10];
	[tilespmem:s9+$0x100] =	vst v0;
	v0 =	vshll.u32 v3, $0x10;
	v11 =	vshll.u32 v10, $0x10  }
0xee: {  	v3 =	vand.u32 $0xFFFF0000, v3;
	v12 =	vld [tilespmem:s10+$0x10];
	[tilespmem:s9+$0x110] =	vst v4;
	v0 =	vadd.f32 v11, v0;
	v4 =	vand.u32 $0xFFFF0000, v10  }
0xef: {  	[tilespmem:s9+$0xFFFFFEA0] =	vst v6;
	v6 =	vshll.u32 v17, $0x10;
	v10 =	vshll.u32 v9, $0x10;
	v11 =	vld [tilespmem:s22+$0x50];
	v3 =	vadd.f32 v4, v3  }
0xf0: {  	v4 =	vand.u32 $0xFFFF0000, v17;
	v9 =	vand.u32 $0xFFFF0000, v9;
	v13 =	vshll.u32 v14, $0x10;
	v16 =	vld [tilespmem:s10+$0x50];
	[tilespmem:s9+$0x1C0] =	vst v0  }
0xf1: {  	v14 =	vand.u32 $0xFFFF0000, v14;
	v0 =	vshll.u32 v15, $0x10;
	v15 =	vand.u32 $0xFFFF0000, v15;
	v17 =	vld [tilespmem:s22+$0x90];
	[tilespmem:s9+$0x1D0] =	vst v3  }
0xf2: {  	v3 =	vshll.u32 v8, $0x10;
	v8 =	vand.u32 $0xFFFF0000, v8;
	[tilespmem:s9+$0xFFFFFEB0] =	vst v2;
	v2 =	vadd.f32 v1, v7;
	v7 =	vld [tilespmem:s22+$0xF0]  }
0xf3: {  	v0 =	vadd.f32 v3, v0;
	[tilespmem:s9+$0xFFFFFF20] =	vst v5;
	v3 =	vshll.u32 v12, $0x10;
	v5 =	vand.u32 $0xFFFF0000, v12;
	v1 =	vld [tilespmem:s10+$0xF0]  }
0xf4: {  	v8 =	vadd.f32 v8, v15;
	[tilespmem:s9+$0xFFFFFF30] =	vst v2;
	v2 =	vshll.u32 v11, $0x10;
	v11 =	vand.u32 $0xFFFF0000, v11;
	v12 =	vld [tilespmem:s10+$0x90]  }
0xf5: {  	[tilespmem:s9+$0xFFFFFE20] =	vst v0;
	v15 =	vld [tilespmem:s22+$0xFFFFFF60];
	v0 =	vadd.f32 v10, v6;
	v6 =	vshll.u32 v16, $0x10;
	v10 =	vand.u32 $0xFFFF0000, v16  }
0xf6: {  	v4 =	vadd.f32 v9, v4;
	[tilespmem:s9+$0xFFFFFE30] =	vst v8;
	v8 =	vld [tilespmem:s10+$0xFFFFFF60];
	v9 =	vshll.u32 v17, $0x10;
	v16 =	vand.u32 $0xFFFF0000, v17  }
0xf7: {  	v3 =	vadd.f32 v3, v13;
	v5 =	vadd.f32 v5, v14;
	v17 =	vld [tilespmem:s22+$0xFFFFFF20];
	[tilespmem:s9+$0xFFFFFFA0] =	vst v0;
	v0 =	vshll.u32 v7, $0x10  }
0xf8: {  	v2 =	vadd.f32 v6, v2;
	v13 =	vld [tilespmem:s10+$0xFFFFFF20];
	[tilespmem:s9+$0xFFFFFFB0] =	vst v4;
	v4 =	vand.u32 $0xFFFF0000, v7;
	v6 =	vand.u32 $0xFFFF0000, v1  }
0xf9: {  	v7 =	vld [tilespmem:s22+$0xFFFFFFA0];
	[tilespmem:s9+$0x20] =	vst v3;
	v3 =	vshll.u32 v12, $0x10;
	v12 =	vand.u32 $0xFFFF0000, v12;
	v4 =	vadd.f32 v6, v4  }
0xfa: {  	v6 =	vshll.u32 v15, $0x10;
	v14 =	vld [tilespmem:s10+$0xFFFFFFA0];
	[tilespmem:s9+$0x30] =	vst v5;
	v5 =	vadd.f32 v10, v11;
	v3 =	vadd.f32 v3, v9  }
0xfb: {  	v10 =	vand.u32 $0xFFFF0000, v15;
	v12 =	vadd.f32 v12, v16;
	v9 =	vshll.u32 v8, $0x10;
	v11 =	vld [tilespmem:s22+$0xFFFFFFE0];
	[tilespmem:s9+$0x1F0] =	vst v4  }
0xfc: {  	v8 =	vand.u32 $0xFFFF0000, v8;
	v4 =	vshll.u32 v17, $0x10;
	v15 =	vand.u32 $0xFFFF0000, v17;
	v16 =	vld [tilespmem:s10+$0xFFFFFFE0];
	[tilespmem:s9+$0xA0] =	vst v2  }
0xfd: {  	v6 =	vadd.f32 v9, v6;
	v2 =	vshll.u32 v13, $0x10;
	v13 =	vand.u32 $0xFFFF0000, v13;
	v9 =	vld [tilespmem:s22+$0x20];
	[tilespmem:s9+$0xB0] =	vst v5  }
0xfe: {  	v2 =	vadd.f32 v2, v4;
	v4 =	vshll.u32 v7, $0x10;
	v5 =	vand.u32 $0xFFFF0000, v7;
	v7 =	vld [tilespmem:s10+$0x20];
	[tilespmem:s9+$0x120] =	vst v3  }
0xff: {  	v3 =	vadd.f32 v13, v15;
	v13 =	vshll.u32 v14, $0x10;
	v14 =	vand.u32 $0xFFFF0000, v14;
	v15 =	vld [tilespmem:s22+$0x60];
	[tilespmem:s9+$0x130] =	vst v12  }
0x100: {  	[tilespmem:s9+$0xFFFFFE40] =	vst v2;
	v2 =	vadd.f32 v8, v10;
	v8 =	vshll.u32 v11, $0x10;
	v10 =	vand.u32 $0xFFFF0000, v11;
	v11 =	vld [tilespmem:s10+$0x60]  }
0x101: {  	[tilespmem:s9+$0xFFFFFE50] =	vst v3;
	v3 =	vadd.f32 v13, v4;
	v4 =	vshll.u32 v16, $0x10;
	v12 =	vand.u32 $0xFFFF0000, v16;
	v13 =	vld [tilespmem:s22+$0xA0]  }
0x102: {  	v5 =	vadd.f32 v14, v5;
	[tilespmem:s9+$0xFFFFFEC0] =	vst v6;
	v6 =	vshll.u32 v9, $0x10;
	v9 =	vand.u32 $0xFFFF0000, v9;
	v14 =	vld [tilespmem:s10+$0xA0]  }
0x103: {  	v16 =	vld [tilespmem:s22+$0xFFFFFF30];
	[tilespmem:s9+$0xFFFFFED0] =	vst v2;
	v2 =	vadd.f32 v4, v8;
	v4 =	vshll.u32 v7, $0x10;
	v7 =	vand.u32 $0xFFFF0000, v7  }
0x104: {  	v8 =	vld [tilespmem:s10+$0xFFFFFF30];
	[tilespmem:s9+$0xFFFFFF40] =	vst v3;
	v3 =	vadd.f32 v12, v10;
	v10 =	vshll.u32 v15, $0x10;
	v12 =	vand.u32 $0xFFFF0000, v15  }
0x105: {  	v4 =	vadd.f32 v4, v6;
	v15 =	vld [tilespmem:s22+$0xFFFFFF70];
	[tilespmem:s9+$0xFFFFFF50] =	vst v5;
	v5 =	vshll.u32 v11, $0x10;
	v6 =	vand.u32 $0xFFFF0000, v11  }
0x106: {  	v11 =	vld [tilespmem:s10+$0xFFFFFF70];
	[tilespmem:s9+$0xFFFFFFC0] =	vst v2;
	v2 =	vadd.f32 v7, v9;
	v7 =	vshll.u32 v13, $0x10;
	v9 =	vand.u32 $0xFFFF0000, v13  }
0x107: {  	v13 =	vld [tilespmem:s22+$0xFFFFFFB0];
	[tilespmem:s9+$0xFFFFFFD0] =	vst v3;
	v3 =	vadd.f32 v5, v10;
	v5 =	vshll.u32 v14, $0x10;
	v10 =	vand.u32 $0xFFFF0000, v14  }
0x108: {  	v14 =	vshll.u32 v16, $0x10;
	v17 =	vld [tilespmem:s10+$0xFFFFFFB0];
	[tilespmem:s9+$0x40] =	vst v4;
	v4 =	vadd.f32 v6, v12;
	v5 =	vadd.f32 v5, v7  }
0x109: {  	v7 =	vand.u32 $0xFFFF0000, v16;
	v9 =	vadd.f32 v10, v9;
	v6 =	vshll.u32 v8, $0x10;
	v12 =	vld [tilespmem:s22+$0xFFFFFFF0];
	[tilespmem:s9+$0x50] =	vst v2  }
0x10a: {  	v2 =	vand.u32 $0xFFFF0000, v8;
	v8 =	vshll.u32 v15, $0x10;
	v10 =	vand.u32 $0xFFFF0000, v15;
	v15 =	vld [tilespmem:s10+$0xFFFFFFF0];
	[tilespmem:s9+$0xC0] =	vst v3  }
0x10b: {  	v1 =	vshll.u32 v1, $0x10;
	v3 =	vshll.u32 v11, $0x10;
	v11 =	vand.u32 $0xFFFF0000, v11;
	v16 =	vld [tilespmem:s22+$0x30];
	[tilespmem:s9+$0xD0] =	vst v4  }
0x10c: {  	v4 =	vadd.f32 v6, v14;
	v14 =	vshll.u32 v13, $0x10;
	v13 =	vand.u32 $0xFFFF0000, v13;
	v18 =	vld [tilespmem:s10+$0x30];
	[tilespmem:s9+$0x140] =	vst v5  }
.Ltmp3:
0x10d: {  	v5 =	vadd.f32 v2, v7;
	v7 =	vshll.u32 v17, $0x10;
	v17 =	vand.u32 $0xFFFF0000, v17;
	v2 =	vld [tilespmem:s22+$0x70];
	[tilespmem:s9+$0x150] =	vst v9;
	(pc) =	sbr.rel @p0 .LBB2_4-.Ltmp3, $4  }
0x10e: {  	v19 =	vadd.f32 v3, v8;
	[tilespmem:s9+$0xFFFFFE60] =	vst v4;
	v8 =	vshll.u32 v12, $0x10;
	v6 =	vand.u32 $0xFFFF0000, v12;
	v4 =	vld [tilespmem:s10+$0x70]  }
0x10f: {  	v11 =	vadd.f32 v11, v10;
	[tilespmem:s9+$0xFFFFFE70] =	vst v5;
	v12 =	vshll.u32 v15, $0x10;
	v9 =	vand.u32 $0xFFFF0000, v15;
	v3 =	vld [tilespmem:s22+$0xB0]  }
0x110: {  	v14 =	vadd.f32 v7, v14;
	[tilespmem:s9+$0xFFFFFEE0] =	vst v19;
	v10 =	vshll.u32 v16, $0x10;
	v7 =	vand.u32 $0xFFFF0000, v16;
	v5 =	vld [tilespmem:s10+$0xB0]  }
0x111: {  	v15 =	vadd.f32 v17, v13;
	s22 =	sadd.s32 $0x200, s22;
	[tilespmem:s9+$0xFFFFFEF0] =	vst v11;
	v13 =	vshll.u32 v18, $0x10;
	v11 =	vand.u32 $0xFFFF0000, v18  }
0x112: {  	[tilespmem:s9+$0xFFFFFF60] =	vst v14;
	v8 =	vadd.f32 v12, v8  }
0x113: {  	v6 =	vadd.f32 v9, v6;
	[tilespmem:s9+$0xFFFFFF70] =	vst v15  }
0x114: {  	v52 =	vadd.f32 v13, v10;
	[tilespmem:s9+$0xFFFFFFE0] =	vst v8  }
0x115: {  	v55 =	vadd.f32 v11, v7;
	[tilespmem:s9+$0xFFFFFFF0] =	vst v6  }
0x116: {  	v53 =	vshll.u32 v2, $0x10;
	v0 =	vadd.f32 v1, v0;
	v54 =	vshll.u32 v4, $0x10;
	[tilespmem:s9+$0x60] =	vst v52  }
0x117: {  	v56 =	vand.u32 $0xFFFF0000, v2;
	v57 =	vand.u32 $0xFFFF0000, v4;
	v58 =	vadd.f32 v54, v53;
	[tilespmem:s9+$0x70] =	vst v55  }
0x118: {  	v59 =	vshll.u32 v3, $0x10;
	v2 =	vadd.f32 v57, v56;
	[tilespmem:s11+$0x1E0] =	vst v0;
	v60 =	vshll.u32 v5, $0x10  }
0x119: {  	s26 =	sshll.u32 s26, $0xE;
	v61 =	vand.u32 $0xFFFF0000, v3;
	v62 =	vand.u32 $0xFFFF0000, v5;
	v63 =	vadd.f32 v60, v59;
	[tilespmem:s9+$0xE0] =	vst v58  }
0x11a: {  	v3 =	vadd.f32 v62, v61;
	[tilespmem:s9+$0xF0] =	vst v2;
	s9 =	sadd.s32 s5, s26  }
0x11b: {  	s9 =	sshrl.u32 s9, $0x3;
	[tilespmem:s11+$0x160] =	vst v63  }
0x11c: {  	[tilespmem:s11+$0x170] =	vst v3;
	s9 =	sadd.s32 s2, s9  }
0x11d: {  	[hbm4b:s9+s3] =	stream.linear.scatter [tilespmem:s16], [sflag:$0x8], $0x4000, $0x38;
	[tilespmem:$0x1A710] =	vst v63  }
.LBB2_6:
0x11e: {  	p0 =	seq.s32 s25, $0xD  }
0x11f: {  	s8 =	sadd.s32 @!p0 $0xFFFFFFFF, s8  }
0x120: {  	p1 =	sgt.u32 @!p0 s8, $0x26  }
0x121: {  	s26 =	smul.u32 @!p0 $0x180, s25;
	p1 =	por p0, !p1  }
.Ltmp4:
0x122: {  	_ = 	snop;
	(pc) =	sbr.rel @!p1 .LBB2_11-.Ltmp4, $4  }
0x123: {  	s9 =	simm.s32 @!p0 $0x80;
	s10 =	simm.s32 @!p0 $0x2710  }
0x124: {  	[tilespmem:s10], [sflag:$0x1] =	stream.indirect.gather @!p0 [hbm4b:s6+s9], $0x40, s26, s9, $0xb8;
	[tilespmem:$0x1A710] =	vst v63  }
0x125: {  	s11 =	simm.s32 @!p0 $0x8710;
	s10 =	sadd.s32 @!p0 $0x1388, s26  }
0x126: {  	[tilespmem:s11], [sflag:$0x4] =	stream.indirect.gather @!p0 [hbm4b:s7+s9], $0x40, s10, s9, $0xb8;
	[tilespmem:$0x1A710] =	vst v63  }
0x127: {  	_ =	swait.ge [sflag:s17], $0x2000  }
0x128: {  	[sflag:s17] =	ssyncset.done $0x0  }
0x129: {  	[sflag:s17] =	ssyncadd.s32 $0xFFFFE000  }
0x12a: {  	_ =	swait.ge [sflag:s18], $0x2000  }
0x12b: {  	p1 =	slt.u32 s25, $0x2;
	[sflag:s18] =	ssyncset.done $0x0  }
0x12c: {  	s9 =	simm.s32 @!p1 $0x9;
	[sflag:s18] =	ssyncadd.s32 $0xFFFFE000  }
0x12d: {  	_ =	swait.ge @!p1 [sflag:s9], $0x4000  }
0x12e: {  	[sflag:s9] =	ssyncset.done @!p1 $0x0  }
0x12f: {  	s10 =	simm.s32 $0x6810;
	[sflag:s9] =	ssyncadd.s32 @!p1 $0xFFFFC000  }
0x130: {  	s9 =	simm.s32 $0xC810;
	v0 =	vld [tilespmem:s10+$0xC0]  }
0x131: {  	v1 =	vld [tilespmem:s9+$0xC0]  }
0x132: {  	v2 =	vld [tilespmem:s9+$0xFFFFFF00]  }
0x133: {  	v4 =	vld [tilespmem:s9+$0xFFFFFF40]  }
0x134: {  	v3 =	vld [tilespmem:s10+$0xFFFFFF40]  }
0x135: {  	v5 =	vld [tilespmem:s10+$0xFFFFFF80]  }
0x136: {  	v6 =	vld [tilespmem:s9+$0xFFFFFF80]  }
0x137: {  	v9 =	vld [tilespmem:s10+$0xFFFFFFC0];
	v7 =	vshll.u32 v0, $0x10;
	v8 =	vshll.u32 v1, $0x10;
	v0 =	vand.u32 $0xFFFF0000, v0  }
0x138: {  	v10 =	vld [tilespmem:s9+$0xFFFFFFC0];
	v1 =	vand.u32 $0xFFFF0000, v1;
	v11 =	vshll.u32 v4, $0x10;
	v7 =	vadd.f32 v8, v7  }
0x139: {  	s26 =	simm.s32 $0x16910;
	v12 =	vld [tilespmem:s10+$0x0];
	v4 =	vand.u32 $0xFFFF0000, v4;
	v8 =	vshll.u32 v2, $0x10;
	v0 =	vadd.f32 v1, v0  }
0x13a: {  	v13 =	vld [tilespmem:s9+$0x0];
	v1 =	vand.u32 $0xFFFF0000, v2;
	v2 =	vshll.u32 v3, $0x10;
	v3 =	vand.u32 $0xFFFF0000, v3;
	[tilespmem:s26+$0x180] =	vst v7  }
0x13b: {  	v15 =	vld [tilespmem:s10+$0x40];
	v2 =	vadd.f32 v11, v2;
	v3 =	vadd.f32 v4, v3;
	[tilespmem:s26+$0x190] =	vst v0  }
0x13c: {  	v7 =	vshll.u32 v5, $0x10;
	v0 =	vand.u32 $0xFFFF0000, v5;
	v5 =	vshll.u32 v6, $0x10;
	v11 =	vld [tilespmem:s10+$0xD0]  }
0x13d: {  	v6 =	vand.u32 $0xFFFF0000, v6;
	v14 =	vld [tilespmem:s9+$0xD0];
	v5 =	vadd.f32 v5, v7  }
0x13e: {  	v0 =	vadd.f32 v6, v0;
	v6 =	vshll.u32 v12, $0x10;
	[tilespmem:s26+$0xFFFFFE90] =	vst v3;
	v3 =	vand.u32 $0xFFFF0000, v12;
	v12 =	vld [tilespmem:s10+$0x80]  }
0x13f: {  	v4 =	vshll.u32 v9, $0x10;
	v9 =	vand.u32 $0xFFFF0000, v9;
	v7 =	vshll.u32 v10, $0x10;
	[tilespmem:s26+$0xFFFFFE80] =	vst v2  }
0x140: {  	v2 =	vand.u32 $0xFFFF0000, v10;
	v10 =	vld [tilespmem:s9+$0x40];
	v4 =	vadd.f32 v7, v4;
	v7 =	vshll.u32 v13, $0x10;
	[tilespmem:s26+$0xFFFFFF00] =	vst v5  }
0x141: {  	v2 =	vadd.f32 v2, v9;
	v5 =	vand.u32 $0xFFFF0000, v13;
	v6 =	vadd.f32 v7, v6;
	[tilespmem:s26+$0xFFFFFF10] =	vst v0;
	v0 =	vld [tilespmem:s10+$0xFFFFFF00]  }
0x142: {  	v7 =	vld [tilespmem:s9+$0x80];
	v13 =	vshll.u32 v15, $0x10;
	v15 =	vand.u32 $0xFFFF0000, v15;
	v3 =	vadd.f32 v5, v3;
	[tilespmem:s26+$0xFFFFFF80] =	vst v4  }
0x143: {  	v4 =	vld [tilespmem:s10+$0xFFFFFF50];
	[tilespmem:s26+$0xFFFFFF90] =	vst v2;
	v5 =	vshll.u32 v11, $0x10;
	v9 =	vshll.u32 v14, $0x10;
	v16 =	vshll.u32 v12, $0x10  }
0x144: {  	v2 =	vld [tilespmem:s9+$0xFFFFFF50];
	[tilespmem:s26+$0x0] =	vst v6;
	v5 =	vadd.f32 v9, v5;
	v9 =	vand.u32 $0xFFFF0000, v11;
	v11 =	vand.u32 $0xFFFF0000, v14  }
0x145: {  	[tilespmem:s26+$0x10] =	vst v3;
	v14 =	vshll.u32 v10, $0x10;
	v10 =	vand.u32 $0xFFFF0000, v10;
	v9 =	vadd.f32 v11, v9;
	v11 =	vld [tilespmem:s10+$0xFFFFFF90]  }
0x146: {  	v12 =	vand.u32 $0xFFFF0000, v12;
	v6 =	vshll.u32 v0, $0x10;
	v10 =	vadd.f32 v10, v15;
	[tilespmem:s26+$0x1A0] =	vst v5;
	v5 =	vld [tilespmem:s9+$0xFFFFFF90]  }
0x147: {  	v0 =	vand.u32 $0xFFFF0000, v0;
	v3 =	vadd.f32 v8, v6;
	[tilespmem:s26+$0x1B0] =	vst v9;
	v9 =	vadd.f32 v14, v13;
	v14 =	vld [tilespmem:s10+$0xFFFFFFD0]  }
0x148: {  	v17 =	vshll.u32 v7, $0x10;
	v7 =	vand.u32 $0xFFFF0000, v7;
	v0 =	vadd.f32 v1, v0;
	[tilespmem:s26+$0x90] =	vst v10;
	v13 =	vld [tilespmem:s10+$0xE0]  }
0x149: {  	v1 =	vshll.u32 v4, $0x10;
	v8 =	vshll.u32 v2, $0x10;
	v2 =	vand.u32 $0xFFFF0000, v2;
	v6 =	vld [tilespmem:s9+$0xE0];
	[tilespmem:s26+$0xFFFFFE00] =	vst v3  }
0x14a: {  	v7 =	vadd.f32 v7, v12;
	v1 =	vadd.f32 v8, v1;
	v3 =	vand.u32 $0xFFFF0000, v4;
	v4 =	vld [tilespmem:s9+$0xFFFFFFD0];
	[tilespmem:s26+$0xFFFFFE10] =	vst v0  }
0x14b: {  	[tilespmem:s26+$0x80] =	vst v9;
	v9 =	vadd.f32 v17, v16;
	v16 =	vld [tilespmem:s10+$0xFFFFFF10];
	v2 =	vadd.f32 v2, v3  }
0x14c: {  	[tilespmem:s26+$0xFFFFFEA0] =	vst v1;
	v0 =	vshll.u32 v11, $0x10;
	v12 =	vshll.u32 v5, $0x10;
	v3 =	vand.u32 $0xFFFF0000, v5;
	v5 =	vld [tilespmem:s9+$0xFFFFFF10]  }
0x14d: {  	v11 =	vand.u32 $0xFFFF0000, v11;
	[tilespmem:s26+$0x100] =	vst v9;
	v0 =	vadd.f32 v12, v0;
	v1 =	vshll.u32 v14, $0x10;
	v12 =	vld [tilespmem:s10+$0x50]  }
0x14e: {  	v15 =	vld [tilespmem:s10+$0x10];
	[tilespmem:s26+$0xFFFFFEB0] =	vst v2;
	v2 =	vadd.f32 v3, v11;
	v8 =	vshll.u32 v13, $0x10;
	v9 =	vshll.u32 v6, $0x10  }
0x14f: {  	v10 =	vld [tilespmem:s9+$0x10];
	[tilespmem:s26+$0x110] =	vst v7;
	v6 =	vand.u32 $0xFFFF0000, v6;
	v7 =	vadd.f32 v9, v8;
	v8 =	vand.u32 $0xFFFF0000, v13  }
0x150: {  	v17 =	vld [tilespmem:s10+$0x90];
	v9 =	vshll.u32 v4, $0x10;
	v4 =	vand.u32 $0xFFFF0000, v4;
	[tilespmem:s26+$0xFFFFFF30] =	vst v2;
	v6 =	vadd.f32 v6, v8  }
0x151: {  	v8 =	vand.u32 $0xFFFF0000, v14;
	v14 =	vld [tilespmem:s9+$0x50];
	v1 =	vadd.f32 v9, v1;
	[tilespmem:s26+$0x1C0] =	vst v7;
	v7 =	vshll.u32 v16, $0x10  }
0x152: {  	[tilespmem:s26+$0x1D0] =	vst v6;
	v6 =	vshll.u32 v5, $0x10;
	v2 =	vshll.u32 v12, $0x10;
	v11 =	vand.u32 $0xFFFF0000, v12;
	v12 =	vld [tilespmem:s9+$0x90]  }
0x153: {  	[tilespmem:s26+$0xFFFFFF20] =	vst v0;
	v16 =	vand.u32 $0xFFFF0000, v16;
	v5 =	vand.u32 $0xFFFF0000, v5;
	v3 =	vld [tilespmem:s10+$0xF0];
	v6 =	vadd.f32 v6, v7  }
0x154: {  	v0 =	vshll.u32 v10, $0x10;
	[tilespmem:s26+$0xFFFFFFA0] =	vst v1;
	v7 =	vand.u32 $0xFFFF0000, v10;
	v10 =	vld [tilespmem:s9+$0xF0];
	v5 =	vadd.f32 v5, v16  }
0x155: {  	v13 =	vshll.u32 v15, $0x10;
	v15 =	vand.u32 $0xFFFF0000, v15;
	v4 =	vadd.f32 v4, v8;
	[tilespmem:s26+$0xFFFFFE20] =	vst v6;
	v6 =	vld [tilespmem:s10+$0xFFFFFF60]  }
0x156: {  	v8 =	vshll.u32 v17, $0x10;
	v1 =	vadd.f32 v0, v13;
	v7 =	vadd.f32 v7, v15;
	[tilespmem:s26+$0xFFFFFE30] =	vst v5;
	v5 =	vld [tilespmem:s9+$0xFFFFFF60]  }
0x157: {  	v16 =	vand.u32 $0xFFFF0000, v17;
	v9 =	vshll.u32 v14, $0x10;
	v14 =	vand.u32 $0xFFFF0000, v14;
	v17 =	vld [tilespmem:s10+$0xFFFFFF20]  }
0x158: {  	v13 =	vld [tilespmem:s9+$0xFFFFFF20];
	v2 =	vadd.f32 v9, v2;
	[tilespmem:s26+$0x30] =	vst v7;
	v7 =	vadd.f32 v14, v11  }
0x159: {  	[tilespmem:s26+$0xFFFFFFB0] =	vst v4;
	v9 =	vld [tilespmem:s10+$0xFFFFFFA0];
	v0 =	vshll.u32 v3, $0x10;
	v3 =	vand.u32 $0xFFFF0000, v3;
	v4 =	vand.u32 $0xFFFF0000, v10  }
0x15a: {  	[tilespmem:s26+$0x20] =	vst v1;
	v15 =	vld [tilespmem:s9+$0xFFFFFFA0];
	v1 =	vshll.u32 v12, $0x10;
	v12 =	vand.u32 $0xFFFF0000, v12;
	v3 =	vadd.f32 v4, v3  }
0x15b: {  	v11 =	vld [tilespmem:s10+$0xFFFFFFE0];
	v1 =	vadd.f32 v1, v8;
	v12 =	vadd.f32 v12, v16;
	[tilespmem:s26+$0xA0] =	vst v2;
	v4 =	vshll.u32 v6, $0x10  }
0x15c: {  	v16 =	vld [tilespmem:s9+$0xFFFFFFE0];
	v8 =	vshll.u32 v5, $0x10;
	[tilespmem:s26+$0x1F0] =	vst v3;
	v3 =	vshll.u32 v17, $0x10;
	v14 =	vand.u32 $0xFFFF0000, v17  }
0x15d: {  	[tilespmem:s26+$0xB0] =	vst v7;
	v2 =	vshll.u32 v13, $0x10;
	v13 =	vand.u32 $0xFFFF0000, v13;
	v4 =	vadd.f32 v8, v4;
	v8 =	vld [tilespmem:s10+$0x20]  }
0x15e: {  	[tilespmem:s26+$0x120] =	vst v1;
	v7 =	vand.u32 $0xFFFF0000, v9;
	v2 =	vadd.f32 v2, v3;
	v3 =	vshll.u32 v9, $0x10;
	v9 =	vld [tilespmem:s9+$0x20]  }
0x15f: {  	[tilespmem:s26+$0x130] =	vst v12;
	v1 =	vadd.f32 v13, v14;
	v13 =	vshll.u32 v15, $0x10;
	v14 =	vand.u32 $0xFFFF0000, v15;
	v15 =	vld [tilespmem:s10+$0x60]  }
0x160: {  	v6 =	vand.u32 $0xFFFF0000, v6;
	v5 =	vand.u32 $0xFFFF0000, v5;
	[tilespmem:s26+$0xFFFFFEC0] =	vst v4;
	v4 =	vadd.f32 v14, v7;
	v14 =	vld [tilespmem:s9+$0xA0]  }
0x161: {  	[tilespmem:s26+$0xFFFFFE40] =	vst v2;
	v2 =	vadd.f32 v5, v6;
	v5 =	vshll.u32 v11, $0x10;
	v6 =	vand.u32 $0xFFFF0000, v11;
	v11 =	vld [tilespmem:s9+$0x60]  }
0x162: {  	v12 =	vand.u32 $0xFFFF0000, v16;
	[tilespmem:s26+$0xFFFFFE50] =	vst v1;
	v1 =	vadd.f32 v13, v3;
	v13 =	vld [tilespmem:s10+$0xA0]  }
0x163: {  	v3 =	vshll.u32 v16, $0x10;
	v16 =	vld [tilespmem:s10+$0xFFFFFF30];
	[tilespmem:s26+$0xFFFFFF50] =	vst v4;
	v7 =	vshll.u32 v8, $0x10;
	v8 =	vand.u32 $0xFFFF0000, v8  }
0x164: {  	[tilespmem:s26+$0xFFFFFED0] =	vst v2;
	v2 =	vadd.f32 v3, v5;
	v3 =	vshll.u32 v9, $0x10;
	v5 =	vand.u32 $0xFFFF0000, v9;
	v9 =	vld [tilespmem:s9+$0xFFFFFF30]  }
0x165: {  	[tilespmem:s26+$0xFFFFFF40] =	vst v1;
	v1 =	vadd.f32 v12, v6;
	v6 =	vshll.u32 v15, $0x10;
	v12 =	vand.u32 $0xFFFF0000, v15;
	v15 =	vld [tilespmem:s10+$0xFFFFFF70]  }
0x166: {  	v17 =	vld [tilespmem:s9+$0xFFFFFFB0];
	v3 =	vadd.f32 v3, v7;
	[tilespmem:s26+$0xFFFFFFC0] =	vst v2;
	v2 =	vadd.f32 v5, v8;
	v4 =	vshll.u32 v11, $0x10  }
0x167: {  	[tilespmem:s26+$0xFFFFFFD0] =	vst v1;
	v7 =	vand.u32 $0xFFFF0000, v11;
	v11 =	vld [tilespmem:s9+$0xFFFFFF70];
	v5 =	vshll.u32 v13, $0x10;
	v8 =	vand.u32 $0xFFFF0000, v13  }
0x168: {  	v13 =	vld [tilespmem:s10+$0xFFFFFFB0];
	v1 =	vadd.f32 v4, v6;
	v4 =	vshll.u32 v14, $0x10;
	v6 =	vand.u32 $0xFFFF0000, v14;
	[tilespmem:s26+$0x40] =	vst v3  }
0x169: {  	v14 =	vshll.u32 v16, $0x10;
	v3 =	vadd.f32 v7, v12;
	v7 =	vand.u32 $0xFFFF0000, v16;
	v12 =	vld [tilespmem:s10+$0xFFFFFFF0];
	[tilespmem:s26+$0x50] =	vst v2  }
0x16a: {  	v4 =	vadd.f32 v4, v5;
	v2 =	vadd.f32 v6, v8;
	v18 =	vld [tilespmem:s10+$0x30];
	v5 =	vshll.u32 v9, $0x10  }
0x16b: {  	v6 =	vand.u32 $0xFFFF0000, v9;
	v8 =	vshll.u32 v15, $0x10;
	v9 =	vand.u32 $0xFFFF0000, v15;
	v15 =	vld [tilespmem:s9+$0xFFFFFFF0];
	[tilespmem:s26+$0xC0] =	vst v1  }
0x16c: {  	[tilespmem:s26+$0xD0] =	vst v3;
	v1 =	vshll.u32 v10, $0x10;
	v10 =	vshll.u32 v17, $0x10;
	v17 =	vand.u32 $0xFFFF0000, v17  }
0x16d: {  	v19 =	vld [tilespmem:s9+$0x30];
	v3 =	vadd.f32 v5, v14;
	[tilespmem:s26+$0x140] =	vst v4;
	v7 =	vadd.f32 v6, v7;
	v16 =	vshll.u32 v11, $0x10  }
0x16e: {  	[tilespmem:s26+$0x150] =	vst v2;
	v2 =	vld [tilespmem:s10+$0x70];
	v11 =	vand.u32 $0xFFFF0000, v11;
	v5 =	vshll.u32 v13, $0x10;
	v13 =	vand.u32 $0xFFFF0000, v13  }
0x16f: {  	v4 =	vld [tilespmem:s9+$0x70];
	[tilespmem:s26+$0xFFFFFE60] =	vst v3;
	v14 =	vadd.f32 v16, v8;
	v8 =	vshll.u32 v12, $0x10;
	v6 =	vand.u32 $0xFFFF0000, v12  }
0x170: {  	[tilespmem:s26+$0xFFFFFE70] =	vst v7;
	v11 =	vadd.f32 v11, v9;
	v3 =	vld [tilespmem:s10+$0xB0];
	v7 =	vand.u32 $0xFFFF0000, v18;
	v12 =	vshll.u32 v15, $0x10  }
0x171: {  	s8 =	simm.s32 @p0 $0x26;
	v9 =	vand.u32 $0xFFFF0000, v15;
	[tilespmem:s26+$0xFFFFFEE0] =	vst v14;
	v14 =	vadd.f32 v10, v5;
	v10 =	vshll.u32 v18, $0x10;
	v5 =	vld [tilespmem:s9+$0xB0]  }
0x172: {  	s11 =	simm.s32 $0x0;
	s20 =	simm.s32 $0x6A10;
	s10 =	simm.s32 $0x16910;
	[tilespmem:s26+$0xFFFFFEF0] =	vst v11;
	v15 =	vadd.f32 v17, v13;
	v13 =	vshll.u32 v19, $0x10;
	v11 =	vand.u32 $0xFFFF0000, v19  }
.LBB2_8:
0x173: {  	v16 =	vld [tilespmem:s20+$0xC0];
	[tilespmem:s26+$0xFFFFFF60] =	vst v14;
	v8 =	vadd.f32 v12, v8;
	v12 =	vshll.u32 v2, $0x10;
	v2 =	vand.u32 $0xFFFF0000, v2;
	s9 =	sadd.s32 $0x200, s9  }
0x174: {  	v6 =	vadd.f32 v9, v6;
	v14 =	vld [tilespmem:s9+$0xC0];
	[tilespmem:s26+$0xFFFFFF70] =	vst v15;
	v9 =	vshll.u32 v4, $0x10;
	v4 =	vand.u32 $0xFFFF0000, v4  }
0x175: {  	v15 =	vld [tilespmem:s9+$0xFFFFFF00];
	[tilespmem:s26+$0xFFFFFFE0] =	vst v8;
	v8 =	vadd.f32 v13, v10;
	v10 =	vshll.u32 v3, $0x10;
	v3 =	vand.u32 $0xFFFF0000, v3  }
0x176: {  	v13 =	vld [tilespmem:s20+$0xFFFFFF40];
	[tilespmem:s26+$0xFFFFFFF0] =	vst v6;
	v6 =	vadd.f32 v11, v7;
	v7 =	vshll.u32 v5, $0x10;
	v5 =	vand.u32 $0xFFFF0000, v5  }
0x177: {  	v2 =	vadd.f32 v4, v2;
	v11 =	vld [tilespmem:s9+$0xFFFFFF40];
	[tilespmem:s26+$0x60] =	vst v8;
	v8 =	vadd.f32 v9, v12  }
0x178: {  	v3 =	vadd.f32 v5, v3;
	v4 =	vld [tilespmem:s20+$0xFFFFFF80];
	[tilespmem:s26+$0x70] =	vst v6;
	v6 =	vadd.f32 v7, v10  }
0x179: {  	v0 =	vadd.f32 v1, v0;
	v7 =	vshll.u32 v16, $0x10;
	v5 =	vld [tilespmem:s9+$0xFFFFFF80];
	v9 =	vshll.u32 v14, $0x10;
	[tilespmem:s26+$0xE0] =	vst v8  }
0x17a: {  	s11 =	sadd.s32 $0x8, s11;
	v8 =	vand.u32 $0xFFFF0000, v16;
	v1 =	vld [tilespmem:s20+$0xFFFFFFC0];
	v7 =	vadd.f32 v9, v7;
	v9 =	vand.u32 $0xFFFF0000, v14;
	[tilespmem:s26+$0xF0] =	vst v2  }
0x17b: {  	p1 =	slt.u32 s11, $0x78;
	v2 =	vshll.u32 v15, $0x10;
	v10 =	vand.u32 $0xFFFF0000, v15;
	s26 =	sadd.s32 $0x400, s26;
	v12 =	vld [tilespmem:s9+$0xFFFFFFC0];
	v8 =	vadd.f32 v9, v8;
	[tilespmem:s10+$0x160] =	vst v6  }
0x17c: {  	v6 =	vshll.u32 v13, $0x10;
	v13 =	vand.u32 $0xFFFF0000, v13;
	v9 =	vshll.u32 v11, $0x10;
	v14 =	vld [tilespmem:s20+$0x0];
	[tilespmem:s26+$0x180] =	vst v7  }
0x17d: {  	v7 =	vand.u32 $0xFFFF0000, v11;
	v11 =	vshll.u32 v4, $0x10;
	v4 =	vand.u32 $0xFFFF0000, v4;
	v15 =	vld [tilespmem:s9+$0x0];
	[tilespmem:s26+$0x190] =	vst v8  }
0x17e: {  	v6 =	vadd.f32 v9, v6;
	v8 =	vshll.u32 v5, $0x10;
	v5 =	vand.u32 $0xFFFF0000, v5;
	v9 =	vld [tilespmem:s20+$0xD0];
	[tilespmem:s10+$0x170] =	vst v3  }
0x17f: {  	v3 =	vadd.f32 v7, v13;
	v7 =	vshll.u32 v1, $0x10;
	v1 =	vand.u32 $0xFFFF0000, v1;
	v13 =	vld [tilespmem:s9+$0xD0];
	[tilespmem:s10+$0x1E0] =	vst v0;
	s10 =	smov.u32 s26  }
0x180: {  	v0 =	vadd.f32 v8, v11;
	[tilespmem:s26+$0xFFFFFE80] =	vst v6;
	v6 =	vshll.u32 v12, $0x10;
	v8 =	vand.u32 $0xFFFF0000, v12;
	v11 =	vld [tilespmem:s20+$0x40]  }
0x181: {  	[tilespmem:s26+$0xFFFFFE90] =	vst v3;
	v3 =	vadd.f32 v5, v4;
	v4 =	vshll.u32 v14, $0x10;
	v5 =	vand.u32 $0xFFFF0000, v14;
	v12 =	vld [tilespmem:s9+$0x40]  }
0x182: {  	[tilespmem:s26+$0xFFFFFF00] =	vst v0;
	v0 =	vadd.f32 v6, v7;
	v6 =	vshll.u32 v15, $0x10;
	v7 =	vand.u32 $0xFFFF0000, v15;
	v14 =	vld [tilespmem:s20+$0x80]  }
0x183: {  	v1 =	vadd.f32 v8, v1;
	[tilespmem:s26+$0xFFFFFF10] =	vst v3;
	v3 =	vadd.f32 v6, v4;
	v4 =	vld [tilespmem:s9+$0x80]  }
0x184: {  	v6 =	vld [tilespmem:s20+$0xFFFFFF00];
	[tilespmem:s26+$0xFFFFFF80] =	vst v0;
	v0 =	vadd.f32 v7, v5;
	v5 =	vshll.u32 v9, $0x10;
	v7 =	vshll.u32 v13, $0x10  }
0x185: {  	v8 =	vld [tilespmem:s20+$0xFFFFFF50];
	[tilespmem:s26+$0xFFFFFF90] =	vst v1;
	v1 =	vadd.f32 v7, v5;
	v5 =	vand.u32 $0xFFFF0000, v9;
	v7 =	vand.u32 $0xFFFF0000, v13  }
0x186: {  	v9 =	vld [tilespmem:s9+$0xFFFFFF50];
	[tilespmem:s26+$0x0] =	vst v3;
	v3 =	vshll.u32 v11, $0x10;
	v13 =	vshll.u32 v12, $0x10;
	v5 =	vadd.f32 v7, v5  }
0x187: {  	v11 =	vand.u32 $0xFFFF0000, v11;
	v12 =	vand.u32 $0xFFFF0000, v12;
	v7 =	vld [tilespmem:s20+$0xFFFFFF90];
	v15 =	vshll.u32 v14, $0x10;
	[tilespmem:s26+$0x1A0] =	vst v1  }
0x188: {  	v14 =	vand.u32 $0xFFFF0000, v14;
	v1 =	vld [tilespmem:s9+$0xFFFFFF90];
	v16 =	vshll.u32 v4, $0x10;
	v4 =	vand.u32 $0xFFFF0000, v4;
	[tilespmem:s26+$0x1B0] =	vst v5  }
0x189: {  	v5 =	vshll.u32 v6, $0x10;
	v6 =	vand.u32 $0xFFFF0000, v6;
	[tilespmem:s26+$0x10] =	vst v0;
	v0 =	vadd.f32 v13, v3;
	v3 =	vld [tilespmem:s20+$0xE0]  }
0x18a: {  	v2 =	vadd.f32 v2, v5;
	v5 =	vadd.f32 v10, v6;
	v6 =	vshll.u32 v8, $0x10;
	v10 =	vld [tilespmem:s9+$0xE0]  }
0x18b: {  	v11 =	vadd.f32 v12, v11;
	v13 =	vshll.u32 v9, $0x10;
	v17 =	vld [tilespmem:s20+$0xFFFFFFD0];
	[tilespmem:s26+$0x80] =	vst v0;
	v0 =	vadd.f32 v16, v15  }
0x18c: {  	v4 =	vadd.f32 v4, v14;
	[tilespmem:s26+$0xFFFFFE00] =	vst v2;
	v2 =	vand.u32 $0xFFFF0000, v8;
	v8 =	vand.u32 $0xFFFF0000, v9;
	v9 =	vld [tilespmem:s9+$0xFFFFFFD0]  }
0x18d: {  	[tilespmem:s26+$0xFFFFFE10] =	vst v5;
	v5 =	vshll.u32 v7, $0x10;
	v12 =	vshll.u32 v1, $0x10;
	v7 =	vand.u32 $0xFFFF0000, v7;
	v14 =	vld [tilespmem:s20+$0x10]  }
0x18e: {  	v6 =	vadd.f32 v13, v6;
	v2 =	vadd.f32 v8, v2;
	v1 =	vand.u32 $0xFFFF0000, v1;
	v15 =	vld [tilespmem:s20+$0xFFFFFF10];
	[tilespmem:s26+$0x90] =	vst v11  }
0x18f: {  	v5 =	vadd.f32 v12, v5;
	v8 =	vld [tilespmem:s9+$0xFFFFFF10];
	[tilespmem:s26+$0x100] =	vst v0;
	v0 =	vshll.u32 v3, $0x10;
	v11 =	vshll.u32 v10, $0x10  }
0x190: {  	v3 =	vand.u32 $0xFFFF0000, v3;
	v12 =	vld [tilespmem:s9+$0x10];
	[tilespmem:s26+$0x110] =	vst v4;
	v0 =	vadd.f32 v11, v0;
	v4 =	vand.u32 $0xFFFF0000, v10  }
0x191: {  	[tilespmem:s26+$0xFFFFFEA0] =	vst v6;
	v6 =	vshll.u32 v17, $0x10;
	v10 =	vshll.u32 v9, $0x10;
	v11 =	vld [tilespmem:s20+$0x50];
	v3 =	vadd.f32 v4, v3  }
0x192: {  	v4 =	vand.u32 $0xFFFF0000, v17;
	v9 =	vand.u32 $0xFFFF0000, v9;
	v13 =	vshll.u32 v14, $0x10;
	v16 =	vld [tilespmem:s9+$0x50];
	[tilespmem:s26+$0x1C0] =	vst v0  }
0x193: {  	v14 =	vand.u32 $0xFFFF0000, v14;
	v0 =	vshll.u32 v15, $0x10;
	v15 =	vand.u32 $0xFFFF0000, v15;
	v17 =	vld [tilespmem:s20+$0x90];
	[tilespmem:s26+$0x1D0] =	vst v3  }
0x194: {  	v3 =	vshll.u32 v8, $0x10;
	v8 =	vand.u32 $0xFFFF0000, v8;
	[tilespmem:s26+$0xFFFFFEB0] =	vst v2;
	v2 =	vadd.f32 v1, v7;
	v7 =	vld [tilespmem:s20+$0xF0]  }
0x195: {  	v0 =	vadd.f32 v3, v0;
	[tilespmem:s26+$0xFFFFFF20] =	vst v5;
	v3 =	vshll.u32 v12, $0x10;
	v5 =	vand.u32 $0xFFFF0000, v12;
	v1 =	vld [tilespmem:s9+$0xF0]  }
0x196: {  	v8 =	vadd.f32 v8, v15;
	[tilespmem:s26+$0xFFFFFF30] =	vst v2;
	v2 =	vshll.u32 v11, $0x10;
	v11 =	vand.u32 $0xFFFF0000, v11;
	v12 =	vld [tilespmem:s9+$0x90]  }
0x197: {  	[tilespmem:s26+$0xFFFFFE20] =	vst v0;
	v15 =	vld [tilespmem:s20+$0xFFFFFF60];
	v0 =	vadd.f32 v10, v6;
	v6 =	vshll.u32 v16, $0x10;
	v10 =	vand.u32 $0xFFFF0000, v16  }
0x198: {  	v4 =	vadd.f32 v9, v4;
	[tilespmem:s26+$0xFFFFFE30] =	vst v8;
	v8 =	vld [tilespmem:s9+$0xFFFFFF60];
	v9 =	vshll.u32 v17, $0x10;
	v16 =	vand.u32 $0xFFFF0000, v17  }
0x199: {  	v3 =	vadd.f32 v3, v13;
	v5 =	vadd.f32 v5, v14;
	v17 =	vld [tilespmem:s20+$0xFFFFFF20];
	[tilespmem:s26+$0xFFFFFFA0] =	vst v0;
	v0 =	vshll.u32 v7, $0x10  }
0x19a: {  	v2 =	vadd.f32 v6, v2;
	v13 =	vld [tilespmem:s9+$0xFFFFFF20];
	[tilespmem:s26+$0xFFFFFFB0] =	vst v4;
	v4 =	vand.u32 $0xFFFF0000, v7;
	v6 =	vand.u32 $0xFFFF0000, v1  }
0x19b: {  	v7 =	vld [tilespmem:s20+$0xFFFFFFA0];
	[tilespmem:s26+$0x20] =	vst v3;
	v3 =	vshll.u32 v12, $0x10;
	v12 =	vand.u32 $0xFFFF0000, v12;
	v4 =	vadd.f32 v6, v4  }
0x19c: {  	v6 =	vshll.u32 v15, $0x10;
	v14 =	vld [tilespmem:s9+$0xFFFFFFA0];
	[tilespmem:s26+$0x30] =	vst v5;
	v5 =	vadd.f32 v10, v11;
	v3 =	vadd.f32 v3, v9  }
0x19d: {  	v10 =	vand.u32 $0xFFFF0000, v15;
	v12 =	vadd.f32 v12, v16;
	v9 =	vshll.u32 v8, $0x10;
	v11 =	vld [tilespmem:s20+$0xFFFFFFE0];
	[tilespmem:s26+$0x1F0] =	vst v4  }
0x19e: {  	v8 =	vand.u32 $0xFFFF0000, v8;
	v4 =	vshll.u32 v17, $0x10;
	v15 =	vand.u32 $0xFFFF0000, v17;
	v16 =	vld [tilespmem:s9+$0xFFFFFFE0];
	[tilespmem:s26+$0xA0] =	vst v2  }
0x19f: {  	v6 =	vadd.f32 v9, v6;
	v2 =	vshll.u32 v13, $0x10;
	v13 =	vand.u32 $0xFFFF0000, v13;
	v9 =	vld [tilespmem:s20+$0x20];
	[tilespmem:s26+$0xB0] =	vst v5  }
0x1a0: {  	v2 =	vadd.f32 v2, v4;
	v4 =	vshll.u32 v7, $0x10;
	v5 =	vand.u32 $0xFFFF0000, v7;
	v7 =	vld [tilespmem:s9+$0x20];
	[tilespmem:s26+$0x120] =	vst v3  }
0x1a1: {  	v3 =	vadd.f32 v13, v15;
	v13 =	vshll.u32 v14, $0x10;
	v14 =	vand.u32 $0xFFFF0000, v14;
	v15 =	vld [tilespmem:s20+$0x60];
	[tilespmem:s26+$0x130] =	vst v12  }
0x1a2: {  	[tilespmem:s26+$0xFFFFFE40] =	vst v2;
	v2 =	vadd.f32 v8, v10;
	v8 =	vshll.u32 v11, $0x10;
	v10 =	vand.u32 $0xFFFF0000, v11;
	v11 =	vld [tilespmem:s9+$0x60]  }
0x1a3: {  	[tilespmem:s26+$0xFFFFFE50] =	vst v3;
	v3 =	vadd.f32 v13, v4;
	v4 =	vshll.u32 v16, $0x10;
	v12 =	vand.u32 $0xFFFF0000, v16;
	v13 =	vld [tilespmem:s20+$0xA0]  }
0x1a4: {  	v5 =	vadd.f32 v14, v5;
	[tilespmem:s26+$0xFFFFFEC0] =	vst v6;
	v6 =	vshll.u32 v9, $0x10;
	v9 =	vand.u32 $0xFFFF0000, v9;
	v14 =	vld [tilespmem:s9+$0xA0]  }
0x1a5: {  	v16 =	vld [tilespmem:s20+$0xFFFFFF30];
	[tilespmem:s26+$0xFFFFFED0] =	vst v2;
	v2 =	vadd.f32 v4, v8;
	v4 =	vshll.u32 v7, $0x10;
	v7 =	vand.u32 $0xFFFF0000, v7  }
0x1a6: {  	v8 =	vld [tilespmem:s9+$0xFFFFFF30];
	[tilespmem:s26+$0xFFFFFF40] =	vst v3;
	v3 =	vadd.f32 v12, v10;
	v10 =	vshll.u32 v15, $0x10;
	v12 =	vand.u32 $0xFFFF0000, v15  }
0x1a7: {  	v4 =	vadd.f32 v4, v6;
	v15 =	vld [tilespmem:s20+$0xFFFFFF70];
	[tilespmem:s26+$0xFFFFFF50] =	vst v5;
	v5 =	vshll.u32 v11, $0x10;
	v6 =	vand.u32 $0xFFFF0000, v11  }
0x1a8: {  	v11 =	vld [tilespmem:s9+$0xFFFFFF70];
	[tilespmem:s26+$0xFFFFFFC0] =	vst v2;
	v2 =	vadd.f32 v7, v9;
	v7 =	vshll.u32 v13, $0x10;
	v9 =	vand.u32 $0xFFFF0000, v13  }
0x1a9: {  	v13 =	vld [tilespmem:s20+$0xFFFFFFB0];
	[tilespmem:s26+$0xFFFFFFD0] =	vst v3;
	v3 =	vadd.f32 v5, v10;
	v5 =	vshll.u32 v14, $0x10;
	v10 =	vand.u32 $0xFFFF0000, v14  }
0x1aa: {  	v14 =	vshll.u32 v16, $0x10;
	v17 =	vld [tilespmem:s9+$0xFFFFFFB0];
	[tilespmem:s26+$0x40] =	vst v4;
	v4 =	vadd.f32 v6, v12;
	v5 =	vadd.f32 v5, v7  }
0x1ab: {  	v7 =	vand.u32 $0xFFFF0000, v16;
	v9 =	vadd.f32 v10, v9;
	v6 =	vshll.u32 v8, $0x10;
	v12 =	vld [tilespmem:s20+$0xFFFFFFF0];
	[tilespmem:s26+$0x50] =	vst v2  }
0x1ac: {  	v2 =	vand.u32 $0xFFFF0000, v8;
	v8 =	vshll.u32 v15, $0x10;
	v10 =	vand.u32 $0xFFFF0000, v15;
	v15 =	vld [tilespmem:s9+$0xFFFFFFF0];
	[tilespmem:s26+$0xC0] =	vst v3  }
0x1ad: {  	v1 =	vshll.u32 v1, $0x10;
	v3 =	vshll.u32 v11, $0x10;
	v11 =	vand.u32 $0xFFFF0000, v11;
	v16 =	vld [tilespmem:s20+$0x30];
	[tilespmem:s26+$0xD0] =	vst v4  }
0x1ae: {  	v4 =	vadd.f32 v6, v14;
	v14 =	vshll.u32 v13, $0x10;
	v13 =	vand.u32 $0xFFFF0000, v13;
	v18 =	vld [tilespmem:s9+$0x30];
	[tilespmem:s26+$0x140] =	vst v5  }
.Ltmp5:
0x1af: {  	v5 =	vadd.f32 v2, v7;
	v7 =	vshll.u32 v17, $0x10;
	v17 =	vand.u32 $0xFFFF0000, v17;
	v2 =	vld [tilespmem:s20+$0x70];
	[tilespmem:s26+$0x150] =	vst v9;
	(pc) =	sbr.rel @p1 .LBB2_8-.Ltmp5, $4  }
0x1b0: {  	v19 =	vadd.f32 v3, v8;
	[tilespmem:s26+$0xFFFFFE60] =	vst v4;
	v8 =	vshll.u32 v12, $0x10;
	v6 =	vand.u32 $0xFFFF0000, v12;
	v4 =	vld [tilespmem:s9+$0x70]  }
0x1b1: {  	v11 =	vadd.f32 v11, v10;
	[tilespmem:s26+$0xFFFFFE70] =	vst v5;
	v12 =	vshll.u32 v15, $0x10;
	v9 =	vand.u32 $0xFFFF0000, v15;
	v3 =	vld [tilespmem:s20+$0xB0]  }
0x1b2: {  	v14 =	vadd.f32 v7, v14;
	[tilespmem:s26+$0xFFFFFEE0] =	vst v19;
	v10 =	vshll.u32 v16, $0x10;
	v7 =	vand.u32 $0xFFFF0000, v16;
	v5 =	vld [tilespmem:s9+$0xB0]  }
0x1b3: {  	v15 =	vadd.f32 v17, v13;
	s20 =	sadd.s32 $0x200, s20;
	[tilespmem:s26+$0xFFFFFEF0] =	vst v11;
	v13 =	vshll.u32 v18, $0x10;
	v11 =	vand.u32 $0xFFFF0000, v18  }
0x1b4: {  	[tilespmem:s26+$0xFFFFFF60] =	vst v14;
	v8 =	vadd.f32 v12, v8  }
0x1b5: {  	v6 =	vadd.f32 v9, v6;
	[tilespmem:s26+$0xFFFFFF70] =	vst v15  }
0x1b6: {  	v52 =	vadd.f32 v13, v10;
	[tilespmem:s26+$0xFFFFFFE0] =	vst v8  }
0x1b7: {  	v55 =	vadd.f32 v11, v7;
	[tilespmem:s26+$0xFFFFFFF0] =	vst v6  }
0x1b8: {  	v53 =	vshll.u32 v2, $0x10;
	v0 =	vadd.f32 v1, v0;
	v54 =	vshll.u32 v4, $0x10;
	[tilespmem:s26+$0x60] =	vst v52  }
0x1b9: {  	v56 =	vand.u32 $0xFFFF0000, v2;
	v57 =	vand.u32 $0xFFFF0000, v4;
	v58 =	vadd.f32 v54, v53;
	[tilespmem:s26+$0x70] =	vst v55  }
0x1ba: {  	v59 =	vshll.u32 v3, $0x10;
	v2 =	vadd.f32 v57, v56;
	[tilespmem:s10+$0x1E0] =	vst v0;
	v60 =	vshll.u32 v5, $0x10  }
.Ltmp6:
0x1bb: {  	s8 =	sshll.u32 s8, $0xE;
	v61 =	vand.u32 $0xFFFF0000, v3;
	v62 =	vand.u32 $0xFFFF0000, v5;
	v63 =	vadd.f32 v60, v59;
	[tilespmem:s26+$0xE0] =	vst v58;
	(pc) =	sbr.rel @p0 .LBB2_14-.Ltmp6, $4  }
0x1bc: {  	s8 =	sadd.s32 s5, s8;
	v3 =	vadd.f32 v62, v61;
	[tilespmem:s26+$0xF0] =	vst v2  }
0x1bd: {  	s8 =	sshrl.u32 s8, $0x3;
	[tilespmem:s10+$0x160] =	vst v63  }
0x1be: {  	s8 =	sadd.s32 s2, s8;
	[tilespmem:s10+$0x170] =	vst v3  }
0x1bf: {  	[hbm4b:s8+s3] =	stream.linear.scatter [tilespmem:s19], [sflag:$0x9], $0x4000, $0x38;
	[tilespmem:$0x1A710] =	vst v63  }
0x1c0: {  	s26 =	smul.u32 $0x180, s25  }
.LBB2_11:
0x1c1: {  	_ = 	snop  }
0x1c2: {  	s8 =	sadd.s32 $0x80, s26  }
0x1c3: {  	[tilespmem:s1], [sflag:$0x2] =	stream.indirect.gather [hbm4b:s6+s31], $0x40, s8, s31, $0xb8;
	[tilespmem:$0x1A710] =	vst v63  }
0x1c4: {  	s22 =	sadd.s32 $0x1408, s26  }
0x1c5: {  	[tilespmem:s0], [sflag:$0x5] =	stream.indirect.gather [hbm4b:s7+s31], $0x40, s22, s31, $0xb8;
	[tilespmem:$0x1A710] =	vst v63  }
0x1c6: {  	_ =	swait.ge [sflag:s28], $0x2000  }
0x1c7: {  	[sflag:s28] =	ssyncset.done $0x0  }
0x1c8: {  	[sflag:s28] =	ssyncadd.s32 $0xFFFFE000  }
0x1c9: {  	_ =	swait.ge [sflag:s29], $0x2000  }
0x1ca: {  	p0 =	seq.s32 s25, $0x0;
	[sflag:s29] =	ssyncset.done $0x0  }
0x1cb: {  	s8 =	simm.s32 @!p0 $0x7;
	[sflag:s29] =	ssyncadd.s32 $0xFFFFE000  }
0x1cc: {  	_ =	swait.ge @!p0 [sflag:s8], $0x4000  }
0x1cd: {  	[sflag:s8] =	ssyncset.done @!p0 $0x0  }
0x1ce: {  	s10 =	simm.s32 $0x2810;
	[sflag:s8] =	ssyncadd.s32 @!p0 $0xFFFFC000  }
0x1cf: {  	s9 =	simm.s32 $0x8810;
	v0 =	vld [tilespmem:s10+$0xC0]  }
0x1d0: {  	v1 =	vld [tilespmem:s9+$0xC0]  }
0x1d1: {  	v2 =	vld [tilespmem:s9+$0xFFFFFF00]  }
0x1d2: {  	v4 =	vld [tilespmem:s9+$0xFFFFFF40]  }
0x1d3: {  	v3 =	vld [tilespmem:s10+$0xFFFFFF40]  }
0x1d4: {  	v5 =	vld [tilespmem:s10+$0xFFFFFF80]  }
0x1d5: {  	v6 =	vld [tilespmem:s9+$0xFFFFFF80]  }
0x1d6: {  	v9 =	vld [tilespmem:s10+$0xFFFFFFC0];
	v7 =	vshll.u32 v0, $0x10;
	v8 =	vshll.u32 v1, $0x10;
	v0 =	vand.u32 $0xFFFF0000, v0  }
0x1d7: {  	v10 =	vld [tilespmem:s9+$0xFFFFFFC0];
	v1 =	vand.u32 $0xFFFF0000, v1;
	v11 =	vshll.u32 v4, $0x10;
	v7 =	vadd.f32 v8, v7  }
0x1d8: {  	s8 =	simm.s32 $0xE910;
	v12 =	vld [tilespmem:s10+$0x0];
	v4 =	vand.u32 $0xFFFF0000, v4;
	v8 =	vshll.u32 v2, $0x10;
	v0 =	vadd.f32 v1, v0  }
0x1d9: {  	v13 =	vld [tilespmem:s9+$0x0];
	v1 =	vand.u32 $0xFFFF0000, v2;
	v2 =	vshll.u32 v3, $0x10;
	v3 =	vand.u32 $0xFFFF0000, v3;
	[tilespmem:s8+$0x180] =	vst v7  }
0x1da: {  	v15 =	vld [tilespmem:s10+$0x40];
	v2 =	vadd.f32 v11, v2;
	v3 =	vadd.f32 v4, v3;
	[tilespmem:s8+$0x190] =	vst v0  }
0x1db: {  	v7 =	vshll.u32 v5, $0x10;
	v0 =	vand.u32 $0xFFFF0000, v5;
	v5 =	vshll.u32 v6, $0x10;
	v11 =	vld [tilespmem:s10+$0xD0]  }
0x1dc: {  	v6 =	vand.u32 $0xFFFF0000, v6;
	v14 =	vld [tilespmem:s9+$0xD0];
	v5 =	vadd.f32 v5, v7  }
0x1dd: {  	v0 =	vadd.f32 v6, v0;
	v6 =	vshll.u32 v12, $0x10;
	[tilespmem:s8+$0xFFFFFE90] =	vst v3;
	v3 =	vand.u32 $0xFFFF0000, v12;
	v12 =	vld [tilespmem:s10+$0x80]  }
0x1de: {  	v4 =	vshll.u32 v9, $0x10;
	v9 =	vand.u32 $0xFFFF0000, v9;
	v7 =	vshll.u32 v10, $0x10;
	[tilespmem:s8+$0xFFFFFE80] =	vst v2  }
0x1df: {  	v2 =	vand.u32 $0xFFFF0000, v10;
	v10 =	vld [tilespmem:s9+$0x40];
	v4 =	vadd.f32 v7, v4;
	v7 =	vshll.u32 v13, $0x10;
	[tilespmem:s8+$0xFFFFFF00] =	vst v5  }
0x1e0: {  	v2 =	vadd.f32 v2, v9;
	v5 =	vand.u32 $0xFFFF0000, v13;
	v6 =	vadd.f32 v7, v6;
	[tilespmem:s8+$0xFFFFFF10] =	vst v0;
	v0 =	vld [tilespmem:s10+$0xFFFFFF00]  }
0x1e1: {  	v7 =	vld [tilespmem:s9+$0x80];
	v13 =	vshll.u32 v15, $0x10;
	v15 =	vand.u32 $0xFFFF0000, v15;
	v3 =	vadd.f32 v5, v3;
	[tilespmem:s8+$0xFFFFFF80] =	vst v4  }
0x1e2: {  	v4 =	vld [tilespmem:s10+$0xFFFFFF50];
	[tilespmem:s8+$0xFFFFFF90] =	vst v2;
	v5 =	vshll.u32 v11, $0x10;
	v9 =	vshll.u32 v14, $0x10;
	v16 =	vshll.u32 v12, $0x10  }
0x1e3: {  	v2 =	vld [tilespmem:s9+$0xFFFFFF50];
	[tilespmem:s8+$0x0] =	vst v6;
	v5 =	vadd.f32 v9, v5;
	v9 =	vand.u32 $0xFFFF0000, v11;
	v11 =	vand.u32 $0xFFFF0000, v14  }
0x1e4: {  	[tilespmem:s8+$0x10] =	vst v3;
	v14 =	vshll.u32 v10, $0x10;
	v10 =	vand.u32 $0xFFFF0000, v10;
	v9 =	vadd.f32 v11, v9;
	v11 =	vld [tilespmem:s10+$0xFFFFFF90]  }
0x1e5: {  	v12 =	vand.u32 $0xFFFF0000, v12;
	v6 =	vshll.u32 v0, $0x10;
	v10 =	vadd.f32 v10, v15;
	[tilespmem:s8+$0x1A0] =	vst v5;
	v5 =	vld [tilespmem:s9+$0xFFFFFF90]  }
0x1e6: {  	v0 =	vand.u32 $0xFFFF0000, v0;
	v3 =	vadd.f32 v8, v6;
	[tilespmem:s8+$0x1B0] =	vst v9;
	v9 =	vadd.f32 v14, v13;
	v14 =	vld [tilespmem:s10+$0xFFFFFFD0]  }
0x1e7: {  	v17 =	vshll.u32 v7, $0x10;
	v7 =	vand.u32 $0xFFFF0000, v7;
	v0 =	vadd.f32 v1, v0;
	[tilespmem:s8+$0x90] =	vst v10;
	v13 =	vld [tilespmem:s10+$0xE0]  }
0x1e8: {  	v1 =	vshll.u32 v4, $0x10;
	v8 =	vshll.u32 v2, $0x10;
	v2 =	vand.u32 $0xFFFF0000, v2;
	v6 =	vld [tilespmem:s9+$0xE0];
	[tilespmem:s8+$0xFFFFFE00] =	vst v3  }
0x1e9: {  	v7 =	vadd.f32 v7, v12;
	v1 =	vadd.f32 v8, v1;
	v3 =	vand.u32 $0xFFFF0000, v4;
	v4 =	vld [tilespmem:s9+$0xFFFFFFD0];
	[tilespmem:s8+$0xFFFFFE10] =	vst v0  }
0x1ea: {  	[tilespmem:s8+$0x80] =	vst v9;
	v9 =	vadd.f32 v17, v16;
	v16 =	vld [tilespmem:s10+$0xFFFFFF10];
	v2 =	vadd.f32 v2, v3  }
0x1eb: {  	[tilespmem:s8+$0xFFFFFEA0] =	vst v1;
	v0 =	vshll.u32 v11, $0x10;
	v12 =	vshll.u32 v5, $0x10;
	v3 =	vand.u32 $0xFFFF0000, v5;
	v5 =	vld [tilespmem:s9+$0xFFFFFF10]  }
0x1ec: {  	v11 =	vand.u32 $0xFFFF0000, v11;
	[tilespmem:s8+$0x100] =	vst v9;
	v0 =	vadd.f32 v12, v0;
	v1 =	vshll.u32 v14, $0x10;
	v12 =	vld [tilespmem:s10+$0x50]  }
0x1ed: {  	v15 =	vld [tilespmem:s10+$0x10];
	[tilespmem:s8+$0xFFFFFEB0] =	vst v2;
	v2 =	vadd.f32 v3, v11;
	v8 =	vshll.u32 v13, $0x10;
	v9 =	vshll.u32 v6, $0x10  }
0x1ee: {  	v10 =	vld [tilespmem:s9+$0x10];
	[tilespmem:s8+$0x110] =	vst v7;
	v6 =	vand.u32 $0xFFFF0000, v6;
	v7 =	vadd.f32 v9, v8;
	v8 =	vand.u32 $0xFFFF0000, v13  }
0x1ef: {  	v17 =	vld [tilespmem:s10+$0x90];
	v9 =	vshll.u32 v4, $0x10;
	v4 =	vand.u32 $0xFFFF0000, v4;
	[tilespmem:s8+$0xFFFFFF30] =	vst v2;
	v6 =	vadd.f32 v6, v8  }
0x1f0: {  	v8 =	vand.u32 $0xFFFF0000, v14;
	v14 =	vld [tilespmem:s9+$0x50];
	v1 =	vadd.f32 v9, v1;
	[tilespmem:s8+$0x1C0] =	vst v7;
	v7 =	vshll.u32 v16, $0x10  }
0x1f1: {  	[tilespmem:s8+$0x1D0] =	vst v6;
	v6 =	vshll.u32 v5, $0x10;
	v2 =	vshll.u32 v12, $0x10;
	v11 =	vand.u32 $0xFFFF0000, v12;
	v12 =	vld [tilespmem:s9+$0x90]  }
0x1f2: {  	[tilespmem:s8+$0xFFFFFF20] =	vst v0;
	v16 =	vand.u32 $0xFFFF0000, v16;
	v5 =	vand.u32 $0xFFFF0000, v5;
	v3 =	vld [tilespmem:s10+$0xF0];
	v6 =	vadd.f32 v6, v7  }
0x1f3: {  	v0 =	vshll.u32 v10, $0x10;
	[tilespmem:s8+$0xFFFFFFA0] =	vst v1;
	v7 =	vand.u32 $0xFFFF0000, v10;
	v10 =	vld [tilespmem:s9+$0xF0];
	v5 =	vadd.f32 v5, v16  }
0x1f4: {  	v13 =	vshll.u32 v15, $0x10;
	v15 =	vand.u32 $0xFFFF0000, v15;
	v4 =	vadd.f32 v4, v8;
	[tilespmem:s8+$0xFFFFFE20] =	vst v6;
	v6 =	vld [tilespmem:s10+$0xFFFFFF60]  }
0x1f5: {  	v8 =	vshll.u32 v17, $0x10;
	v1 =	vadd.f32 v0, v13;
	v7 =	vadd.f32 v7, v15;
	[tilespmem:s8+$0xFFFFFE30] =	vst v5;
	v5 =	vld [tilespmem:s9+$0xFFFFFF60]  }
0x1f6: {  	v16 =	vand.u32 $0xFFFF0000, v17;
	v9 =	vshll.u32 v14, $0x10;
	v14 =	vand.u32 $0xFFFF0000, v14;
	v17 =	vld [tilespmem:s10+$0xFFFFFF20]  }
0x1f7: {  	v13 =	vld [tilespmem:s9+$0xFFFFFF20];
	v2 =	vadd.f32 v9, v2;
	[tilespmem:s8+$0x30] =	vst v7;
	v7 =	vadd.f32 v14, v11  }
0x1f8: {  	[tilespmem:s8+$0xFFFFFFB0] =	vst v4;
	v9 =	vld [tilespmem:s10+$0xFFFFFFA0];
	v0 =	vshll.u32 v3, $0x10;
	v3 =	vand.u32 $0xFFFF0000, v3;
	v4 =	vand.u32 $0xFFFF0000, v10  }
0x1f9: {  	[tilespmem:s8+$0x20] =	vst v1;
	v15 =	vld [tilespmem:s9+$0xFFFFFFA0];
	v1 =	vshll.u32 v12, $0x10;
	v12 =	vand.u32 $0xFFFF0000, v12;
	v3 =	vadd.f32 v4, v3  }
0x1fa: {  	v11 =	vld [tilespmem:s10+$0xFFFFFFE0];
	v1 =	vadd.f32 v1, v8;
	v12 =	vadd.f32 v12, v16;
	[tilespmem:s8+$0xA0] =	vst v2;
	v4 =	vshll.u32 v6, $0x10  }
0x1fb: {  	v16 =	vld [tilespmem:s9+$0xFFFFFFE0];
	v8 =	vshll.u32 v5, $0x10;
	[tilespmem:s8+$0x1F0] =	vst v3;
	v3 =	vshll.u32 v17, $0x10;
	v14 =	vand.u32 $0xFFFF0000, v17  }
0x1fc: {  	[tilespmem:s8+$0xB0] =	vst v7;
	v2 =	vshll.u32 v13, $0x10;
	v13 =	vand.u32 $0xFFFF0000, v13;
	v4 =	vadd.f32 v8, v4;
	v8 =	vld [tilespmem:s10+$0x20]  }
0x1fd: {  	[tilespmem:s8+$0x120] =	vst v1;
	v7 =	vand.u32 $0xFFFF0000, v9;
	v2 =	vadd.f32 v2, v3;
	v3 =	vshll.u32 v9, $0x10;
	v9 =	vld [tilespmem:s9+$0x20]  }
0x1fe: {  	[tilespmem:s8+$0x130] =	vst v12;
	v1 =	vadd.f32 v13, v14;
	v13 =	vshll.u32 v15, $0x10;
	v14 =	vand.u32 $0xFFFF0000, v15;
	v15 =	vld [tilespmem:s10+$0x60]  }
0x1ff: {  	v6 =	vand.u32 $0xFFFF0000, v6;
	v5 =	vand.u32 $0xFFFF0000, v5;
	[tilespmem:s8+$0xFFFFFEC0] =	vst v4;
	v4 =	vadd.f32 v14, v7;
	v14 =	vld [tilespmem:s9+$0xA0]  }
0x200: {  	[tilespmem:s8+$0xFFFFFE40] =	vst v2;
	v2 =	vadd.f32 v5, v6;
	v5 =	vshll.u32 v11, $0x10;
	v6 =	vand.u32 $0xFFFF0000, v11;
	v11 =	vld [tilespmem:s9+$0x60]  }
0x201: {  	v12 =	vand.u32 $0xFFFF0000, v16;
	[tilespmem:s8+$0xFFFFFE50] =	vst v1;
	v1 =	vadd.f32 v13, v3;
	v13 =	vld [tilespmem:s10+$0xA0]  }
0x202: {  	v3 =	vshll.u32 v16, $0x10;
	v16 =	vld [tilespmem:s10+$0xFFFFFF30];
	[tilespmem:s8+$0xFFFFFF50] =	vst v4;
	v7 =	vshll.u32 v8, $0x10;
	v8 =	vand.u32 $0xFFFF0000, v8  }
0x203: {  	[tilespmem:s8+$0xFFFFFED0] =	vst v2;
	v2 =	vadd.f32 v3, v5;
	v3 =	vshll.u32 v9, $0x10;
	v5 =	vand.u32 $0xFFFF0000, v9;
	v9 =	vld [tilespmem:s9+$0xFFFFFF30]  }
0x204: {  	[tilespmem:s8+$0xFFFFFF40] =	vst v1;
	v1 =	vadd.f32 v12, v6;
	v6 =	vshll.u32 v15, $0x10;
	v12 =	vand.u32 $0xFFFF0000, v15;
	v15 =	vld [tilespmem:s10+$0xFFFFFF70]  }
0x205: {  	v17 =	vld [tilespmem:s9+$0xFFFFFFB0];
	v3 =	vadd.f32 v3, v7;
	[tilespmem:s8+$0xFFFFFFC0] =	vst v2;
	v2 =	vadd.f32 v5, v8;
	v4 =	vshll.u32 v11, $0x10  }
0x206: {  	[tilespmem:s8+$0xFFFFFFD0] =	vst v1;
	v7 =	vand.u32 $0xFFFF0000, v11;
	v11 =	vld [tilespmem:s9+$0xFFFFFF70];
	v5 =	vshll.u32 v13, $0x10;
	v8 =	vand.u32 $0xFFFF0000, v13  }
0x207: {  	v13 =	vld [tilespmem:s10+$0xFFFFFFB0];
	v1 =	vadd.f32 v4, v6;
	v4 =	vshll.u32 v14, $0x10;
	v6 =	vand.u32 $0xFFFF0000, v14;
	[tilespmem:s8+$0x40] =	vst v3  }
0x208: {  	v14 =	vshll.u32 v16, $0x10;
	v3 =	vadd.f32 v7, v12;
	v7 =	vand.u32 $0xFFFF0000, v16;
	v12 =	vld [tilespmem:s10+$0xFFFFFFF0];
	[tilespmem:s8+$0x50] =	vst v2  }
0x209: {  	v4 =	vadd.f32 v4, v5;
	v2 =	vadd.f32 v6, v8;
	v18 =	vld [tilespmem:s10+$0x30];
	v5 =	vshll.u32 v9, $0x10  }
0x20a: {  	v6 =	vand.u32 $0xFFFF0000, v9;
	v8 =	vshll.u32 v15, $0x10;
	v9 =	vand.u32 $0xFFFF0000, v15;
	v15 =	vld [tilespmem:s9+$0xFFFFFFF0];
	[tilespmem:s8+$0xC0] =	vst v1  }
0x20b: {  	[tilespmem:s8+$0xD0] =	vst v3;
	v1 =	vshll.u32 v10, $0x10;
	v10 =	vshll.u32 v17, $0x10;
	v17 =	vand.u32 $0xFFFF0000, v17  }
0x20c: {  	v19 =	vld [tilespmem:s9+$0x30];
	v3 =	vadd.f32 v5, v14;
	[tilespmem:s8+$0x140] =	vst v4;
	v7 =	vadd.f32 v6, v7;
	v16 =	vshll.u32 v11, $0x10  }
0x20d: {  	[tilespmem:s8+$0x150] =	vst v2;
	v2 =	vld [tilespmem:s10+$0x70];
	v11 =	vand.u32 $0xFFFF0000, v11;
	v5 =	vshll.u32 v13, $0x10;
	v13 =	vand.u32 $0xFFFF0000, v13  }
0x20e: {  	v4 =	vld [tilespmem:s9+$0x70];
	[tilespmem:s8+$0xFFFFFE60] =	vst v3;
	v14 =	vadd.f32 v16, v8;
	v8 =	vshll.u32 v12, $0x10;
	v6 =	vand.u32 $0xFFFF0000, v12  }
0x20f: {  	[tilespmem:s8+$0xFFFFFE70] =	vst v7;
	v11 =	vadd.f32 v11, v9;
	v3 =	vld [tilespmem:s10+$0xB0];
	v7 =	vand.u32 $0xFFFF0000, v18;
	v12 =	vshll.u32 v15, $0x10  }
0x210: {  	v9 =	vand.u32 $0xFFFF0000, v15;
	[tilespmem:s8+$0xFFFFFEE0] =	vst v14;
	v14 =	vadd.f32 v10, v5;
	v10 =	vshll.u32 v18, $0x10;
	v5 =	vld [tilespmem:s9+$0xB0]  }
0x211: {  	s11 =	simm.s32 $0x0;
	s20 =	simm.s32 $0x2A10;
	s10 =	simm.s32 $0xE910;
	[tilespmem:s8+$0xFFFFFEF0] =	vst v11;
	v15 =	vadd.f32 v17, v13;
	v13 =	vshll.u32 v19, $0x10;
	v11 =	vand.u32 $0xFFFF0000, v19  }
.LBB2_12:
0x212: {  	v16 =	vld [tilespmem:s20+$0xC0];
	[tilespmem:s8+$0xFFFFFF60] =	vst v14;
	v8 =	vadd.f32 v12, v8;
	v12 =	vshll.u32 v2, $0x10;
	v2 =	vand.u32 $0xFFFF0000, v2;
	s9 =	sadd.s32 $0x200, s9  }
0x213: {  	v6 =	vadd.f32 v9, v6;
	v14 =	vld [tilespmem:s9+$0xC0];
	[tilespmem:s8+$0xFFFFFF70] =	vst v15;
	v9 =	vshll.u32 v4, $0x10;
	v4 =	vand.u32 $0xFFFF0000, v4  }
0x214: {  	v15 =	vld [tilespmem:s9+$0xFFFFFF00];
	[tilespmem:s8+$0xFFFFFFE0] =	vst v8;
	v8 =	vadd.f32 v13, v10;
	v10 =	vshll.u32 v3, $0x10;
	v3 =	vand.u32 $0xFFFF0000, v3  }
0x215: {  	v13 =	vld [tilespmem:s20+$0xFFFFFF40];
	[tilespmem:s8+$0xFFFFFFF0] =	vst v6;
	v6 =	vadd.f32 v11, v7;
	v7 =	vshll.u32 v5, $0x10;
	v5 =	vand.u32 $0xFFFF0000, v5  }
0x216: {  	v2 =	vadd.f32 v4, v2;
	v11 =	vld [tilespmem:s9+$0xFFFFFF40];
	[tilespmem:s8+$0x60] =	vst v8;
	v8 =	vadd.f32 v9, v12  }
0x217: {  	v3 =	vadd.f32 v5, v3;
	v4 =	vld [tilespmem:s20+$0xFFFFFF80];
	[tilespmem:s8+$0x70] =	vst v6;
	v6 =	vadd.f32 v7, v10  }
0x218: {  	v0 =	vadd.f32 v1, v0;
	v7 =	vshll.u32 v16, $0x10;
	v5 =	vld [tilespmem:s9+$0xFFFFFF80];
	v9 =	vshll.u32 v14, $0x10;
	[tilespmem:s8+$0xE0] =	vst v8  }
0x219: {  	s11 =	sadd.s32 $0x8, s11;
	v8 =	vand.u32 $0xFFFF0000, v16;
	v1 =	vld [tilespmem:s20+$0xFFFFFFC0];
	v7 =	vadd.f32 v9, v7;
	v9 =	vand.u32 $0xFFFF0000, v14;
	[tilespmem:s8+$0xF0] =	vst v2  }
0x21a: {  	p0 =	slt.u32 s11, $0x78;
	v2 =	vshll.u32 v15, $0x10;
	v10 =	vand.u32 $0xFFFF0000, v15;
	s8 =	sadd.s32 $0x400, s8;
	v12 =	vld [tilespmem:s9+$0xFFFFFFC0];
	v8 =	vadd.f32 v9, v8;
	[tilespmem:s10+$0x160] =	vst v6  }
0x21b: {  	v6 =	vshll.u32 v13, $0x10;
	v13 =	vand.u32 $0xFFFF0000, v13;
	v9 =	vshll.u32 v11, $0x10;
	v14 =	vld [tilespmem:s20+$0x0];
	[tilespmem:s8+$0x180] =	vst v7  }
0x21c: {  	v7 =	vand.u32 $0xFFFF0000, v11;
	v11 =	vshll.u32 v4, $0x10;
	v4 =	vand.u32 $0xFFFF0000, v4;
	v15 =	vld [tilespmem:s9+$0x0];
	[tilespmem:s8+$0x190] =	vst v8  }
0x21d: {  	v6 =	vadd.f32 v9, v6;
	v8 =	vshll.u32 v5, $0x10;
	v5 =	vand.u32 $0xFFFF0000, v5;
	v9 =	vld [tilespmem:s20+$0xD0];
	[tilespmem:s10+$0x170] =	vst v3  }
0x21e: {  	v3 =	vadd.f32 v7, v13;
	v7 =	vshll.u32 v1, $0x10;
	v1 =	vand.u32 $0xFFFF0000, v1;
	v13 =	vld [tilespmem:s9+$0xD0];
	[tilespmem:s10+$0x1E0] =	vst v0;
	s10 =	smov.u32 s8  }
0x21f: {  	v0 =	vadd.f32 v8, v11;
	[tilespmem:s8+$0xFFFFFE80] =	vst v6;
	v6 =	vshll.u32 v12, $0x10;
	v8 =	vand.u32 $0xFFFF0000, v12;
	v11 =	vld [tilespmem:s20+$0x40]  }
0x220: {  	[tilespmem:s8+$0xFFFFFE90] =	vst v3;
	v3 =	vadd.f32 v5, v4;
	v4 =	vshll.u32 v14, $0x10;
	v5 =	vand.u32 $0xFFFF0000, v14;
	v12 =	vld [tilespmem:s9+$0x40]  }
0x221: {  	[tilespmem:s8+$0xFFFFFF00] =	vst v0;
	v0 =	vadd.f32 v6, v7;
	v6 =	vshll.u32 v15, $0x10;
	v7 =	vand.u32 $0xFFFF0000, v15;
	v14 =	vld [tilespmem:s20+$0x80]  }
0x222: {  	v1 =	vadd.f32 v8, v1;
	[tilespmem:s8+$0xFFFFFF10] =	vst v3;
	v3 =	vadd.f32 v6, v4;
	v4 =	vld [tilespmem:s9+$0x80]  }
0x223: {  	v6 =	vld [tilespmem:s20+$0xFFFFFF00];
	[tilespmem:s8+$0xFFFFFF80] =	vst v0;
	v0 =	vadd.f32 v7, v5;
	v5 =	vshll.u32 v9, $0x10;
	v7 =	vshll.u32 v13, $0x10  }
0x224: {  	v8 =	vld [tilespmem:s20+$0xFFFFFF50];
	[tilespmem:s8+$0xFFFFFF90] =	vst v1;
	v1 =	vadd.f32 v7, v5;
	v5 =	vand.u32 $0xFFFF0000, v9;
	v7 =	vand.u32 $0xFFFF0000, v13  }
0x225: {  	v9 =	vld [tilespmem:s9+$0xFFFFFF50];
	[tilespmem:s8+$0x0] =	vst v3;
	v3 =	vshll.u32 v11, $0x10;
	v13 =	vshll.u32 v12, $0x10;
	v5 =	vadd.f32 v7, v5  }
0x226: {  	v11 =	vand.u32 $0xFFFF0000, v11;
	v12 =	vand.u32 $0xFFFF0000, v12;
	v7 =	vld [tilespmem:s20+$0xFFFFFF90];
	v15 =	vshll.u32 v14, $0x10;
	[tilespmem:s8+$0x1A0] =	vst v1  }
0x227: {  	v14 =	vand.u32 $0xFFFF0000, v14;
	v1 =	vld [tilespmem:s9+$0xFFFFFF90];
	v16 =	vshll.u32 v4, $0x10;
	v4 =	vand.u32 $0xFFFF0000, v4;
	[tilespmem:s8+$0x1B0] =	vst v5  }
0x228: {  	v5 =	vshll.u32 v6, $0x10;
	v6 =	vand.u32 $0xFFFF0000, v6;
	[tilespmem:s8+$0x10] =	vst v0;
	v0 =	vadd.f32 v13, v3;
	v3 =	vld [tilespmem:s20+$0xE0]  }
0x229: {  	v2 =	vadd.f32 v2, v5;
	v5 =	vadd.f32 v10, v6;
	v6 =	vshll.u32 v8, $0x10;
	v10 =	vld [tilespmem:s9+$0xE0]  }
0x22a: {  	v11 =	vadd.f32 v12, v11;
	v13 =	vshll.u32 v9, $0x10;
	v17 =	vld [tilespmem:s20+$0xFFFFFFD0];
	[tilespmem:s8+$0x80] =	vst v0;
	v0 =	vadd.f32 v16, v15  }
0x22b: {  	v4 =	vadd.f32 v4, v14;
	[tilespmem:s8+$0xFFFFFE00] =	vst v2;
	v2 =	vand.u32 $0xFFFF0000, v8;
	v8 =	vand.u32 $0xFFFF0000, v9;
	v9 =	vld [tilespmem:s9+$0xFFFFFFD0]  }
0x22c: {  	[tilespmem:s8+$0xFFFFFE10] =	vst v5;
	v5 =	vshll.u32 v7, $0x10;
	v12 =	vshll.u32 v1, $0x10;
	v7 =	vand.u32 $0xFFFF0000, v7;
	v14 =	vld [tilespmem:s20+$0x10]  }
0x22d: {  	v6 =	vadd.f32 v13, v6;
	v2 =	vadd.f32 v8, v2;
	v1 =	vand.u32 $0xFFFF0000, v1;
	v15 =	vld [tilespmem:s20+$0xFFFFFF10];
	[tilespmem:s8+$0x90] =	vst v11  }
0x22e: {  	v5 =	vadd.f32 v12, v5;
	v8 =	vld [tilespmem:s9+$0xFFFFFF10];
	[tilespmem:s8+$0x100] =	vst v0;
	v0 =	vshll.u32 v3, $0x10;
	v11 =	vshll.u32 v10, $0x10  }
0x22f: {  	v3 =	vand.u32 $0xFFFF0000, v3;
	v12 =	vld [tilespmem:s9+$0x10];
	[tilespmem:s8+$0x110] =	vst v4;
	v0 =	vadd.f32 v11, v0;
	v4 =	vand.u32 $0xFFFF0000, v10  }
0x230: {  	[tilespmem:s8+$0xFFFFFEA0] =	vst v6;
	v6 =	vshll.u32 v17, $0x10;
	v10 =	vshll.u32 v9, $0x10;
	v11 =	vld [tilespmem:s20+$0x50];
	v3 =	vadd.f32 v4, v3  }
0x231: {  	v4 =	vand.u32 $0xFFFF0000, v17;
	v9 =	vand.u32 $0xFFFF0000, v9;
	v13 =	vshll.u32 v14, $0x10;
	v16 =	vld [tilespmem:s9+$0x50];
	[tilespmem:s8+$0x1C0] =	vst v0  }
0x232: {  	v14 =	vand.u32 $0xFFFF0000, v14;
	v0 =	vshll.u32 v15, $0x10;
	v15 =	vand.u32 $0xFFFF0000, v15;
	v17 =	vld [tilespmem:s20+$0x90];
	[tilespmem:s8+$0x1D0] =	vst v3  }
0x233: {  	v3 =	vshll.u32 v8, $0x10;
	v8 =	vand.u32 $0xFFFF0000, v8;
	[tilespmem:s8+$0xFFFFFEB0] =	vst v2;
	v2 =	vadd.f32 v1, v7;
	v7 =	vld [tilespmem:s20+$0xF0]  }
0x234: {  	v0 =	vadd.f32 v3, v0;
	[tilespmem:s8+$0xFFFFFF20] =	vst v5;
	v3 =	vshll.u32 v12, $0x10;
	v5 =	vand.u32 $0xFFFF0000, v12;
	v1 =	vld [tilespmem:s9+$0xF0]  }
0x235: {  	v8 =	vadd.f32 v8, v15;
	[tilespmem:s8+$0xFFFFFF30] =	vst v2;
	v2 =	vshll.u32 v11, $0x10;
	v11 =	vand.u32 $0xFFFF0000, v11;
	v12 =	vld [tilespmem:s9+$0x90]  }
0x236: {  	[tilespmem:s8+$0xFFFFFE20] =	vst v0;
	v15 =	vld [tilespmem:s20+$0xFFFFFF60];
	v0 =	vadd.f32 v10, v6;
	v6 =	vshll.u32 v16, $0x10;
	v10 =	vand.u32 $0xFFFF0000, v16  }
0x237: {  	v4 =	vadd.f32 v9, v4;
	[tilespmem:s8+$0xFFFFFE30] =	vst v8;
	v8 =	vld [tilespmem:s9+$0xFFFFFF60];
	v9 =	vshll.u32 v17, $0x10;
	v16 =	vand.u32 $0xFFFF0000, v17  }
0x238: {  	v3 =	vadd.f32 v3, v13;
	v5 =	vadd.f32 v5, v14;
	v17 =	vld [tilespmem:s20+$0xFFFFFF20];
	[tilespmem:s8+$0xFFFFFFA0] =	vst v0;
	v0 =	vshll.u32 v7, $0x10  }
0x239: {  	v2 =	vadd.f32 v6, v2;
	v13 =	vld [tilespmem:s9+$0xFFFFFF20];
	[tilespmem:s8+$0xFFFFFFB0] =	vst v4;
	v4 =	vand.u32 $0xFFFF0000, v7;
	v6 =	vand.u32 $0xFFFF0000, v1  }
0x23a: {  	v7 =	vld [tilespmem:s20+$0xFFFFFFA0];
	[tilespmem:s8+$0x20] =	vst v3;
	v3 =	vshll.u32 v12, $0x10;
	v12 =	vand.u32 $0xFFFF0000, v12;
	v4 =	vadd.f32 v6, v4  }
0x23b: {  	v6 =	vshll.u32 v15, $0x10;
	v14 =	vld [tilespmem:s9+$0xFFFFFFA0];
	[tilespmem:s8+$0x30] =	vst v5;
	v5 =	vadd.f32 v10, v11;
	v3 =	vadd.f32 v3, v9  }
0x23c: {  	v10 =	vand.u32 $0xFFFF0000, v15;
	v12 =	vadd.f32 v12, v16;
	v9 =	vshll.u32 v8, $0x10;
	v11 =	vld [tilespmem:s20+$0xFFFFFFE0];
	[tilespmem:s8+$0x1F0] =	vst v4  }
0x23d: {  	v8 =	vand.u32 $0xFFFF0000, v8;
	v4 =	vshll.u32 v17, $0x10;
	v15 =	vand.u32 $0xFFFF0000, v17;
	v16 =	vld [tilespmem:s9+$0xFFFFFFE0];
	[tilespmem:s8+$0xA0] =	vst v2  }
0x23e: {  	v6 =	vadd.f32 v9, v6;
	v2 =	vshll.u32 v13, $0x10;
	v13 =	vand.u32 $0xFFFF0000, v13;
	v9 =	vld [tilespmem:s20+$0x20];
	[tilespmem:s8+$0xB0] =	vst v5  }
0x23f: {  	v2 =	vadd.f32 v2, v4;
	v4 =	vshll.u32 v7, $0x10;
	v5 =	vand.u32 $0xFFFF0000, v7;
	v7 =	vld [tilespmem:s9+$0x20];
	[tilespmem:s8+$0x120] =	vst v3  }
0x240: {  	v3 =	vadd.f32 v13, v15;
	v13 =	vshll.u32 v14, $0x10;
	v14 =	vand.u32 $0xFFFF0000, v14;
	v15 =	vld [tilespmem:s20+$0x60];
	[tilespmem:s8+$0x130] =	vst v12  }
0x241: {  	[tilespmem:s8+$0xFFFFFE40] =	vst v2;
	v2 =	vadd.f32 v8, v10;
	v8 =	vshll.u32 v11, $0x10;
	v10 =	vand.u32 $0xFFFF0000, v11;
	v11 =	vld [tilespmem:s9+$0x60]  }
0x242: {  	[tilespmem:s8+$0xFFFFFE50] =	vst v3;
	v3 =	vadd.f32 v13, v4;
	v4 =	vshll.u32 v16, $0x10;
	v12 =	vand.u32 $0xFFFF0000, v16;
	v13 =	vld [tilespmem:s20+$0xA0]  }
0x243: {  	v5 =	vadd.f32 v14, v5;
	[tilespmem:s8+$0xFFFFFEC0] =	vst v6;
	v6 =	vshll.u32 v9, $0x10;
	v9 =	vand.u32 $0xFFFF0000, v9;
	v14 =	vld [tilespmem:s9+$0xA0]  }
0x244: {  	v16 =	vld [tilespmem:s20+$0xFFFFFF30];
	[tilespmem:s8+$0xFFFFFED0] =	vst v2;
	v2 =	vadd.f32 v4, v8;
	v4 =	vshll.u32 v7, $0x10;
	v7 =	vand.u32 $0xFFFF0000, v7  }
0x245: {  	v8 =	vld [tilespmem:s9+$0xFFFFFF30];
	[tilespmem:s8+$0xFFFFFF40] =	vst v3;
	v3 =	vadd.f32 v12, v10;
	v10 =	vshll.u32 v15, $0x10;
	v12 =	vand.u32 $0xFFFF0000, v15  }
0x246: {  	v4 =	vadd.f32 v4, v6;
	v15 =	vld [tilespmem:s20+$0xFFFFFF70];
	[tilespmem:s8+$0xFFFFFF50] =	vst v5;
	v5 =	vshll.u32 v11, $0x10;
	v6 =	vand.u32 $0xFFFF0000, v11  }
0x247: {  	v11 =	vld [tilespmem:s9+$0xFFFFFF70];
	[tilespmem:s8+$0xFFFFFFC0] =	vst v2;
	v2 =	vadd.f32 v7, v9;
	v7 =	vshll.u32 v13, $0x10;
	v9 =	vand.u32 $0xFFFF0000, v13  }
0x248: {  	v13 =	vld [tilespmem:s20+$0xFFFFFFB0];
	[tilespmem:s8+$0xFFFFFFD0] =	vst v3;
	v3 =	vadd.f32 v5, v10;
	v5 =	vshll.u32 v14, $0x10;
	v10 =	vand.u32 $0xFFFF0000, v14  }
0x249: {  	v14 =	vshll.u32 v16, $0x10;
	v17 =	vld [tilespmem:s9+$0xFFFFFFB0];
	[tilespmem:s8+$0x40] =	vst v4;
	v4 =	vadd.f32 v6, v12;
	v5 =	vadd.f32 v5, v7  }
0x24a: {  	v7 =	vand.u32 $0xFFFF0000, v16;
	v9 =	vadd.f32 v10, v9;
	v6 =	vshll.u32 v8, $0x10;
	v12 =	vld [tilespmem:s20+$0xFFFFFFF0];
	[tilespmem:s8+$0x50] =	vst v2  }
0x24b: {  	v2 =	vand.u32 $0xFFFF0000, v8;
	v8 =	vshll.u32 v15, $0x10;
	v10 =	vand.u32 $0xFFFF0000, v15;
	v15 =	vld [tilespmem:s9+$0xFFFFFFF0];
	[tilespmem:s8+$0xC0] =	vst v3  }
0x24c: {  	v1 =	vshll.u32 v1, $0x10;
	v3 =	vshll.u32 v11, $0x10;
	v11 =	vand.u32 $0xFFFF0000, v11;
	v16 =	vld [tilespmem:s20+$0x30];
	[tilespmem:s8+$0xD0] =	vst v4  }
0x24d: {  	v4 =	vadd.f32 v6, v14;
	v14 =	vshll.u32 v13, $0x10;
	v13 =	vand.u32 $0xFFFF0000, v13;
	v18 =	vld [tilespmem:s9+$0x30];
	[tilespmem:s8+$0x140] =	vst v5  }
.Ltmp7:
0x24e: {  	v5 =	vadd.f32 v2, v7;
	v7 =	vshll.u32 v17, $0x10;
	v17 =	vand.u32 $0xFFFF0000, v17;
	v2 =	vld [tilespmem:s20+$0x70];
	[tilespmem:s8+$0x150] =	vst v9;
	(pc) =	sbr.rel @p0 .LBB2_12-.Ltmp7, $4  }
0x24f: {  	v19 =	vadd.f32 v3, v8;
	[tilespmem:s8+$0xFFFFFE60] =	vst v4;
	v8 =	vshll.u32 v12, $0x10;
	v6 =	vand.u32 $0xFFFF0000, v12;
	v4 =	vld [tilespmem:s9+$0x70]  }
0x250: {  	v11 =	vadd.f32 v11, v10;
	[tilespmem:s8+$0xFFFFFE70] =	vst v5;
	v12 =	vshll.u32 v15, $0x10;
	v9 =	vand.u32 $0xFFFF0000, v15;
	v3 =	vld [tilespmem:s20+$0xB0]  }
0x251: {  	v14 =	vadd.f32 v7, v14;
	[tilespmem:s8+$0xFFFFFEE0] =	vst v19;
	v10 =	vshll.u32 v16, $0x10;
	v7 =	vand.u32 $0xFFFF0000, v16;
	v5 =	vld [tilespmem:s9+$0xB0]  }
0x252: {  	v15 =	vadd.f32 v17, v13;
	s20 =	sadd.s32 $0x200, s20;
	[tilespmem:s8+$0xFFFFFEF0] =	vst v11;
	v13 =	vshll.u32 v18, $0x10;
	v11 =	vand.u32 $0xFFFF0000, v18  }
0x253: {  	[tilespmem:s8+$0xFFFFFF60] =	vst v14;
	v8 =	vadd.f32 v12, v8  }
0x254: {  	v6 =	vadd.f32 v9, v6;
	[tilespmem:s8+$0xFFFFFF70] =	vst v15  }
0x255: {  	v52 =	vadd.f32 v13, v10;
	[tilespmem:s8+$0xFFFFFFE0] =	vst v8  }
0x256: {  	v55 =	vadd.f32 v11, v7;
	[tilespmem:s8+$0xFFFFFFF0] =	vst v6  }
0x257: {  	v53 =	vshll.u32 v2, $0x10;
	v0 =	vadd.f32 v1, v0;
	v54 =	vshll.u32 v4, $0x10;
	[tilespmem:s8+$0x60] =	vst v52  }
0x258: {  	v56 =	vand.u32 $0xFFFF0000, v2;
	v57 =	vand.u32 $0xFFFF0000, v4;
	v58 =	vadd.f32 v54, v53;
	[tilespmem:s8+$0x70] =	vst v55  }
0x259: {  	v59 =	vshll.u32 v3, $0x10;
	v2 =	vadd.f32 v57, v56;
	[tilespmem:s10+$0x1E0] =	vst v0;
	v60 =	vshll.u32 v5, $0x10  }
0x25a: {  	v61 =	vand.u32 $0xFFFF0000, v3;
	v62 =	vand.u32 $0xFFFF0000, v5;
	v63 =	vadd.f32 v60, v59;
	[tilespmem:s8+$0xE0] =	vst v58  }
0x25b: {  	s20 =	sadd.s32 s4, s26;
	v3 =	vadd.f32 v62, v61;
	[tilespmem:s8+$0xF0] =	vst v2  }
0x25c: {  	s8 =	sshll.u32 s20, $0x4;
	[tilespmem:s10+$0x160] =	vst v63  }
0x25d: {  	s8 =	sadd.s32 s2, s8;
	[tilespmem:s10+$0x170] =	vst v3  }
0x25e: {  	[hbm4b:s8+s3] =	stream.linear.scatter [tilespmem:s30], [sflag:$0x7], $0x4000, $0x38;
	[tilespmem:$0x1A710] =	vst v63  }
.Ltmp8:
0x25f: {  	_ = 	snop;
	(pc) =	sbr.rel .LBB2_2-.Ltmp8, $4  }
0x260: {  	s22 =	sadd.s32 $0x100, s26  }
0x261: {  	[tilespmem:s13], [sflag:$0x3] =	stream.indirect.gather [hbm4b:s6+s31], $0x40, s22, s31, $0xb8;
	[tilespmem:$0x1A710] =	vst v63  }
0x262: {  	s26 =	sadd.s32 $0x1488, s26;
	s25 =	sadd.s32 $0x1, s25  }
0x263: {  	[tilespmem:s23], [sflag:$0x6] =	stream.indirect.gather [hbm4b:s7+s31], $0x40, s26, s31, $0xb8;
	[tilespmem:$0x1A710] =	vst v63  }
.LBB2_15:
0x264: {  	_ =	sfence.sel $0x180000  }
0x265: {  	[bflag:$0x0] =	sbarrier.arrive $0xFFFF  }
0x266: {  	_ =	strace $0x90000047  }
0x267: {  	s0 =	stileid.u32;
	[bflag:$0x2] =	sbarrier.arrive $0xFFFF  }
0x268: {  	p0 =	sne.s32 s0, $0x0;
	s0 =	rddreg [dreg:$0x4]  }
0x269: {  	s0 =	sadd.s32 @!p0 $0x100000, s0  }
0x26a: {  	[sflag:s0] =	ssyncadd.tile.s32 @!p0 $0x1;
	_ =	shalt  }
.Lfunc_end2:
_tile_overlayer_lowered:
.L_overlay_start_2:
0x26b: {  	(tag) =	ssettag $0x2  }
0x26c: {  	s0 =	rddreg [dreg:$0x0];
	s2 =	stileid.u32  }
0x26d: {  	s1 =	rddreg [dreg:$0x1];
	p0 =	sne.s32 s2, $0x0  }
0x26e: {  	s3 =	rddreg [dreg:$0x2];
	[bflag:$0x3] =	sbarrier.arrive $0xFFFF;
	s2 =	simm.s32 @!p0 $0x1C0A  }
0x26f: {  	[timem:s3], [sflag:s2] =	dma.local @!p0 [hbm:s0], s1  }
0x270: {  	s0 =	simm.s32 @!p0 $0xA  }
0x271: {  	_ =	swait.ge @!p0 [sflag:s0], s1  }
0x272: {  	s1 =	ssub.s32 @!p0 $0x0, s1;
	[sflag:s0] =	ssyncset.done @!p0 $0x0  }
0x273: {  	[sflag:s0] =	ssyncadd.s32 @!p0 s1  }
0x274: {  	[bflag:$0x3] =	sbarrier.arrive $0xFFFF  }
0x275: {  	_ =	shalt  }

</sc_bundles>
